<compile_context>
chip_gen: v7x
topology: tpu7x:2x2x1
jax: 0.10.2.dev20260603
libtpu: 0.0.44.dev20260713+nightly
codegen_flags: <defaults>
</compile_context>

<pallas_src>
import functools

import jax
import jax.numpy as jnp
from jax import lax
from jax.experimental import pallas as pl
from jax.experimental.pallas import tpu as pltpu
from jax.experimental.pallas import tpu_sc as plsc

N = 10000
E = 160000
HID = 256
HALF = 128
BN_EPS = 1e-5

BLK = 1000
NBLK = N // BLK

CHUNK = 64
NSUB = 16
NCHUNK_SUB = 160
NCHUNK_TOTAL = NSUB * NCHUNK_SUB
E_PAD = NCHUNK_TOTAL * CHUNK
EDGES_SUB = NCHUNK_SUB * CHUNK
ROWS_SUB = 632
AGG_ROWS = NSUB * ROWS_SUB
LAST_ROWS = N - 15 * ROWS_SUB


def _proj_body(x_ref, wp_ref, bp_ref, ha_ref, hb_ref):
    h = jnp.dot(x_ref[...].astype(jnp.bfloat16), wp_ref[...],
                preferred_element_type=jnp.float32)
    h = jnp.maximum(h + bp_ref[...], 0.0)
    ha_ref[...] = h[:, :HALF]
    hb_ref[...] = h[:, HALF:]


def _proj(x, Wp, bp2):
    return pl.pallas_call(
        _proj_body,
        grid=(NBLK,),
        in_specs=[
            pl.BlockSpec((BLK, HID), lambda i: (i, 0)),
            pl.BlockSpec((HID, HID), lambda i: (0, 0)),
            pl.BlockSpec((1, HID), lambda i: (0, 0)),
        ],
        out_specs=[
            pl.BlockSpec((BLK, HALF), lambda i: (i, 0)),
            pl.BlockSpec((BLK, HALF), lambda i: (i, 0)),
        ],
        out_shape=[
            jax.ShapeDtypeStruct((N, HALF), jnp.float32),
            jax.ShapeDtypeStruct((N, HALF), jnp.float32),
        ],
    )(x, Wp, bp2)


def _segsum_body(ha, hb, srcr, dstr, zr, agga, aggb,
                 srcf, dpage, *rest):
    rows = rest[0:4]
    aggsh = rest[4]
    sg = rest[5:9]
    ss = rest[9:13]
    c = lax.axis_index("c")
    s = lax.axis_index("s")

    pltpu.sync_copy(zr, aggsh.at[pl.ds(s * ROWS_SUB, ROWS_SUB)])

    plsc.subcore_barrier()

    pltpu.sync_copy(srcr.at[pl.ds(s * EDGES_SUB, EDGES_SUB)], srcf)

    def gat_start(chunk, buf, sem_):
        idx = srcf.at[pl.ds(chunk * CHUNK, CHUNK)]

        @pl.when(c == 0)
        def _():
            pltpu.async_copy(ha.at[idx], buf, sem_)

        @pl.when(c == 1)
        def _():
            pltpu.async_copy(hb.at[idx], buf, sem_)

    def gat_wait(chunk, buf, sem_):
        pltpu.make_async_copy(
            ha.at[srcf.at[pl.ds(chunk * CHUNK, CHUNK)]], buf, sem_).wait()

    def sca_start(t, buf, sem_):
        pltpu.async_copy(buf, aggsh.at[dpage.at[t]], sem_, add=True)

    def sca_wait(buf, sem_):
        pltpu.make_async_copy(buf, aggsh.at[dpage.at[0]], sem_).wait()

    gat_start(0, rows[0], sg[0])
    gat_start(1, rows[1], sg[1])
    gat_start(2, rows[2], sg[2])

    @pl.loop(0, NCHUNK_SUB, step=4)
    def _(k):
        t0 = jnp.bitwise_and(k, 7)

        @pl.when(t0 == 0)
        def _():
            km = pl.multiple_of(k, 8)
            pltpu.sync_copy(dstr.at[pl.ds(s * NCHUNK_SUB + km, 8)], dpage)

        for t in range(4):
            j = k + t
            gat_wait(j, rows[t], sg[t])
            sca_start(t0 + t, rows[t], ss[t])
            tp = (t + 3) % 4

            @pl.when(j >= 1)
            def _():
                sca_wait(rows[tp], ss[tp])

            @pl.when(j < NCHUNK_SUB - 3)
            def _():
                gat_start(j + 3, rows[tp], sg[tp])

    sca_wait(rows[3], ss[3])

    plsc.subcore_barrier()

    @pl.when(jnp.logical_and(c == 0, s < 15))
    def _():
        pltpu.sync_copy(aggsh.at[pl.ds(s * ROWS_SUB, ROWS_SUB)],
                        agga.at[pl.ds(s * ROWS_SUB, ROWS_SUB)])

    @pl.when(jnp.logical_and(c == 0, s == 15))
    def _():
        pltpu.sync_copy(aggsh.at[pl.ds(15 * ROWS_SUB, LAST_ROWS)],
                        agga.at[pl.ds(15 * ROWS_SUB, LAST_ROWS)])

    @pl.when(jnp.logical_and(c == 1, s < 15))
    def _():
        pltpu.sync_copy(aggsh.at[pl.ds(s * ROWS_SUB, ROWS_SUB)],
                        aggb.at[pl.ds(s * ROWS_SUB, ROWS_SUB)])

    @pl.when(jnp.logical_and(c == 1, s == 15))
    def _():
        pltpu.sync_copy(aggsh.at[pl.ds(15 * ROWS_SUB, LAST_ROWS)],
                        aggb.at[pl.ds(15 * ROWS_SUB, LAST_ROWS)])


def _segsum(ha, hb, src2d, dst2d, zeros_init):
    mesh = plsc.VectorSubcoreMesh(core_axis_name="c", subcore_axis_name="s")
    f = pl.kernel(
        _segsum_body,
        mesh=mesh,
        out_type=[
            jax.ShapeDtypeStruct((N, HALF), jnp.float32),
            jax.ShapeDtypeStruct((N, HALF), jnp.float32),
        ],
        scratch_types=[
            pltpu.VMEM((EDGES_SUB,), jnp.int32),
            pltpu.VMEM((8, CHUNK), jnp.int32),
        ]
        + [pltpu.VMEM((CHUNK, HALF), jnp.float32)] * 4
        + [pltpu.VMEM_SHARED((AGG_ROWS, HALF), jnp.float32)]
        + [pltpu.SemaphoreType.DMA] * 8,
    )
    return f(ha, hb, src2d, dst2d, zeros_init)


def _mlpbn_common(p, j, ha_ref, hb_ref, aa_ref, ab_ref, w1_ref, b1_ref,
                  w2_ref, b2_ref, g_ref, be_ref, y_scr, sm_scr, sq_scr):
    @pl.when(p == 0)
    def _():
        z = jnp.concatenate(
            [ha_ref[...] + aa_ref[...], hb_ref[...] + ab_ref[...]], axis=1)
        t = jnp.dot(z.astype(jnp.bfloat16), w1_ref[...],
                    preferred_element_type=jnp.float32)
        t = jnp.maximum(t + b1_ref[...], 0.0)
        y = jnp.dot(t.astype(jnp.bfloat16), w2_ref[...],
                    preferred_element_type=jnp.float32)
        y = y + b2_ref[...]
        y_scr[j] = y
        ps = jnp.sum(y, axis=0, keepdims=True)
        pq = jnp.sum(y * y, axis=0, keepdims=True)

        @pl.when(j == 0)
        def _():
            sm_scr[...] = ps
            sq_scr[...] = pq

        @pl.when(j > 0)
        def _():
            sm_scr[...] += ps
            sq_scr[...] += pq

    mean = sm_scr[...] * (1.0 / N)
    var = sq_scr[...] * (1.0 / N) - mean * mean
    inv = g_ref[...] / jnp.sqrt(var + BN_EPS)
    return jnp.maximum((y_scr[j] - mean) * inv + be_ref[...], 0.0)


def _mlpbn_mid_body(ha_ref, hb_ref, aa_ref, ab_ref, w1_ref, b1_ref, w2_ref,
                    b2_ref, g_ref, be_ref, hao_ref, hbo_ref,
                    y_scr, sm_scr, sq_scr):
    p = pl.program_id(0)
    j = pl.program_id(1)
    h = _mlpbn_common(p, j, ha_ref, hb_ref, aa_ref, ab_ref, w1_ref, b1_ref,
                      w2_ref, b2_ref, g_ref, be_ref, y_scr, sm_scr, sq_scr)

    @pl.when(p == 1)
    def _():
        hao_ref[...] = h[:, :HALF]
        hbo_ref[...] = h[:, HALF:]


def _mlpbn_final_body(ha_ref, hb_ref, aa_ref, ab_ref, w1_ref, b1_ref, w2_ref,
                      b2_ref, g_ref, be_ref, h0a_ref, h0b_ref, out_ref,
                      y_scr, sm_scr, sq_scr):
    p = pl.program_id(0)
    j = pl.program_id(1)
    h = _mlpbn_common(p, j, ha_ref, hb_ref, aa_ref, ab_ref, w1_ref, b1_ref,
                      w2_ref, b2_ref, g_ref, be_ref, y_scr, sm_scr, sq_scr)

    @pl.when(p == 1)
    def _():
        res = jnp.concatenate([h0a_ref[...], h0b_ref[...]], axis=1)
        out_ref[...] = h + res


def _p0_blk(p, j):
    return ((1 - p) * j, 0)


def _p1_blk(p, j):
    return (p * j, 0)


def _whole(p, j):
    return (0, 0)


_COMMON_SPECS = [
    pl.BlockSpec((BLK, HALF), _p0_blk),
    pl.BlockSpec((BLK, HALF), _p0_blk),
    pl.BlockSpec((BLK, HALF), _p0_blk),
    pl.BlockSpec((BLK, HALF), _p0_blk),
    pl.BlockSpec((HID, HID), _whole),
    pl.BlockSpec((1, HID), _whole),
    pl.BlockSpec((HID, HID), _whole),
    pl.BlockSpec((1, HID), _whole),
    pl.BlockSpec((1, HID), _whole),
    pl.BlockSpec((1, HID), _whole),
]

_SCRATCH = [
    pltpu.VMEM((NBLK, BLK, HID), jnp.float32),
    pltpu.VMEM((1, HID), jnp.float32),
    pltpu.VMEM((1, HID), jnp.float32),
]


def _mlpbn_mid(ha, hb, aa, ab, W1, b12, W2, b22, g2, be2):
    return pl.pallas_call(
        _mlpbn_mid_body,
        grid=(2, NBLK),
        in_specs=_COMMON_SPECS,
        out_specs=[
            pl.BlockSpec((BLK, HALF), lambda p, j: (j, 0)),
            pl.BlockSpec((BLK, HALF), lambda p, j: (j, 0)),
        ],
        out_shape=[
            jax.ShapeDtypeStruct((N, HALF), jnp.float32),
            jax.ShapeDtypeStruct((N, HALF), jnp.float32),
        ],
        scratch_shapes=_SCRATCH,
    )(ha, hb, aa, ab, W1, b12, W2, b22, g2, be2)


def _mlpbn_final(ha, hb, aa, ab, W1, b12, W2, b22, g2, be2, h0a, h0b):
    return pl.pallas_call(
        _mlpbn_final_body,
        grid=(2, NBLK),
        in_specs=_COMMON_SPECS + [
            pl.BlockSpec((BLK, HALF), _p1_blk),
            pl.BlockSpec((BLK, HALF), _p1_blk),
        ],
        out_specs=pl.BlockSpec((BLK, HID), lambda p, j: (j, 0)),
        out_shape=jax.ShapeDtypeStruct((N, HID), jnp.float32),
        scratch_shapes=_SCRATCH,
    )(ha, hb, aa, ab, W1, b12, W2, b22, g2, be2, h0a, h0b)


def kernel(x, edge_index, residual, Wp, bp, W1, b1, W2, b2, gamma, beta):
    npad = E_PAD - E
    pad_src = jnp.zeros((npad,), jnp.int32)
    pad_dst = N + (jnp.arange(npad, dtype=jnp.int32) % (AGG_ROWS - N))
    src2d = jnp.concatenate([edge_index[0], pad_src])
    dst2d = jnp.concatenate([edge_index[1], pad_dst]).reshape(
        NCHUNK_TOTAL, CHUNK)
    zeros_init = jnp.zeros((ROWS_SUB, HALF), jnp.float32)
    Wp = Wp.astype(jnp.bfloat16)
    W1 = W1.astype(jnp.bfloat16)
    W2 = W2.astype(jnp.bfloat16)
    bp2 = bp.reshape(1, HID)
    b12 = b1.reshape(1, HID)
    b22 = b2.reshape(1, HID)
    g2 = gamma.reshape(1, HID)
    be2 = beta.reshape(1, HID)

    ha0, hb0 = _proj(x, Wp, bp2)
    ha, hb = ha0, hb0

    aa, ab = _segsum(ha, hb, src2d, dst2d, zeros_init)
    ha, hb = _mlpbn_mid(ha, hb, aa, ab, W1, b12, W2, b22, g2, be2)

    aa, ab = _segsum(ha, hb, src2d, dst2d, zeros_init)
    return _mlpbn_final(ha, hb, aa, ab, W1, b12, W2, b22, g2, be2, ha0, hb0)

# --- scband reference (transcript-rebuilt; emitter-appended) ---
"""Pipeline reference for scband-ginconv-block-52974126629552 (READ-ONLY COPY).

The authoritative reference and input builder live on the scoring server;
editing this copy changes nothing except your own understanding.
"""

import jax, jax.numpy as jnp
import numpy as np

N = 10000
E = 160000
IN_DIM = 256
HID = 256
NUM_CONVS = 2
BN_EPS = 1e-5
GIN_EPS = 0.0


def setup_inputs(seed: int = 0) -> dict:
    key = jax.random.key(seed)
    ks = jax.random.split(key, 12)
    inp = {}
    inp['x'] = jax.random.normal(ks[0], (N, IN_DIM), dtype=jnp.float32)
    inp['edge_index'] = jax.random.randint(ks[1], (2, E), 0, N, dtype=jnp.int32)
    inp['residual'] = jax.random.normal(ks[2], (N, HID), dtype=jnp.float32)
    # projection Linear(in_dim, hidden)
    inp['Wp'] = jax.random.normal(ks[3], (IN_DIM, HID), dtype=jnp.float32) * (1.0 / np.sqrt(IN_DIM))
    inp['bp'] = jnp.zeros((HID,), dtype=jnp.float32)
    # GIN MLP: Linear(hidden, hidden) -> act -> Linear(hidden, hidden)  (num_hidden_layers=1)
    inp['W1'] = jax.random.normal(ks[4], (HID, HID), dtype=jnp.float32) * (1.0 / np.sqrt(HID))
    inp['b1'] = jnp.zeros((HID,), dtype=jnp.float32)
    inp['W2'] = jax.random.normal(ks[5], (HID, HID), dtype=jnp.float32) * (1.0 / np.sqrt(HID))
    inp['b2'] = jnp.zeros((HID,), dtype=jnp.float32)
    # BatchNorm1d(hidden) affine params (training-mode batch stats)
    inp['gamma'] = jnp.ones((HID,), dtype=jnp.float32)
    inp['beta'] = jnp.zeros((HID,), dtype=jnp.float32)
    return inp


def reference(x, edge_index, residual, Wp, bp, W1, b1, W2, b2, gamma, beta):
    # projection: Linear + ReLU (+ Dropout p=0.0 -> identity)
    h = jnp.maximum(jnp.dot(x, Wp) + bp, 0.0)
    # residual arg is immediately overwritten in the original forward
    res = h
    src = edge_index[0]
    dst = edge_index[1]
    for _ in range(NUM_CONVS):
        # GINConv: aggregate sum of neighbor messages x_j (source -> target)
        msg = jnp.take(h, src, axis=0)
        agg = jax.ops.segment_sum(msg, dst, num_segments=N)
        z = (1.0 + GIN_EPS) * h + agg
        # GIN MLP
        z = jnp.dot(jnp.maximum(jnp.dot(z, W1) + b1, 0.0), W2) + b2
        # BatchNorm1d (training mode: batch statistics over nodes)
        mean = jnp.mean(z, axis=0)
        var = jnp.var(z, axis=0)
        z = (z - mean) / jnp.sqrt(var + BN_EPS) * gamma + beta
        # activation + dropout(0.0)
        h = jnp.maximum(z, 0.0)
    # residual connection
    return h + res

if __name__ == "__main__":
    import jax
    _d = setup_inputs()
    print(jax.jit(kernel)(*tuple(_d.values())))

</pallas_src>

<mosaic_0001>
#map = affine_map<(d0, d1) -> (0, 0)>
#map1 = affine_map<(d0, d1) -> (0)>
module attributes {stable_mosaic.version = 14 : i64} {
  func.func @_segsum_body(%arg0: i32, %arg1: i32, %arg2: memref<10000x128xf32, #tpu.memory_space<hbm>>, %arg3: memref<10000x128xf32, #tpu.memory_space<hbm>>, %arg4: memref<163840xi32, #tpu.memory_space<hbm>>, %arg5: memref<2560x64xi32, #tpu.memory_space<hbm>>, %arg6: memref<632x128xf32, #tpu.memory_space<hbm>>, %arg7: memref<10000x128xf32, #tpu.memory_space<hbm>>, %arg8: memref<10000x128xf32, #tpu.memory_space<hbm>>, %arg9: memref<10240xi32, #tpu.memory_space<vmem>>, %arg10: memref<8x64xi32, #tpu.memory_space<vmem>>, %arg11: memref<64x128xf32, #tpu.memory_space<vmem>>, %arg12: memref<64x128xf32, #tpu.memory_space<vmem>>, %arg13: memref<64x128xf32, #tpu.memory_space<vmem>>, %arg14: memref<64x128xf32, #tpu.memory_space<vmem>>, %arg15: memref<10112x128xf32, #tpu.memory_space<vmem_shared>>, %arg16: memref<!tpu.dma_semaphore, #tpu.memory_space<semaphore_mem>>, %arg17: memref<!tpu.dma_semaphore, #tpu.memory_space<semaphore_mem>>, %arg18: memref<!tpu.dma_semaphore, #tpu.memory_space<semaphore_mem>>, %arg19: memref<!tpu.dma_semaphore, #tpu.memory_space<semaphore_mem>>, %arg20: memref<!tpu.dma_semaphore, #tpu.memory_space<semaphore_mem>>, %arg21: memref<!tpu.dma_semaphore, #tpu.memory_space<semaphore_mem>>, %arg22: memref<!tpu.dma_semaphore, #tpu.memory_space<semaphore_mem>>, %arg23: memref<!tpu.dma_semaphore, #tpu.memory_space<semaphore_mem>>) attributes {dimension_semantics = [#tpu.dimension_semantics<core_parallel>, #tpu.dimension_semantics<subcore_parallel>], iteration_bounds = array<i64: 2, 16>, scalar_prefetch = 0 : i64, scratch_operands = 15 : i64, tpu.core_type = #tpu.core_type<sc_vector_subcore>, window_params = [{transform_indices = #map}, {transform_indices = #map}, {transform_indices = #map1}, {transform_indices = #map}, {transform_indices = #map}, {transform_indices = #map}, {transform_indices = #map}]} {
    %mul3A = arith.constant 632 : i32
    %mul3A_0 = arith.muli %arg1, %mul3A : i32
    "tpu.region"() ({
      %run_scoped3A = tpu.sem_alloc : memref<!tpu.dma_semaphore, #tpu.memory_space<semaphore_mem>>
      %dma_start3A = arith.constant 0 : i32
      %dma_start3A_71 = tpu.memref_slice %arg15[%mul3A_0, %dma_start3A] : memref<10112x128xf32, #tpu.memory_space<vmem_shared>> -> memref<632x128xf32, #tpu.memory_space<vmem_shared>>
      tpu.enqueue_dma source(%arg6 : memref<632x128xf32, #tpu.memory_space<hbm>>) target(%dma_start3A_71 : memref<632x128xf32, #tpu.memory_space<vmem_shared>>) target_semaphore(%run_scoped3A : memref<!tpu.dma_semaphore, #tpu.memory_space<semaphore_mem>>)
      %dma_wait3A_72 = arith.constant 0 : i32
      %dma_wait3A_73 = tpu.memref_slice %arg15[%mul3A_0, %dma_wait3A_72] : memref<10112x128xf32, #tpu.memory_space<vmem_shared>> -> memref<632x128xf32, #tpu.memory_space<vmem_shared>>
      tpu.wait_dma2 semaphore(%run_scoped3A : memref<!tpu.dma_semaphore, #tpu.memory_space<semaphore_mem>>) src(%arg6 : memref<632x128xf32, #tpu.memory_space<hbm>>) dst(%dma_wait3A_73 : memref<632x128xf32, #tpu.memory_space<vmem_shared>>)
      tpu.yield
    }) : () -> ()
    %barrier3A = arith.constant 0 : index
    tpu.barrier barrier_id(%barrier3A)
    %mul3A_1 = arith.constant 10240 : i32
    %mul3A_2 = arith.muli %arg1, %mul3A_1 : i32
    "tpu.region"() ({
      %run_scoped3A = tpu.sem_alloc : memref<!tpu.dma_semaphore, #tpu.memory_space<semaphore_mem>>
      %dma_start3A = tpu.memref_slice %arg4[%mul3A_2] : memref<163840xi32, #tpu.memory_space<hbm>> -> memref<10240xi32, #tpu.memory_space<hbm>>
      %dma_start3A_71 = tpu.memref_slice %arg4[%mul3A_2] : memref<163840xi32, #tpu.memory_space<hbm>> -> memref<10240xi32, #tpu.memory_space<hbm>>
      tpu.enqueue_dma source(%dma_start3A_71 : memref<10240xi32, #tpu.memory_space<hbm>>) target(%arg9 : memref<10240xi32, #tpu.memory_space<vmem>>) target_semaphore(%run_scoped3A : memref<!tpu.dma_semaphore, #tpu.memory_space<semaphore_mem>>)
      %dma_wait3A_72 = tpu.memref_slice %arg4[%mul3A_2] : memref<163840xi32, #tpu.memory_space<hbm>> -> memref<10240xi32, #tpu.memory_space<hbm>>
      %dma_wait3A_73 = tpu.memref_slice %arg4[%mul3A_2] : memref<163840xi32, #tpu.memory_space<hbm>> -> memref<10240xi32, #tpu.memory_space<hbm>>
      tpu.wait_dma2 semaphore(%run_scoped3A : memref<!tpu.dma_semaphore, #tpu.memory_space<semaphore_mem>>) src(%dma_wait3A_73 : memref<10240xi32, #tpu.memory_space<hbm>>) dst(%arg9 : memref<10240xi32, #tpu.memory_space<vmem>>)
      tpu.yield
    }) : () -> ()
    %eq3A = arith.constant 0 : i32
    %eq3A_3 = arith.cmpi eq, %arg0, %eq3A : i32
    %convert_element_type3A = arith.extui %eq3A_3 : i1 to i32
    %cond3A = arith.constant 0 : i32
    %cond3A_4 = arith.cmpi ne, %convert_element_type3A, %cond3A : i32
    scf.if %cond3A_4 {
      %dma_start3A = arith.constant 0 : i32
      %dma_start3A_71 = tpu.memref_slice %arg9[%dma_start3A] : memref<10240xi32, #tpu.memory_space<vmem>> -> memref<64xi32, #tpu.memory_space<vmem>>
      %dma_start3A_72 = arith.constant 0 : i32
      %dma_start3A_73 = arith.constant 0 : i32
      %dma_start3A_74 = tpu.memref_slice %arg2[%dma_start3A_72, %dma_start3A_73] : memref<10000x128xf32, #tpu.memory_space<hbm>> -> memref<10000x128xf32, #tpu.memory_space<hbm>>
      tpu.enqueue_indirect_dma source(%dma_start3A_74 : memref<10000x128xf32, #tpu.memory_space<hbm>>) target(%arg11 : memref<64x128xf32, #tpu.memory_space<vmem>>) offsets(%dma_start3A_71 : memref<64xi32, #tpu.memory_space<vmem>>) semaphore(%arg16 : memref<!tpu.dma_semaphore, #tpu.memory_space<semaphore_mem>>)
    } else {
    }
    %eq3A_5 = arith.constant 1 : i32
    %eq3A_6 = arith.cmpi eq, %arg0, %eq3A_5 : i32
    %convert_element_type3A_7 = arith.extui %eq3A_6 : i1 to i32
    %cond3A_8 = arith.constant 0 : i32
    %cond3A_9 = arith.cmpi ne, %convert_element_type3A_7, %cond3A_8 : i32
    scf.if %cond3A_9 {
      %dma_start3A = arith.constant 0 : i32
      %dma_start3A_71 = tpu.memref_slice %arg9[%dma_start3A] : memref<10240xi32, #tpu.memory_space<vmem>> -> memref<64xi32, #tpu.memory_space<vmem>>
      %dma_start3A_72 = arith.constant 0 : i32
      %dma_start3A_73 = arith.constant 0 : i32
      %dma_start3A_74 = tpu.memref_slice %arg3[%dma_start3A_72, %dma_start3A_73] : memref<10000x128xf32, #tpu.memory_space<hbm>> -> memref<10000x128xf32, #tpu.memory_space<hbm>>
      tpu.enqueue_indirect_dma source(%dma_start3A_74 : memref<10000x128xf32, #tpu.memory_space<hbm>>) target(%arg11 : memref<64x128xf32, #tpu.memory_space<vmem>>) offsets(%dma_start3A_71 : memref<64xi32, #tpu.memory_space<vmem>>) semaphore(%arg16 : memref<!tpu.dma_semaphore, #tpu.memory_space<semaphore_mem>>)
    } else {
    }
    %eq3A_10 = arith.constant 0 : i32
    %eq3A_11 = arith.cmpi eq, %arg0, %eq3A_10 : i32
    %convert_element_type3A_12 = arith.extui %eq3A_11 : i1 to i32
    %cond3A_13 = arith.constant 0 : i32
    %cond3A_14 = arith.cmpi ne, %convert_element_type3A_12, %cond3A_13 : i32
    scf.if %cond3A_14 {
      %dma_start3A = arith.constant 64 : i32
      %dma_start3A_71 = tpu.memref_slice %arg9[%dma_start3A] : memref<10240xi32, #tpu.memory_space<vmem>> -> memref<64xi32, #tpu.memory_space<vmem>>
      %dma_start3A_72 = arith.constant 0 : i32
      %dma_start3A_73 = arith.constant 0 : i32
      %dma_start3A_74 = tpu.memref_slice %arg2[%dma_start3A_72, %dma_start3A_73] : memref<10000x128xf32, #tpu.memory_space<hbm>> -> memref<10000x128xf32, #tpu.memory_space<hbm>>
      tpu.enqueue_indirect_dma source(%dma_start3A_74 : memref<10000x128xf32, #tpu.memory_space<hbm>>) target(%arg12 : memref<64x128xf32, #tpu.memory_space<vmem>>) offsets(%dma_start3A_71 : memref<64xi32, #tpu.memory_space<vmem>>) semaphore(%arg17 : memref<!tpu.dma_semaphore, #tpu.memory_space<semaphore_mem>>)
    } else {
    }
    %eq3A_15 = arith.constant 1 : i32
    %eq3A_16 = arith.cmpi eq, %arg0, %eq3A_15 : i32
    %convert_element_type3A_17 = arith.extui %eq3A_16 : i1 to i32
    %cond3A_18 = arith.constant 0 : i32
    %cond3A_19 = arith.cmpi ne, %convert_element_type3A_17, %cond3A_18 : i32
    scf.if %cond3A_19 {
      %dma_start3A = arith.constant 64 : i32
      %dma_start3A_71 = tpu.memref_slice %arg9[%dma_start3A] : memref<10240xi32, #tpu.memory_space<vmem>> -> memref<64xi32, #tpu.memory_space<vmem>>
      %dma_start3A_72 = arith.constant 0 : i32
      %dma_start3A_73 = arith.constant 0 : i32
      %dma_start3A_74 = tpu.memref_slice %arg3[%dma_start3A_72, %dma_start3A_73] : memref<10000x128xf32, #tpu.memory_space<hbm>> -> memref<10000x128xf32, #tpu.memory_space<hbm>>
      tpu.enqueue_indirect_dma source(%dma_start3A_74 : memref<10000x128xf32, #tpu.memory_space<hbm>>) target(%arg12 : memref<64x128xf32, #tpu.memory_space<vmem>>) offsets(%dma_start3A_71 : memref<64xi32, #tpu.memory_space<vmem>>) semaphore(%arg17 : memref<!tpu.dma_semaphore, #tpu.memory_space<semaphore_mem>>)
    } else {
    }
    %eq3A_20 = arith.constant 0 : i32
    %eq3A_21 = arith.cmpi eq, %arg0, %eq3A_20 : i32
    %convert_element_type3A_22 = arith.extui %eq3A_21 : i1 to i32
    %cond3A_23 = arith.constant 0 : i32
    %cond3A_24 = arith.cmpi ne, %convert_element_type3A_22, %cond3A_23 : i32
    scf.if %cond3A_24 {
      %dma_start3A = arith.constant 128 : i32
      %dma_start3A_71 = tpu.memref_slice %arg9[%dma_start3A] : memref<10240xi32, #tpu.memory_space<vmem>> -> memref<64xi32, #tpu.memory_space<vmem>>
      %dma_start3A_72 = arith.constant 0 : i32
      %dma_start3A_73 = arith.constant 0 : i32
      %dma_start3A_74 = tpu.memref_slice %arg2[%dma_start3A_72, %dma_start3A_73] : memref<10000x128xf32, #tpu.memory_space<hbm>> -> memref<10000x128xf32, #tpu.memory_space<hbm>>
      tpu.enqueue_indirect_dma source(%dma_start3A_74 : memref<10000x128xf32, #tpu.memory_space<hbm>>) target(%arg13 : memref<64x128xf32, #tpu.memory_space<vmem>>) offsets(%dma_start3A_71 : memref<64xi32, #tpu.memory_space<vmem>>) semaphore(%arg18 : memref<!tpu.dma_semaphore, #tpu.memory_space<semaphore_mem>>)
    } else {
    }
    %eq3A_25 = arith.constant 1 : i32
    %eq3A_26 = arith.cmpi eq, %arg0, %eq3A_25 : i32
    %convert_element_type3A_27 = arith.extui %eq3A_26 : i1 to i32
    %cond3A_28 = arith.constant 0 : i32
    %cond3A_29 = arith.cmpi ne, %convert_element_type3A_27, %cond3A_28 : i32
    scf.if %cond3A_29 {
      %dma_start3A = arith.constant 128 : i32
      %dma_start3A_71 = tpu.memref_slice %arg9[%dma_start3A] : memref<10240xi32, #tpu.memory_space<vmem>> -> memref<64xi32, #tpu.memory_space<vmem>>
      %dma_start3A_72 = arith.constant 0 : i32
      %dma_start3A_73 = arith.constant 0 : i32
      %dma_start3A_74 = tpu.memref_slice %arg3[%dma_start3A_72, %dma_start3A_73] : memref<10000x128xf32, #tpu.memory_space<hbm>> -> memref<10000x128xf32, #tpu.memory_space<hbm>>
      tpu.enqueue_indirect_dma source(%dma_start3A_74 : memref<10000x128xf32, #tpu.memory_space<hbm>>) target(%arg13 : memref<64x128xf32, #tpu.memory_space<vmem>>) offsets(%dma_start3A_71 : memref<64xi32, #tpu.memory_space<vmem>>) semaphore(%arg18 : memref<!tpu.dma_semaphore, #tpu.memory_space<semaphore_mem>>)
    } else {
    }
    %scan3A = arith.constant 0 : i32
    %scan3A_30 = arith.constant 40 : i32
    %scan3A_31 = arith.addi %scan3A, %scan3A_30 : i32
    %scan3A_32 = arith.constant 1 : i32
    scf.for %scan3A_71 = %scan3A to %scan3A_31 step %scan3A_32  : i32 {
      %mul3A_72 = arith.constant 4 : i32
      %mul3A_73 = arith.muli %scan3A_71, %mul3A_72 : i32
      %add3A = arith.constant 0 : i32
      %add3A_74 = arith.addi %add3A, %mul3A_73 : i32
      %and3A_75 = arith.constant 7 : i32
      %and3A_76 = arith.andi %add3A_74, %and3A_75 : i32
      %eq3A_77 = arith.constant 0 : i32
      %eq3A_78 = arith.cmpi eq, %and3A_76, %eq3A_77 : i32
      %convert_element_type3A_79 = arith.extui %eq3A_78 : i1 to i32
      %cond3A_80 = arith.constant 0 : i32
      %cond3A_81 = arith.cmpi ne, %convert_element_type3A_79, %cond3A_80 : i32
      scf.if %cond3A_81 {
        %multiple_of3A = tpu.assume_multiple %add3A_74, 8 : i32
        %mul3A_184 = arith.constant 160 : i32
        %mul3A_185 = arith.muli %arg1, %mul3A_184 : i32
        %add3A_186 = arith.addi %mul3A_185, %multiple_of3A : i32
        "tpu.region"() ({
          %run_scoped3A = tpu.sem_alloc : memref<!tpu.dma_semaphore, #tpu.memory_space<semaphore_mem>>
          %dma_start3A_187 = arith.constant 0 : i32
          %dma_start3A_188 = tpu.memref_slice %arg5[%add3A_186, %dma_start3A_187] : memref<2560x64xi32, #tpu.memory_space<hbm>> -> memref<8x64xi32, #tpu.memory_space<hbm>>
          %dma_start3A_189 = arith.constant 0 : i32
          %dma_start3A_190 = tpu.memref_slice %arg5[%add3A_186, %dma_start3A_189] : memref<2560x64xi32, #tpu.memory_space<hbm>> -> memref<8x64xi32, #tpu.memory_space<hbm>>
          tpu.enqueue_dma source(%dma_start3A_190 : memref<8x64xi32, #tpu.memory_space<hbm>>) target(%arg10 : memref<8x64xi32, #tpu.memory_space<vmem>>) target_semaphore(%run_scoped3A : memref<!tpu.dma_semaphore, #tpu.memory_space<semaphore_mem>>)
          %dma_wait3A_191 = arith.constant 0 : i32
          %dma_wait3A_192 = tpu.memref_slice %arg5[%add3A_186, %dma_wait3A_191] : memref<2560x64xi32, #tpu.memory_space<hbm>> -> memref<8x64xi32, #tpu.memory_space<hbm>>
          %dma_wait3A_193 = arith.constant 0 : i32
          %dma_wait3A_194 = tpu.memref_slice %arg5[%add3A_186, %dma_wait3A_193] : memref<2560x64xi32, #tpu.memory_space<hbm>> -> memref<8x64xi32, #tpu.memory_space<hbm>>
          tpu.wait_dma2 semaphore(%run_scoped3A : memref<!tpu.dma_semaphore, #tpu.memory_space<semaphore_mem>>) src(%dma_wait3A_194 : memref<8x64xi32, #tpu.memory_space<hbm>>) dst(%arg10 : memref<8x64xi32, #tpu.memory_space<vmem>>)
          tpu.yield
        }) : () -> ()
      } else {
      }
      %add3A_82 = arith.constant 0 : i32
      %add3A_83 = arith.addi %add3A_74, %add3A_82 : i32
      %mul3A_84 = arith.constant 64 : i32
      %mul3A_85 = arith.muli %add3A_83, %mul3A_84 : i32
      %dma_wait3A_86 = tpu.memref_slice %arg9[%mul3A_85] : memref<10240xi32, #tpu.memory_space<vmem>> -> memref<64xi32, #tpu.memory_space<vmem>>
      %dma_wait3A_87 = arith.constant 0 : i32
      %dma_wait3A_88 = arith.constant 0 : i32
      %dma_wait3A_89 = tpu.memref_slice %arg2[%dma_wait3A_87, %dma_wait3A_88] : memref<10000x128xf32, #tpu.memory_space<hbm>> -> memref<10000x128xf32, #tpu.memory_space<hbm>>
      tpu.wait_indirect_dma semaphore(%arg16 : memref<!tpu.dma_semaphore, #tpu.memory_space<semaphore_mem>>) src(%dma_wait3A_89 : memref<10000x128xf32, #tpu.memory_space<hbm>>) dst(%arg11 : memref<64x128xf32, #tpu.memory_space<vmem>>)
      %add3A_90 = arith.constant 0 : i32
      %add3A_91 = arith.addi %and3A_76, %add3A_90 : i32
      %dma_start3A = arith.constant 0 : i32
      %dma_start3A_92 = tpu.memref_slice %arg10[%add3A_91, %dma_start3A] : memref<8x64xi32, #tpu.memory_space<vmem>> -> memref<1x64xi32, #tpu.memory_space<vmem>>
      %dma_start3A_93 = tpu.memref_squeeze %dma_start3A_92 : memref<1x64xi32, #tpu.memory_space<vmem>> -> memref<64xi32, #tpu.memory_space<vmem>>
      %dma_start3A_94 = arith.constant 0 : i32
      %dma_start3A_95 = arith.constant 0 : i32
      %dma_start3A_96 = tpu.memref_slice %arg15[%dma_start3A_94, %dma_start3A_95] : memref<10112x128xf32, #tpu.memory_space<vmem_shared>> -> memref<10112x128xf32, #tpu.memory_space<vmem_shared>>
      tpu.enqueue_indirect_dma source(%arg11 : memref<64x128xf32, #tpu.memory_space<vmem>>) target(%dma_start3A_96 : memref<10112x128xf32, #tpu.memory_space<vmem_shared>>) offsets(%dma_start3A_93 : memref<64xi32, #tpu.memory_space<vmem>>) semaphore(%arg20 : memref<!tpu.dma_semaphore, #tpu.memory_space<semaphore_mem>>) {add = true}
      %ge3A = arith.constant 1 : i32
      %ge3A_97 = arith.cmpi sge, %add3A_83, %ge3A : i32
      %convert_element_type3A_98 = arith.extui %ge3A_97 : i1 to i32
      %cond3A_99 = arith.constant 0 : i32
      %cond3A_100 = arith.cmpi ne, %convert_element_type3A_98, %cond3A_99 : i32
      scf.if %cond3A_100 {
        %dma_wait3A_184 = arith.constant 0 : i32
        %dma_wait3A_185 = arith.constant 0 : i32
        %dma_wait3A_186 = tpu.memref_slice %arg10[%dma_wait3A_184, %dma_wait3A_185] : memref<8x64xi32, #tpu.memory_space<vmem>> -> memref<1x64xi32, #tpu.memory_space<vmem>>
        %dma_wait3A_187 = tpu.memref_squeeze %dma_wait3A_186 : memref<1x64xi32, #tpu.memory_space<vmem>> -> memref<64xi32, #tpu.memory_space<vmem>>
        %dma_wait3A_188 = arith.constant 0 : i32
        %dma_wait3A_189 = arith.constant 0 : i32
        %dma_wait3A_190 = tpu.memref_slice %arg15[%dma_wait3A_188, %dma_wait3A_189] : memref<10112x128xf32, #tpu.memory_space<vmem_shared>> -> memref<10112x128xf32, #tpu.memory_space<vmem_shared>>
        tpu.wait_indirect_dma semaphore(%arg23 : memref<!tpu.dma_semaphore, #tpu.memory_space<semaphore_mem>>) src(%arg14 : memref<64x128xf32, #tpu.memory_space<vmem>>) dst(%dma_wait3A_190 : memref<10112x128xf32, #tpu.memory_space<vmem_shared>>)
      } else {
      }
      %lt3A_101 = arith.constant 157 : i32
      %lt3A_102 = arith.cmpi slt, %add3A_83, %lt3A_101 : i32
      %convert_element_type3A_103 = arith.extui %lt3A_102 : i1 to i32
      %cond3A_104 = arith.constant 0 : i32
      %cond3A_105 = arith.cmpi ne, %convert_element_type3A_103, %cond3A_104 : i32
      scf.if %cond3A_105 {
        %add3A_184 = arith.constant 3 : i32
        %add3A_185 = arith.addi %add3A_83, %add3A_184 : i32
        %mul3A_186 = arith.constant 64 : i32
        %mul3A_187 = arith.muli %add3A_185, %mul3A_186 : i32
        %eq3A_188 = arith.constant 0 : i32
        %eq3A_189 = arith.cmpi eq, %arg0, %eq3A_188 : i32
        %convert_element_type3A_190 = arith.extui %eq3A_189 : i1 to i32
        %cond3A_191 = arith.constant 0 : i32
        %cond3A_192 = arith.cmpi ne, %convert_element_type3A_190, %cond3A_191 : i32
        scf.if %cond3A_192 {
          %dma_start3A_198 = tpu.memref_slice %arg9[%mul3A_187] : memref<10240xi32, #tpu.memory_space<vmem>> -> memref<64xi32, #tpu.memory_space<vmem>>
          %dma_start3A_199 = arith.constant 0 : i32
          %dma_start3A_200 = arith.constant 0 : i32
          %dma_start3A_201 = tpu.memref_slice %arg2[%dma_start3A_199, %dma_start3A_200] : memref<10000x128xf32, #tpu.memory_space<hbm>> -> memref<10000x128xf32, #tpu.memory_space<hbm>>
          tpu.enqueue_indirect_dma source(%dma_start3A_201 : memref<10000x128xf32, #tpu.memory_space<hbm>>) target(%arg14 : memref<64x128xf32, #tpu.memory_space<vmem>>) offsets(%dma_start3A_198 : memref<64xi32, #tpu.memory_space<vmem>>) semaphore(%arg19 : memref<!tpu.dma_semaphore, #tpu.memory_space<semaphore_mem>>)
        } else {
        }
        %eq3A_193 = arith.constant 1 : i32
        %eq3A_194 = arith.cmpi eq, %arg0, %eq3A_193 : i32
        %convert_element_type3A_195 = arith.extui %eq3A_194 : i1 to i32
        %cond3A_196 = arith.constant 0 : i32
        %cond3A_197 = arith.cmpi ne, %convert_element_type3A_195, %cond3A_196 : i32
        scf.if %cond3A_197 {
          %dma_start3A_198 = tpu.memref_slice %arg9[%mul3A_187] : memref<10240xi32, #tpu.memory_space<vmem>> -> memref<64xi32, #tpu.memory_space<vmem>>
          %dma_start3A_199 = arith.constant 0 : i32
          %dma_start3A_200 = arith.constant 0 : i32
          %dma_start3A_201 = tpu.memref_slice %arg3[%dma_start3A_199, %dma_start3A_200] : memref<10000x128xf32, #tpu.memory_space<hbm>> -> memref<10000x128xf32, #tpu.memory_space<hbm>>
          tpu.enqueue_indirect_dma source(%dma_start3A_201 : memref<10000x128xf32, #tpu.memory_space<hbm>>) target(%arg14 : memref<64x128xf32, #tpu.memory_space<vmem>>) offsets(%dma_start3A_198 : memref<64xi32, #tpu.memory_space<vmem>>) semaphore(%arg19 : memref<!tpu.dma_semaphore, #tpu.memory_space<semaphore_mem>>)
        } else {
        }
      } else {
      }
      %add3A_106 = arith.constant 1 : i32
      %add3A_107 = arith.addi %add3A_74, %add3A_106 : i32
      %mul3A_108 = arith.constant 64 : i32
      %mul3A_109 = arith.muli %add3A_107, %mul3A_108 : i32
      %dma_wait3A_110 = tpu.memref_slice %arg9[%mul3A_109] : memref<10240xi32, #tpu.memory_space<vmem>> -> memref<64xi32, #tpu.memory_space<vmem>>
      %dma_wait3A_111 = arith.constant 0 : i32
      %dma_wait3A_112 = arith.constant 0 : i32
      %dma_wait3A_113 = tpu.memref_slice %arg2[%dma_wait3A_111, %dma_wait3A_112] : memref<10000x128xf32, #tpu.memory_space<hbm>> -> memref<10000x128xf32, #tpu.memory_space<hbm>>
      tpu.wait_indirect_dma semaphore(%arg17 : memref<!tpu.dma_semaphore, #tpu.memory_space<semaphore_mem>>) src(%dma_wait3A_113 : memref<10000x128xf32, #tpu.memory_space<hbm>>) dst(%arg12 : memref<64x128xf32, #tpu.memory_space<vmem>>)
      %add3A_114 = arith.constant 1 : i32
      %add3A_115 = arith.addi %and3A_76, %add3A_114 : i32
      %dma_start3A_116 = arith.constant 0 : i32
      %dma_start3A_117 = tpu.memref_slice %arg10[%add3A_115, %dma_start3A_116] : memref<8x64xi32, #tpu.memory_space<vmem>> -> memref<1x64xi32, #tpu.memory_space<vmem>>
      %dma_start3A_118 = tpu.memref_squeeze %dma_start3A_117 : memref<1x64xi32, #tpu.memory_space<vmem>> -> memref<64xi32, #tpu.memory_space<vmem>>
      %dma_start3A_119 = arith.constant 0 : i32
      %dma_start3A_120 = arith.constant 0 : i32
      %dma_start3A_121 = tpu.memref_slice %arg15[%dma_start3A_119, %dma_start3A_120] : memref<10112x128xf32, #tpu.memory_space<vmem_shared>> -> memref<10112x128xf32, #tpu.memory_space<vmem_shared>>
      tpu.enqueue_indirect_dma source(%arg12 : memref<64x128xf32, #tpu.memory_space<vmem>>) target(%dma_start3A_121 : memref<10112x128xf32, #tpu.memory_space<vmem_shared>>) offsets(%dma_start3A_118 : memref<64xi32, #tpu.memory_space<vmem>>) semaphore(%arg21 : memref<!tpu.dma_semaphore, #tpu.memory_space<semaphore_mem>>) {add = true}
      %ge3A_122 = arith.constant 1 : i32
      %ge3A_123 = arith.cmpi sge, %add3A_107, %ge3A_122 : i32
      %convert_element_type3A_124 = arith.extui %ge3A_123 : i1 to i32
      %cond3A_125 = arith.constant 0 : i32
      %cond3A_126 = arith.cmpi ne, %convert_element_type3A_124, %cond3A_125 : i32
      scf.if %cond3A_126 {
        %dma_wait3A_184 = arith.constant 0 : i32
        %dma_wait3A_185 = arith.constant 0 : i32
        %dma_wait3A_186 = tpu.memref_slice %arg10[%dma_wait3A_184, %dma_wait3A_185] : memref<8x64xi32, #tpu.memory_space<vmem>> -> memref<1x64xi32, #tpu.memory_space<vmem>>
        %dma_wait3A_187 = tpu.memref_squeeze %dma_wait3A_186 : memref<1x64xi32, #tpu.memory_space<vmem>> -> memref<64xi32, #tpu.memory_space<vmem>>
        %dma_wait3A_188 = arith.constant 0 : i32
        %dma_wait3A_189 = arith.constant 0 : i32
        %dma_wait3A_190 = tpu.memref_slice %arg15[%dma_wait3A_188, %dma_wait3A_189] : memref<10112x128xf32, #tpu.memory_space<vmem_shared>> -> memref<10112x128xf32, #tpu.memory_space<vmem_shared>>
        tpu.wait_indirect_dma semaphore(%arg20 : memref<!tpu.dma_semaphore, #tpu.memory_space<semaphore_mem>>) src(%arg11 : memref<64x128xf32, #tpu.memory_space<vmem>>) dst(%dma_wait3A_190 : memref<10112x128xf32, #tpu.memory_space<vmem_shared>>)
      } else {
      }
      %lt3A_127 = arith.constant 157 : i32
      %lt3A_128 = arith.cmpi slt, %add3A_107, %lt3A_127 : i32
      %convert_element_type3A_129 = arith.extui %lt3A_128 : i1 to i32
      %cond3A_130 = arith.constant 0 : i32
      %cond3A_131 = arith.cmpi ne, %convert_element_type3A_129, %cond3A_130 : i32
      scf.if %cond3A_131 {
        %add3A_184 = arith.constant 3 : i32
        %add3A_185 = arith.addi %add3A_107, %add3A_184 : i32
        %mul3A_186 = arith.constant 64 : i32
        %mul3A_187 = arith.muli %add3A_185, %mul3A_186 : i32
        %eq3A_188 = arith.constant 0 : i32
        %eq3A_189 = arith.cmpi eq, %arg0, %eq3A_188 : i32
        %convert_element_type3A_190 = arith.extui %eq3A_189 : i1 to i32
        %cond3A_191 = arith.constant 0 : i32
        %cond3A_192 = arith.cmpi ne, %convert_element_type3A_190, %cond3A_191 : i32
        scf.if %cond3A_192 {
          %dma_start3A_198 = tpu.memref_slice %arg9[%mul3A_187] : memref<10240xi32, #tpu.memory_space<vmem>> -> memref<64xi32, #tpu.memory_space<vmem>>
          %dma_start3A_199 = arith.constant 0 : i32
          %dma_start3A_200 = arith.constant 0 : i32
          %dma_start3A_201 = tpu.memref_slice %arg2[%dma_start3A_199, %dma_start3A_200] : memref<10000x128xf32, #tpu.memory_space<hbm>> -> memref<10000x128xf32, #tpu.memory_space<hbm>>
          tpu.enqueue_indirect_dma source(%dma_start3A_201 : memref<10000x128xf32, #tpu.memory_space<hbm>>) target(%arg11 : memref<64x128xf32, #tpu.memory_space<vmem>>) offsets(%dma_start3A_198 : memref<64xi32, #tpu.memory_space<vmem>>) semaphore(%arg16 : memref<!tpu.dma_semaphore, #tpu.memory_space<semaphore_mem>>)
        } else {
        }
        %eq3A_193 = arith.constant 1 : i32
        %eq3A_194 = arith.cmpi eq, %arg0, %eq3A_193 : i32
        %convert_element_type3A_195 = arith.extui %eq3A_194 : i1 to i32
        %cond3A_196 = arith.constant 0 : i32
        %cond3A_197 = arith.cmpi ne, %convert_element_type3A_195, %cond3A_196 : i32
        scf.if %cond3A_197 {
          %dma_start3A_198 = tpu.memref_slice %arg9[%mul3A_187] : memref<10240xi32, #tpu.memory_space<vmem>> -> memref<64xi32, #tpu.memory_space<vmem>>
          %dma_start3A_199 = arith.constant 0 : i32
          %dma_start3A_200 = arith.constant 0 : i32
          %dma_start3A_201 = tpu.memref_slice %arg3[%dma_start3A_199, %dma_start3A_200] : memref<10000x128xf32, #tpu.memory_space<hbm>> -> memref<10000x128xf32, #tpu.memory_space<hbm>>
          tpu.enqueue_indirect_dma source(%dma_start3A_201 : memref<10000x128xf32, #tpu.memory_space<hbm>>) target(%arg11 : memref<64x128xf32, #tpu.memory_space<vmem>>) offsets(%dma_start3A_198 : memref<64xi32, #tpu.memory_space<vmem>>) semaphore(%arg16 : memref<!tpu.dma_semaphore, #tpu.memory_space<semaphore_mem>>)
        } else {
        }
      } else {
      }
      %add3A_132 = arith.constant 2 : i32
      %add3A_133 = arith.addi %add3A_74, %add3A_132 : i32
      %mul3A_134 = arith.constant 64 : i32
      %mul3A_135 = arith.muli %add3A_133, %mul3A_134 : i32
      %dma_wait3A_136 = tpu.memref_slice %arg9[%mul3A_135] : memref<10240xi32, #tpu.memory_space<vmem>> -> memref<64xi32, #tpu.memory_space<vmem>>
      %dma_wait3A_137 = arith.constant 0 : i32
      %dma_wait3A_138 = arith.constant 0 : i32
      %dma_wait3A_139 = tpu.memref_slice %arg2[%dma_wait3A_137, %dma_wait3A_138] : memref<10000x128xf32, #tpu.memory_space<hbm>> -> memref<10000x128xf32, #tpu.memory_space<hbm>>
      tpu.wait_indirect_dma semaphore(%arg18 : memref<!tpu.dma_semaphore, #tpu.memory_space<semaphore_mem>>) src(%dma_wait3A_139 : memref<10000x128xf32, #tpu.memory_space<hbm>>) dst(%arg13 : memref<64x128xf32, #tpu.memory_space<vmem>>)
      %add3A_140 = arith.constant 2 : i32
      %add3A_141 = arith.addi %and3A_76, %add3A_140 : i32
      %dma_start3A_142 = arith.constant 0 : i32
      %dma_start3A_143 = tpu.memref_slice %arg10[%add3A_141, %dma_start3A_142] : memref<8x64xi32, #tpu.memory_space<vmem>> -> memref<1x64xi32, #tpu.memory_space<vmem>>
      %dma_start3A_144 = tpu.memref_squeeze %dma_start3A_143 : memref<1x64xi32, #tpu.memory_space<vmem>> -> memref<64xi32, #tpu.memory_space<vmem>>
      %dma_start3A_145 = arith.constant 0 : i32
      %dma_start3A_146 = arith.constant 0 : i32
      %dma_start3A_147 = tpu.memref_slice %arg15[%dma_start3A_145, %dma_start3A_146] : memref<10112x128xf32, #tpu.memory_space<vmem_shared>> -> memref<10112x128xf32, #tpu.memory_space<vmem_shared>>
      tpu.enqueue_indirect_dma source(%arg13 : memref<64x128xf32, #tpu.memory_space<vmem>>) target(%dma_start3A_147 : memref<10112x128xf32, #tpu.memory_space<vmem_shared>>) offsets(%dma_start3A_144 : memref<64xi32, #tpu.memory_space<vmem>>) semaphore(%arg22 : memref<!tpu.dma_semaphore, #tpu.memory_space<semaphore_mem>>) {add = true}
      %ge3A_148 = arith.constant 1 : i32
      %ge3A_149 = arith.cmpi sge, %add3A_133, %ge3A_148 : i32
      %convert_element_type3A_150 = arith.extui %ge3A_149 : i1 to i32
      %cond3A_151 = arith.constant 0 : i32
      %cond3A_152 = arith.cmpi ne, %convert_element_type3A_150, %cond3A_151 : i32
      scf.if %cond3A_152 {
        %dma_wait3A_184 = arith.constant 0 : i32
        %dma_wait3A_185 = arith.constant 0 : i32
        %dma_wait3A_186 = tpu.memref_slice %arg10[%dma_wait3A_184, %dma_wait3A_185] : memref<8x64xi32, #tpu.memory_space<vmem>> -> memref<1x64xi32, #tpu.memory_space<vmem>>
        %dma_wait3A_187 = tpu.memref_squeeze %dma_wait3A_186 : memref<1x64xi32, #tpu.memory_space<vmem>> -> memref<64xi32, #tpu.memory_space<vmem>>
        %dma_wait3A_188 = arith.constant 0 : i32
        %dma_wait3A_189 = arith.constant 0 : i32
        %dma_wait3A_190 = tpu.memref_slice %arg15[%dma_wait3A_188, %dma_wait3A_189] : memref<10112x128xf32, #tpu.memory_space<vmem_shared>> -> memref<10112x128xf32, #tpu.memory_space<vmem_shared>>
        tpu.wait_indirect_dma semaphore(%arg21 : memref<!tpu.dma_semaphore, #tpu.memory_space<semaphore_mem>>) src(%arg12 : memref<64x128xf32, #tpu.memory_space<vmem>>) dst(%dma_wait3A_190 : memref<10112x128xf32, #tpu.memory_space<vmem_shared>>)
      } else {
      }
      %lt3A_153 = arith.constant 157 : i32
      %lt3A_154 = arith.cmpi slt, %add3A_133, %lt3A_153 : i32
      %convert_element_type3A_155 = arith.extui %lt3A_154 : i1 to i32
      %cond3A_156 = arith.constant 0 : i32
      %cond3A_157 = arith.cmpi ne, %convert_element_type3A_155, %cond3A_156 : i32
      scf.if %cond3A_157 {
        %add3A_184 = arith.constant 3 : i32
        %add3A_185 = arith.addi %add3A_133, %add3A_184 : i32
        %mul3A_186 = arith.constant 64 : i32
        %mul3A_187 = arith.muli %add3A_185, %mul3A_186 : i32
        %eq3A_188 = arith.constant 0 : i32
        %eq3A_189 = arith.cmpi eq, %arg0, %eq3A_188 : i32
        %convert_element_type3A_190 = arith.extui %eq3A_189 : i1 to i32
        %cond3A_191 = arith.constant 0 : i32
        %cond3A_192 = arith.cmpi ne, %convert_element_type3A_190, %cond3A_191 : i32
        scf.if %cond3A_192 {
          %dma_start3A_198 = tpu.memref_slice %arg9[%mul3A_187] : memref<10240xi32, #tpu.memory_space<vmem>> -> memref<64xi32, #tpu.memory_space<vmem>>
          %dma_start3A_199 = arith.constant 0 : i32
          %dma_start3A_200 = arith.constant 0 : i32
          %dma_start3A_201 = tpu.memref_slice %arg2[%dma_start3A_199, %dma_start3A_200] : memref<10000x128xf32, #tpu.memory_space<hbm>> -> memref<10000x128xf32, #tpu.memory_space<hbm>>
          tpu.enqueue_indirect_dma source(%dma_start3A_201 : memref<10000x128xf32, #tpu.memory_space<hbm>>) target(%arg12 : memref<64x128xf32, #tpu.memory_space<vmem>>) offsets(%dma_start3A_198 : memref<64xi32, #tpu.memory_space<vmem>>) semaphore(%arg17 : memref<!tpu.dma_semaphore, #tpu.memory_space<semaphore_mem>>)
        } else {
        }
        %eq3A_193 = arith.constant 1 : i32
        %eq3A_194 = arith.cmpi eq, %arg0, %eq3A_193 : i32
        %convert_element_type3A_195 = arith.extui %eq3A_194 : i1 to i32
        %cond3A_196 = arith.constant 0 : i32
        %cond3A_197 = arith.cmpi ne, %convert_element_type3A_195, %cond3A_196 : i32
        scf.if %cond3A_197 {
          %dma_start3A_198 = tpu.memref_slice %arg9[%mul3A_187] : memref<10240xi32, #tpu.memory_space<vmem>> -> memref<64xi32, #tpu.memory_space<vmem>>
          %dma_start3A_199 = arith.constant 0 : i32
          %dma_start3A_200 = arith.constant 0 : i32
          %dma_start3A_201 = tpu.memref_slice %arg3[%dma_start3A_199, %dma_start3A_200] : memref<10000x128xf32, #tpu.memory_space<hbm>> -> memref<10000x128xf32, #tpu.memory_space<hbm>>
          tpu.enqueue_indirect_dma source(%dma_start3A_201 : memref<10000x128xf32, #tpu.memory_space<hbm>>) target(%arg12 : memref<64x128xf32, #tpu.memory_space<vmem>>) offsets(%dma_start3A_198 : memref<64xi32, #tpu.memory_space<vmem>>) semaphore(%arg17 : memref<!tpu.dma_semaphore, #tpu.memory_space<semaphore_mem>>)
        } else {
        }
      } else {
      }
      %add3A_158 = arith.constant 3 : i32
      %add3A_159 = arith.addi %add3A_74, %add3A_158 : i32
      %mul3A_160 = arith.constant 64 : i32
      %mul3A_161 = arith.muli %add3A_159, %mul3A_160 : i32
      %dma_wait3A_162 = tpu.memref_slice %arg9[%mul3A_161] : memref<10240xi32, #tpu.memory_space<vmem>> -> memref<64xi32, #tpu.memory_space<vmem>>
      %dma_wait3A_163 = arith.constant 0 : i32
      %dma_wait3A_164 = arith.constant 0 : i32
      %dma_wait3A_165 = tpu.memref_slice %arg2[%dma_wait3A_163, %dma_wait3A_164] : memref<10000x128xf32, #tpu.memory_space<hbm>> -> memref<10000x128xf32, #tpu.memory_space<hbm>>
      tpu.wait_indirect_dma semaphore(%arg19 : memref<!tpu.dma_semaphore, #tpu.memory_space<semaphore_mem>>) src(%dma_wait3A_165 : memref<10000x128xf32, #tpu.memory_space<hbm>>) dst(%arg14 : memref<64x128xf32, #tpu.memory_space<vmem>>)
      %add3A_166 = arith.constant 3 : i32
      %add3A_167 = arith.addi %and3A_76, %add3A_166 : i32
      %dma_start3A_168 = arith.constant 0 : i32
      %dma_start3A_169 = tpu.memref_slice %arg10[%add3A_167, %dma_start3A_168] : memref<8x64xi32, #tpu.memory_space<vmem>> -> memref<1x64xi32, #tpu.memory_space<vmem>>
      %dma_start3A_170 = tpu.memref_squeeze %dma_start3A_169 : memref<1x64xi32, #tpu.memory_space<vmem>> -> memref<64xi32, #tpu.memory_space<vmem>>
      %dma_start3A_171 = arith.constant 0 : i32
      %dma_start3A_172 = arith.constant 0 : i32
      %dma_start3A_173 = tpu.memref_slice %arg15[%dma_start3A_171, %dma_start3A_172] : memref<10112x128xf32, #tpu.memory_space<vmem_shared>> -> memref<10112x128xf32, #tpu.memory_space<vmem_shared>>
      tpu.enqueue_indirect_dma source(%arg14 : memref<64x128xf32, #tpu.memory_space<vmem>>) target(%dma_start3A_173 : memref<10112x128xf32, #tpu.memory_space<vmem_shared>>) offsets(%dma_start3A_170 : memref<64xi32, #tpu.memory_space<vmem>>) semaphore(%arg23 : memref<!tpu.dma_semaphore, #tpu.memory_space<semaphore_mem>>) {add = true}
      %ge3A_174 = arith.constant 1 : i32
      %ge3A_175 = arith.cmpi sge, %add3A_159, %ge3A_174 : i32
      %convert_element_type3A_176 = arith.extui %ge3A_175 : i1 to i32
      %cond3A_177 = arith.constant 0 : i32
      %cond3A_178 = arith.cmpi ne, %convert_element_type3A_176, %cond3A_177 : i32
      scf.if %cond3A_178 {
        %dma_wait3A_184 = arith.constant 0 : i32
        %dma_wait3A_185 = arith.constant 0 : i32
        %dma_wait3A_186 = tpu.memref_slice %arg10[%dma_wait3A_184, %dma_wait3A_185] : memref<8x64xi32, #tpu.memory_space<vmem>> -> memref<1x64xi32, #tpu.memory_space<vmem>>
        %dma_wait3A_187 = tpu.memref_squeeze %dma_wait3A_186 : memref<1x64xi32, #tpu.memory_space<vmem>> -> memref<64xi32, #tpu.memory_space<vmem>>
        %dma_wait3A_188 = arith.constant 0 : i32
        %dma_wait3A_189 = arith.constant 0 : i32
        %dma_wait3A_190 = tpu.memref_slice %arg15[%dma_wait3A_188, %dma_wait3A_189] : memref<10112x128xf32, #tpu.memory_space<vmem_shared>> -> memref<10112x128xf32, #tpu.memory_space<vmem_shared>>
        tpu.wait_indirect_dma semaphore(%arg22 : memref<!tpu.dma_semaphore, #tpu.memory_space<semaphore_mem>>) src(%arg13 : memref<64x128xf32, #tpu.memory_space<vmem>>) dst(%dma_wait3A_190 : memref<10112x128xf32, #tpu.memory_space<vmem_shared>>)
      } else {
      }
      %lt3A_179 = arith.constant 157 : i32
      %lt3A_180 = arith.cmpi slt, %add3A_159, %lt3A_179 : i32
      %convert_element_type3A_181 = arith.extui %lt3A_180 : i1 to i32
      %cond3A_182 = arith.constant 0 : i32
      %cond3A_183 = arith.cmpi ne, %convert_element_type3A_181, %cond3A_182 : i32
      scf.if %cond3A_183 {
        %add3A_184 = arith.constant 3 : i32
        %add3A_185 = arith.addi %add3A_159, %add3A_184 : i32
        %mul3A_186 = arith.constant 64 : i32
        %mul3A_187 = arith.muli %add3A_185, %mul3A_186 : i32
        %eq3A_188 = arith.constant 0 : i32
        %eq3A_189 = arith.cmpi eq, %arg0, %eq3A_188 : i32
        %convert_element_type3A_190 = arith.extui %eq3A_189 : i1 to i32
        %cond3A_191 = arith.constant 0 : i32
        %cond3A_192 = arith.cmpi ne, %convert_element_type3A_190, %cond3A_191 : i32
        scf.if %cond3A_192 {
          %dma_start3A_198 = tpu.memref_slice %arg9[%mul3A_187] : memref<10240xi32, #tpu.memory_space<vmem>> -> memref<64xi32, #tpu.memory_space<vmem>>
          %dma_start3A_199 = arith.constant 0 : i32
          %dma_start3A_200 = arith.constant 0 : i32
          %dma_start3A_201 = tpu.memref_slice %arg2[%dma_start3A_199, %dma_start3A_200] : memref<10000x128xf32, #tpu.memory_space<hbm>> -> memref<10000x128xf32, #tpu.memory_space<hbm>>
          tpu.enqueue_indirect_dma source(%dma_start3A_201 : memref<10000x128xf32, #tpu.memory_space<hbm>>) target(%arg13 : memref<64x128xf32, #tpu.memory_space<vmem>>) offsets(%dma_start3A_198 : memref<64xi32, #tpu.memory_space<vmem>>) semaphore(%arg18 : memref<!tpu.dma_semaphore, #tpu.memory_space<semaphore_mem>>)
        } else {
        }
        %eq3A_193 = arith.constant 1 : i32
        %eq3A_194 = arith.cmpi eq, %arg0, %eq3A_193 : i32
        %convert_element_type3A_195 = arith.extui %eq3A_194 : i1 to i32
        %cond3A_196 = arith.constant 0 : i32
        %cond3A_197 = arith.cmpi ne, %convert_element_type3A_195, %cond3A_196 : i32
        scf.if %cond3A_197 {
          %dma_start3A_198 = tpu.memref_slice %arg9[%mul3A_187] : memref<10240xi32, #tpu.memory_space<vmem>> -> memref<64xi32, #tpu.memory_space<vmem>>
          %dma_start3A_199 = arith.constant 0 : i32
          %dma_start3A_200 = arith.constant 0 : i32
          %dma_start3A_201 = tpu.memref_slice %arg3[%dma_start3A_199, %dma_start3A_200] : memref<10000x128xf32, #tpu.memory_space<hbm>> -> memref<10000x128xf32, #tpu.memory_space<hbm>>
          tpu.enqueue_indirect_dma source(%dma_start3A_201 : memref<10000x128xf32, #tpu.memory_space<hbm>>) target(%arg13 : memref<64x128xf32, #tpu.memory_space<vmem>>) offsets(%dma_start3A_198 : memref<64xi32, #tpu.memory_space<vmem>>) semaphore(%arg18 : memref<!tpu.dma_semaphore, #tpu.memory_space<semaphore_mem>>)
        } else {
        }
      } else {
      }
    }
    %scan3A_33 = arith.constant 40 : i32
    %dma_wait3A = arith.constant 0 : i32
    %dma_wait3A_34 = arith.constant 0 : i32
    %dma_wait3A_35 = tpu.memref_slice %arg10[%dma_wait3A, %dma_wait3A_34] : memref<8x64xi32, #tpu.memory_space<vmem>> -> memref<1x64xi32, #tpu.memory_space<vmem>>
    %dma_wait3A_36 = tpu.memref_squeeze %dma_wait3A_35 : memref<1x64xi32, #tpu.memory_space<vmem>> -> memref<64xi32, #tpu.memory_space<vmem>>
    %dma_wait3A_37 = arith.constant 0 : i32
    %dma_wait3A_38 = arith.constant 0 : i32
    %dma_wait3A_39 = tpu.memref_slice %arg15[%dma_wait3A_37, %dma_wait3A_38] : memref<10112x128xf32, #tpu.memory_space<vmem_shared>> -> memref<10112x128xf32, #tpu.memory_space<vmem_shared>>
    tpu.wait_indirect_dma semaphore(%arg23 : memref<!tpu.dma_semaphore, #tpu.memory_space<semaphore_mem>>) src(%arg14 : memref<64x128xf32, #tpu.memory_space<vmem>>) dst(%dma_wait3A_39 : memref<10112x128xf32, #tpu.memory_space<vmem_shared>>)
    %barrier3A_40 = arith.constant 0 : index
    tpu.barrier barrier_id(%barrier3A_40)
    %eq3A_41 = arith.constant 0 : i32
    %eq3A_42 = arith.cmpi eq, %arg0, %eq3A_41 : i32
    %lt3A = arith.constant 15 : i32
    %lt3A_43 = arith.cmpi slt, %arg1, %lt3A : i32
    %and3A = arith.andi %eq3A_42, %lt3A_43 : i1
    %convert_element_type3A_44 = arith.extui %and3A : i1 to i32
    %cond3A_45 = arith.constant 0 : i32
    %cond3A_46 = arith.cmpi ne, %convert_element_type3A_44, %cond3A_45 : i32
    scf.if %cond3A_46 {
      %mul3A_71 = arith.constant 632 : i32
      %mul3A_72 = arith.muli %arg1, %mul3A_71 : i32
      %mul3A_73 = arith.constant 632 : i32
      %mul3A_74 = arith.muli %arg1, %mul3A_73 : i32
      "tpu.region"() ({
        %run_scoped3A = tpu.sem_alloc : memref<!tpu.dma_semaphore, #tpu.memory_space<semaphore_mem>>
        %dma_start3A = arith.constant 0 : i32
        %dma_start3A_75 = tpu.memref_slice %arg7[%mul3A_74, %dma_start3A] : memref<10000x128xf32, #tpu.memory_space<hbm>> -> memref<632x128xf32, #tpu.memory_space<hbm>>
        %dma_start3A_76 = arith.constant 0 : i32
        %dma_start3A_77 = tpu.memref_slice %arg15[%mul3A_72, %dma_start3A_76] : memref<10112x128xf32, #tpu.memory_space<vmem_shared>> -> memref<632x128xf32, #tpu.memory_space<vmem_shared>>
        tpu.enqueue_dma source(%dma_start3A_77 : memref<632x128xf32, #tpu.memory_space<vmem_shared>>) target(%dma_start3A_75 : memref<632x128xf32, #tpu.memory_space<hbm>>) target_semaphore(%run_scoped3A : memref<!tpu.dma_semaphore, #tpu.memory_space<semaphore_mem>>)
        %dma_wait3A_78 = arith.constant 0 : i32
        %dma_wait3A_79 = tpu.memref_slice %arg7[%mul3A_74, %dma_wait3A_78] : memref<10000x128xf32, #tpu.memory_space<hbm>> -> memref<632x128xf32, #tpu.memory_space<hbm>>
        %dma_wait3A_80 = arith.constant 0 : i32
        %dma_wait3A_81 = tpu.memref_slice %arg15[%mul3A_72, %dma_wait3A_80] : memref<10112x128xf32, #tpu.memory_space<vmem_shared>> -> memref<632x128xf32, #tpu.memory_space<vmem_shared>>
        tpu.wait_dma2 semaphore(%run_scoped3A : memref<!tpu.dma_semaphore, #tpu.memory_space<semaphore_mem>>) src(%dma_wait3A_81 : memref<632x128xf32, #tpu.memory_space<vmem_shared>>) dst(%dma_wait3A_79 : memref<632x128xf32, #tpu.memory_space<hbm>>)
        tpu.yield
      }) : () -> ()
    } else {
    }
    %eq3A_47 = arith.constant 0 : i32
    %eq3A_48 = arith.cmpi eq, %arg0, %eq3A_47 : i32
    %eq3A_49 = arith.constant 15 : i32
    %eq3A_50 = arith.cmpi eq, %arg1, %eq3A_49 : i32
    %and3A_51 = arith.andi %eq3A_48, %eq3A_50 : i1
    %convert_element_type3A_52 = arith.extui %and3A_51 : i1 to i32
    %cond3A_53 = arith.constant 0 : i32
    %cond3A_54 = arith.cmpi ne, %convert_element_type3A_52, %cond3A_53 : i32
    scf.if %cond3A_54 {
      "tpu.region"() ({
        %run_scoped3A = tpu.sem_alloc : memref<!tpu.dma_semaphore, #tpu.memory_space<semaphore_mem>>
        %dma_start3A = arith.constant 9480 : i32
        %dma_start3A_71 = arith.constant 0 : i32
        %dma_start3A_72 = tpu.memref_slice %arg7[%dma_start3A, %dma_start3A_71] : memref<10000x128xf32, #tpu.memory_space<hbm>> -> memref<520x128xf32, #tpu.memory_space<hbm>>
        %dma_start3A_73 = arith.constant 9480 : i32
        %dma_start3A_74 = arith.constant 0 : i32
        %dma_start3A_75 = tpu.memref_slice %arg15[%dma_start3A_73, %dma_start3A_74] : memref<10112x128xf32, #tpu.memory_space<vmem_shared>> -> memref<520x128xf32, #tpu.memory_space<vmem_shared>>
        tpu.enqueue_dma source(%dma_start3A_75 : memref<520x128xf32, #tpu.memory_space<vmem_shared>>) target(%dma_start3A_72 : memref<520x128xf32, #tpu.memory_space<hbm>>) target_semaphore(%run_scoped3A : memref<!tpu.dma_semaphore, #tpu.memory_space<semaphore_mem>>)
        %dma_wait3A_76 = arith.constant 9480 : i32
        %dma_wait3A_77 = arith.constant 0 : i32
        %dma_wait3A_78 = tpu.memref_slice %arg7[%dma_wait3A_76, %dma_wait3A_77] : memref<10000x128xf32, #tpu.memory_space<hbm>> -> memref<520x128xf32, #tpu.memory_space<hbm>>
        %dma_wait3A_79 = arith.constant 9480 : i32
        %dma_wait3A_80 = arith.constant 0 : i32
        %dma_wait3A_81 = tpu.memref_slice %arg15[%dma_wait3A_79, %dma_wait3A_80] : memref<10112x128xf32, #tpu.memory_space<vmem_shared>> -> memref<520x128xf32, #tpu.memory_space<vmem_shared>>
        tpu.wait_dma2 semaphore(%run_scoped3A : memref<!tpu.dma_semaphore, #tpu.memory_space<semaphore_mem>>) src(%dma_wait3A_81 : memref<520x128xf32, #tpu.memory_space<vmem_shared>>) dst(%dma_wait3A_78 : memref<520x128xf32, #tpu.memory_space<hbm>>)
        tpu.yield
      }) : () -> ()
    } else {
    }
    %eq3A_55 = arith.constant 1 : i32
    %eq3A_56 = arith.cmpi eq, %arg0, %eq3A_55 : i32
    %lt3A_57 = arith.constant 15 : i32
    %lt3A_58 = arith.cmpi slt, %arg1, %lt3A_57 : i32
    %and3A_59 = arith.andi %eq3A_56, %lt3A_58 : i1
    %convert_element_type3A_60 = arith.extui %and3A_59 : i1 to i32
    %cond3A_61 = arith.constant 0 : i32
    %cond3A_62 = arith.cmpi ne, %convert_element_type3A_60, %cond3A_61 : i32
    scf.if %cond3A_62 {
      %mul3A_71 = arith.constant 632 : i32
      %mul3A_72 = arith.muli %arg1, %mul3A_71 : i32
      %mul3A_73 = arith.constant 632 : i32
      %mul3A_74 = arith.muli %arg1, %mul3A_73 : i32
      "tpu.region"() ({
        %run_scoped3A = tpu.sem_alloc : memref<!tpu.dma_semaphore, #tpu.memory_space<semaphore_mem>>
        %dma_start3A = arith.constant 0 : i32
        %dma_start3A_75 = tpu.memref_slice %arg8[%mul3A_74, %dma_start3A] : memref<10000x128xf32, #tpu.memory_space<hbm>> -> memref<632x128xf32, #tpu.memory_space<hbm>>
        %dma_start3A_76 = arith.constant 0 : i32
        %dma_start3A_77 = tpu.memref_slice %arg15[%mul3A_72, %dma_start3A_76] : memref<10112x128xf32, #tpu.memory_space<vmem_shared>> -> memref<632x128xf32, #tpu.memory_space<vmem_shared>>
        tpu.enqueue_dma source(%dma_start3A_77 : memref<632x128xf32, #tpu.memory_space<vmem_shared>>) target(%dma_start3A_75 : memref<632x128xf32, #tpu.memory_space<hbm>>) target_semaphore(%run_scoped3A : memref<!tpu.dma_semaphore, #tpu.memory_space<semaphore_mem>>)
        %dma_wait3A_78 = arith.constant 0 : i32
        %dma_wait3A_79 = tpu.memref_slice %arg8[%mul3A_74, %dma_wait3A_78] : memref<10000x128xf32, #tpu.memory_space<hbm>> -> memref<632x128xf32, #tpu.memory_space<hbm>>
        %dma_wait3A_80 = arith.constant 0 : i32
        %dma_wait3A_81 = tpu.memref_slice %arg15[%mul3A_72, %dma_wait3A_80] : memref<10112x128xf32, #tpu.memory_space<vmem_shared>> -> memref<632x128xf32, #tpu.memory_space<vmem_shared>>
        tpu.wait_dma2 semaphore(%run_scoped3A : memref<!tpu.dma_semaphore, #tpu.memory_space<semaphore_mem>>) src(%dma_wait3A_81 : memref<632x128xf32, #tpu.memory_space<vmem_shared>>) dst(%dma_wait3A_79 : memref<632x128xf32, #tpu.memory_space<hbm>>)
        tpu.yield
      }) : () -> ()
    } else {
    }
    %eq3A_63 = arith.constant 1 : i32
    %eq3A_64 = arith.cmpi eq, %arg0, %eq3A_63 : i32
    %eq3A_65 = arith.constant 15 : i32
    %eq3A_66 = arith.cmpi eq, %arg1, %eq3A_65 : i32
    %and3A_67 = arith.andi %eq3A_64, %eq3A_66 : i1
    %convert_element_type3A_68 = arith.extui %and3A_67 : i1 to i32
    %cond3A_69 = arith.constant 0 : i32
    %cond3A_70 = arith.cmpi ne, %convert_element_type3A_68, %cond3A_69 : i32
    scf.if %cond3A_70 {
      "tpu.region"() ({
        %run_scoped3A = tpu.sem_alloc : memref<!tpu.dma_semaphore, #tpu.memory_space<semaphore_mem>>
        %dma_start3A = arith.constant 9480 : i32
        %dma_start3A_71 = arith.constant 0 : i32
        %dma_start3A_72 = tpu.memref_slice %arg8[%dma_start3A, %dma_start3A_71] : memref<10000x128xf32, #tpu.memory_space<hbm>> -> memref<520x128xf32, #tpu.memory_space<hbm>>
        %dma_start3A_73 = arith.constant 9480 : i32
        %dma_start3A_74 = arith.constant 0 : i32
        %dma_start3A_75 = tpu.memref_slice %arg15[%dma_start3A_73, %dma_start3A_74] : memref<10112x128xf32, #tpu.memory_space<vmem_shared>> -> memref<520x128xf32, #tpu.memory_space<vmem_shared>>
        tpu.enqueue_dma source(%dma_start3A_75 : memref<520x128xf32, #tpu.memory_space<vmem_shared>>) target(%dma_start3A_72 : memref<520x128xf32, #tpu.memory_space<hbm>>) target_semaphore(%run_scoped3A : memref<!tpu.dma_semaphore, #tpu.memory_space<semaphore_mem>>)
        %dma_wait3A_76 = arith.constant 9480 : i32
        %dma_wait3A_77 = arith.constant 0 : i32
        %dma_wait3A_78 = tpu.memref_slice %arg8[%dma_wait3A_76, %dma_wait3A_77] : memref<10000x128xf32, #tpu.memory_space<hbm>> -> memref<520x128xf32, #tpu.memory_space<hbm>>
        %dma_wait3A_79 = arith.constant 9480 : i32
        %dma_wait3A_80 = arith.constant 0 : i32
        %dma_wait3A_81 = tpu.memref_slice %arg15[%dma_wait3A_79, %dma_wait3A_80] : memref<10112x128xf32, #tpu.memory_space<vmem_shared>> -> memref<520x128xf32, #tpu.memory_space<vmem_shared>>
        tpu.wait_dma2 semaphore(%run_scoped3A : memref<!tpu.dma_semaphore, #tpu.memory_space<semaphore_mem>>) src(%dma_wait3A_81 : memref<520x128xf32, #tpu.memory_space<vmem_shared>>) dst(%dma_wait3A_78 : memref<520x128xf32, #tpu.memory_space<hbm>>)
        tpu.yield
      }) : () -> ()
    } else {
    }
    return
  }
}

#map = affine_map<(d0, d1) -> (0, 0)>
#map1 = affine_map<(d0, d1) -> (0)>
module attributes {stable_mosaic.version = 14 : i64} {
  func.func @_segsum_body(%arg0: i32, %arg1: i32, %arg2: memref<10000x128xf32, #tpu.memory_space<hbm>>, %arg3: memref<10000x128xf32, #tpu.memory_space<hbm>>, %arg4: memref<163840xi32, #tpu.memory_space<hbm>>, %arg5: memref<2560x64xi32, #tpu.memory_space<hbm>>, %arg6: memref<632x128xf32, #tpu.memory_space<hbm>>, %arg7: memref<10000x128xf32, #tpu.memory_space<hbm>>, %arg8: memref<10000x128xf32, #tpu.memory_space<hbm>>, %arg9: memref<10240xi32, #tpu.memory_space<vmem>>, %arg10: memref<8x64xi32, #tpu.memory_space<vmem>>, %arg11: memref<64x128xf32, #tpu.memory_space<vmem>>, %arg12: memref<64x128xf32, #tpu.memory_space<vmem>>, %arg13: memref<64x128xf32, #tpu.memory_space<vmem>>, %arg14: memref<64x128xf32, #tpu.memory_space<vmem>>, %arg15: memref<10112x128xf32, #tpu.memory_space<vmem_shared>>, %arg16: memref<!tpu.dma_semaphore, #tpu.memory_space<semaphore_mem>>, %arg17: memref<!tpu.dma_semaphore, #tpu.memory_space<semaphore_mem>>, %arg18: memref<!tpu.dma_semaphore, #tpu.memory_space<semaphore_mem>>, %arg19: memref<!tpu.dma_semaphore, #tpu.memory_space<semaphore_mem>>, %arg20: memref<!tpu.dma_semaphore, #tpu.memory_space<semaphore_mem>>, %arg21: memref<!tpu.dma_semaphore, #tpu.memory_space<semaphore_mem>>, %arg22: memref<!tpu.dma_semaphore, #tpu.memory_space<semaphore_mem>>, %arg23: memref<!tpu.dma_semaphore, #tpu.memory_space<semaphore_mem>>) attributes {dimension_semantics = [#tpu.dimension_semantics<core_parallel>, #tpu.dimension_semantics<subcore_parallel>], iteration_bounds = array<i64: 2, 16>, scalar_prefetch = 0 : i64, scratch_operands = 15 : i64, tpu.core_type = #tpu.core_type<sc_vector_subcore>, window_params = [{transform_indices = #map}, {transform_indices = #map}, {transform_indices = #map1}, {transform_indices = #map}, {transform_indices = #map}, {transform_indices = #map}, {transform_indices = #map}]} {
    %mul3A = arith.constant 632 : i32
    %mul3A_0 = arith.muli %arg1, %mul3A : i32
    "tpu.region"() ({
      %run_scoped3A = tpu.sem_alloc : memref<!tpu.dma_semaphore, #tpu.memory_space<semaphore_mem>>
      %dma_start3A = arith.constant 0 : i32
      %dma_start3A_71 = tpu.memref_slice %arg15[%mul3A_0, %dma_start3A] : memref<10112x128xf32, #tpu.memory_space<vmem_shared>> -> memref<632x128xf32, #tpu.memory_space<vmem_shared>>
      tpu.enqueue_dma source(%arg6 : memref<632x128xf32, #tpu.memory_space<hbm>>) target(%dma_start3A_71 : memref<632x128xf32, #tpu.memory_space<vmem_shared>>) target_semaphore(%run_scoped3A : memref<!tpu.dma_semaphore, #tpu.memory_space<semaphore_mem>>)
      %dma_wait3A_72 = arith.constant 0 : i32
      %dma_wait3A_73 = tpu.memref_slice %arg15[%mul3A_0, %dma_wait3A_72] : memref<10112x128xf32, #tpu.memory_space<vmem_shared>> -> memref<632x128xf32, #tpu.memory_space<vmem_shared>>
      tpu.wait_dma2 semaphore(%run_scoped3A : memref<!tpu.dma_semaphore, #tpu.memory_space<semaphore_mem>>) src(%arg6 : memref<632x128xf32, #tpu.memory_space<hbm>>) dst(%dma_wait3A_73 : memref<632x128xf32, #tpu.memory_space<vmem_shared>>)
      tpu.yield
    }) : () -> ()
    %barrier3A = arith.constant 0 : index
    tpu.barrier barrier_id(%barrier3A)
    %mul3A_1 = arith.constant 10240 : i32
    %mul3A_2 = arith.muli %arg1, %mul3A_1 : i32
    "tpu.region"() ({
      %run_scoped3A = tpu.sem_alloc : memref<!tpu.dma_semaphore, #tpu.memory_space<semaphore_mem>>
      %dma_start3A = tpu.memref_slice %arg4[%mul3A_2] : memref<163840xi32, #tpu.memory_space<hbm>> -> memref<10240xi32, #tpu.memory_space<hbm>>
      %dma_start3A_71 = tpu.memref_slice %arg4[%mul3A_2] : memref<163840xi32, #tpu.memory_space<hbm>> -> memref<10240xi32, #tpu.memory_space<hbm>>
      tpu.enqueue_dma source(%dma_start3A_71 : memref<10240xi32, #tpu.memory_space<hbm>>) target(%arg9 : memref<10240xi32, #tpu.memory_space<vmem>>) target_semaphore(%run_scoped3A : memref<!tpu.dma_semaphore, #tpu.memory_space<semaphore_mem>>)
      %dma_wait3A_72 = tpu.memref_slice %arg4[%mul3A_2] : memref<163840xi32, #tpu.memory_space<hbm>> -> memref<10240xi32, #tpu.memory_space<hbm>>
      %dma_wait3A_73 = tpu.memref_slice %arg4[%mul3A_2] : memref<163840xi32, #tpu.memory_space<hbm>> -> memref<10240xi32, #tpu.memory_space<hbm>>
      tpu.wait_dma2 semaphore(%run_scoped3A : memref<!tpu.dma_semaphore, #tpu.memory_space<semaphore_mem>>) src(%dma_wait3A_73 : memref<10240xi32, #tpu.memory_space<hbm>>) dst(%arg9 : memref<10240xi32, #tpu.memory_space<vmem>>)
      tpu.yield
    }) : () -> ()
    %eq3A = arith.constant 0 : i32
    %eq3A_3 = arith.cmpi eq, %arg0, %eq3A : i32
    %convert_element_type3A = arith.extui %eq3A_3 : i1 to i32
    %cond3A = arith.constant 0 : i32
    %cond3A_4 = arith.cmpi ne, %convert_element_type3A, %cond3A : i32
    scf.if %cond3A_4 {
      %dma_start3A = arith.constant 0 : i32
      %dma_start3A_71 = tpu.memref_slice %arg9[%dma_start3A] : memref<10240xi32, #tpu.memory_space<vmem>> -> memref<64xi32, #tpu.memory_space<vmem>>
      %dma_start3A_72 = arith.constant 0 : i32
      %dma_start3A_73 = arith.constant 0 : i32
      %dma_start3A_74 = tpu.memref_slice %arg2[%dma_start3A_72, %dma_start3A_73] : memref<10000x128xf32, #tpu.memory_space<hbm>> -> memref<10000x128xf32, #tpu.memory_space<hbm>>
      tpu.enqueue_indirect_dma source(%dma_start3A_74 : memref<10000x128xf32, #tpu.memory_space<hbm>>) target(%arg11 : memref<64x128xf32, #tpu.memory_space<vmem>>) offsets(%dma_start3A_71 : memref<64xi32, #tpu.memory_space<vmem>>) semaphore(%arg16 : memref<!tpu.dma_semaphore, #tpu.memory_space<semaphore_mem>>)
    } else {
    }
    %eq3A_5 = arith.constant 1 : i32
    %eq3A_6 = arith.cmpi eq, %arg0, %eq3A_5 : i32
    %convert_element_type3A_7 = arith.extui %eq3A_6 : i1 to i32
    %cond3A_8 = arith.constant 0 : i32
    %cond3A_9 = arith.cmpi ne, %convert_element_type3A_7, %cond3A_8 : i32
    scf.if %cond3A_9 {
      %dma_start3A = arith.constant 0 : i32
      %dma_start3A_71 = tpu.memref_slice %arg9[%dma_start3A] : memref<10240xi32, #tpu.memory_space<vmem>> -> memref<64xi32, #tpu.memory_space<vmem>>
      %dma_start3A_72 = arith.constant 0 : i32
      %dma_start3A_73 = arith.constant 0 : i32
      %dma_start3A_74 = tpu.memref_slice %arg3[%dma_start3A_72, %dma_start3A_73] : memref<10000x128xf32, #tpu.memory_space<hbm>> -> memref<10000x128xf32, #tpu.memory_space<hbm>>
      tpu.enqueue_indirect_dma source(%dma_start3A_74 : memref<10000x128xf32, #tpu.memory_space<hbm>>) target(%arg11 : memref<64x128xf32, #tpu.memory_space<vmem>>) offsets(%dma_start3A_71 : memref<64xi32, #tpu.memory_space<vmem>>) semaphore(%arg16 : memref<!tpu.dma_semaphore, #tpu.memory_space<semaphore_mem>>)
    } else {
    }
    %eq3A_10 = arith.constant 0 : i32
    %eq3A_11 = arith.cmpi eq, %arg0, %eq3A_10 : i32
    %convert_element_type3A_12 = arith.extui %eq3A_11 : i1 to i32
    %cond3A_13 = arith.constant 0 : i32
    %cond3A_14 = arith.cmpi ne, %convert_element_type3A_12, %cond3A_13 : i32
    scf.if %cond3A_14 {
      %dma_start3A = arith.constant 64 : i32
      %dma_start3A_71 = tpu.memref_slice %arg9[%dma_start3A] : memref<10240xi32, #tpu.memory_space<vmem>> -> memref<64xi32, #tpu.memory_space<vmem>>
      %dma_start3A_72 = arith.constant 0 : i32
      %dma_start3A_73 = arith.constant 0 : i32
      %dma_start3A_74 = tpu.memref_slice %arg2[%dma_start3A_72, %dma_start3A_73] : memref<10000x128xf32, #tpu.memory_space<hbm>> -> memref<10000x128xf32, #tpu.memory_space<hbm>>
      tpu.enqueue_indirect_dma source(%dma_start3A_74 : memref<10000x128xf32, #tpu.memory_space<hbm>>) target(%arg12 : memref<64x128xf32, #tpu.memory_space<vmem>>) offsets(%dma_start3A_71 : memref<64xi32, #tpu.memory_space<vmem>>) semaphore(%arg17 : memref<!tpu.dma_semaphore, #tpu.memory_space<semaphore_mem>>)
    } else {
    }
    %eq3A_15 = arith.constant 1 : i32
    %eq3A_16 = arith.cmpi eq, %arg0, %eq3A_15 : i32
    %convert_element_type3A_17 = arith.extui %eq3A_16 : i1 to i32
    %cond3A_18 = arith.constant 0 : i32
    %cond3A_19 = arith.cmpi ne, %convert_element_type3A_17, %cond3A_18 : i32
    scf.if %cond3A_19 {
      %dma_start3A = arith.constant 64 : i32
      %dma_start3A_71 = tpu.memref_slice %arg9[%dma_start3A] : memref<10240xi32, #tpu.memory_space<vmem>> -> memref<64xi32, #tpu.memory_space<vmem>>
      %dma_start3A_72 = arith.constant 0 : i32
      %dma_start3A_73 = arith.constant 0 : i32
      %dma_start3A_74 = tpu.memref_slice %arg3[%dma_start3A_72, %dma_start3A_73] : memref<10000x128xf32, #tpu.memory_space<hbm>> -> memref<10000x128xf32, #tpu.memory_space<hbm>>
      tpu.enqueue_indirect_dma source(%dma_start3A_74 : memref<10000x128xf32, #tpu.memory_space<hbm>>) target(%arg12 : memref<64x128xf32, #tpu.memory_space<vmem>>) offsets(%dma_start3A_71 : memref<64xi32, #tpu.memory_space<vmem>>) semaphore(%arg17 : memref<!tpu.dma_semaphore, #tpu.memory_space<semaphore_mem>>)
    } else {
    }
    %eq3A_20 = arith.constant 0 : i32
    %eq3A_21 = arith.cmpi eq, %arg0, %eq3A_20 : i32
    %convert_element_type3A_22 = arith.extui %eq3A_21 : i1 to i32
    %cond3A_23 = arith.constant 0 : i32
    %cond3A_24 = arith.cmpi ne, %convert_element_type3A_22, %cond3A_23 : i32
    scf.if %cond3A_24 {
      %dma_start3A = arith.constant 128 : i32
      %dma_start3A_71 = tpu.memref_slice %arg9[%dma_start3A] : memref<10240xi32, #tpu.memory_space<vmem>> -> memref<64xi32, #tpu.memory_space<vmem>>
      %dma_start3A_72 = arith.constant 0 : i32
      %dma_start3A_73 = arith.constant 0 : i32
      %dma_start3A_74 = tpu.memref_slice %arg2[%dma_start3A_72, %dma_start3A_73] : memref<10000x128xf32, #tpu.memory_space<hbm>> -> memref<10000x128xf32, #tpu.memory_space<hbm>>
      tpu.enqueue_indirect_dma source(%dma_start3A_74 : memref<10000x128xf32, #tpu.memory_space<hbm>>) target(%arg13 : memref<64x128xf32, #tpu.memory_space<vmem>>) offsets(%dma_start3A_71 : memref<64xi32, #tpu.memory_space<vmem>>) semaphore(%arg18 : memref<!tpu.dma_semaphore, #tpu.memory_space<semaphore_mem>>)
    } else {
    }
    %eq3A_25 = arith.constant 1 : i32
    %eq3A_26 = arith.cmpi eq, %arg0, %eq3A_25 : i32
    %convert_element_type3A_27 = arith.extui %eq3A_26 : i1 to i32
    %cond3A_28 = arith.constant 0 : i32
    %cond3A_29 = arith.cmpi ne, %convert_element_type3A_27, %cond3A_28 : i32
    scf.if %cond3A_29 {
      %dma_start3A = arith.constant 128 : i32
      %dma_start3A_71 = tpu.memref_slice %arg9[%dma_start3A] : memref<10240xi32, #tpu.memory_space<vmem>> -> memref<64xi32, #tpu.memory_space<vmem>>
      %dma_start3A_72 = arith.constant 0 : i32
      %dma_start3A_73 = arith.constant 0 : i32
      %dma_start3A_74 = tpu.memref_slice %arg3[%dma_start3A_72, %dma_start3A_73] : memref<10000x128xf32, #tpu.memory_space<hbm>> -> memref<10000x128xf32, #tpu.memory_space<hbm>>
      tpu.enqueue_indirect_dma source(%dma_start3A_74 : memref<10000x128xf32, #tpu.memory_space<hbm>>) target(%arg13 : memref<64x128xf32, #tpu.memory_space<vmem>>) offsets(%dma_start3A_71 : memref<64xi32, #tpu.memory_space<vmem>>) semaphore(%arg18 : memref<!tpu.dma_semaphore, #tpu.memory_space<semaphore_mem>>)
    } else {
    }
    %scan3A = arith.constant 0 : i32
    %scan3A_30 = arith.constant 40 : i32
    %scan3A_31 = arith.addi %scan3A, %scan3A_30 : i32
    %scan3A_32 = arith.constant 1 : i32
    scf.for %scan3A_71 = %scan3A to %scan3A_31 step %scan3A_32  : i32 {
      %mul3A_72 = arith.constant 4 : i32
      %mul3A_73 = arith.muli %scan3A_71, %mul3A_72 : i32
      %add3A = arith.constant 0 : i32
      %add3A_74 = arith.addi %add3A, %mul3A_73 : i32
      %and3A_75 = arith.constant 7 : i32
      %and3A_76 = arith.andi %add3A_74, %and3A_75 : i32
      %eq3A_77 = arith.constant 0 : i32
      %eq3A_78 = arith.cmpi eq, %and3A_76, %eq3A_77 : i32
      %convert_element_type3A_79 = arith.extui %eq3A_78 : i1 to i32
      %cond3A_80 = arith.constant 0 : i32
      %cond3A_81 = arith.cmpi ne, %convert_element_type3A_79, %cond3A_80 : i32
      scf.if %cond3A_81 {
        %multiple_of3A = tpu.assume_multiple %add3A_74, 8 : i32
        %mul3A_184 = arith.constant 160 : i32
        %mul3A_185 = arith.muli %arg1, %mul3A_184 : i32
        %add3A_186 = arith.addi %mul3A_185, %multiple_of3A : i32
        "tpu.region"() ({
          %run_scoped3A = tpu.sem_alloc : memref<!tpu.dma_semaphore, #tpu.memory_space<semaphore_mem>>
          %dma_start3A_187 = arith.constant 0 : i32
          %dma_start3A_188 = tpu.memref_slice %arg5[%add3A_186, %dma_start3A_187] : memref<2560x64xi32, #tpu.memory_space<hbm>> -> memref<8x64xi32, #tpu.memory_space<hbm>>
          %dma_start3A_189 = arith.constant 0 : i32
          %dma_start3A_190 = tpu.memref_slice %arg5[%add3A_186, %dma_start3A_189] : memref<2560x64xi32, #tpu.memory_space<hbm>> -> memref<8x64xi32, #tpu.memory_space<hbm>>
          tpu.enqueue_dma source(%dma_start3A_190 : memref<8x64xi32, #tpu.memory_space<hbm>>) target(%arg10 : memref<8x64xi32, #tpu.memory_space<vmem>>) target_semaphore(%run_scoped3A : memref<!tpu.dma_semaphore, #tpu.memory_space<semaphore_mem>>)
          %dma_wait3A_191 = arith.constant 0 : i32
          %dma_wait3A_192 = tpu.memref_slice %arg5[%add3A_186, %dma_wait3A_191] : memref<2560x64xi32, #tpu.memory_space<hbm>> -> memref<8x64xi32, #tpu.memory_space<hbm>>
          %dma_wait3A_193 = arith.constant 0 : i32
          %dma_wait3A_194 = tpu.memref_slice %arg5[%add3A_186, %dma_wait3A_193] : memref<2560x64xi32, #tpu.memory_space<hbm>> -> memref<8x64xi32, #tpu.memory_space<hbm>>
          tpu.wait_dma2 semaphore(%run_scoped3A : memref<!tpu.dma_semaphore, #tpu.memory_space<semaphore_mem>>) src(%dma_wait3A_194 : memref<8x64xi32, #tpu.memory_space<hbm>>) dst(%arg10 : memref<8x64xi32, #tpu.memory_space<vmem>>)
          tpu.yield
        }) : () -> ()
      } else {
      }
      %add3A_82 = arith.constant 0 : i32
      %add3A_83 = arith.addi %add3A_74, %add3A_82 : i32
      %mul3A_84 = arith.constant 64 : i32
      %mul3A_85 = arith.muli %add3A_83, %mul3A_84 : i32
      %dma_wait3A_86 = tpu.memref_slice %arg9[%mul3A_85] : memref<10240xi32, #tpu.memory_space<vmem>> -> memref<64xi32, #tpu.memory_space<vmem>>
      %dma_wait3A_87 = arith.constant 0 : i32
      %dma_wait3A_88 = arith.constant 0 : i32
      %dma_wait3A_89 = tpu.memref_slice %arg2[%dma_wait3A_87, %dma_wait3A_88] : memref<10000x128xf32, #tpu.memory_space<hbm>> -> memref<10000x128xf32, #tpu.memory_space<hbm>>
      tpu.wait_indirect_dma semaphore(%arg16 : memref<!tpu.dma_semaphore, #tpu.memory_space<semaphore_mem>>) src(%dma_wait3A_89 : memref<10000x128xf32, #tpu.memory_space<hbm>>) dst(%arg11 : memref<64x128xf32, #tpu.memory_space<vmem>>)
      %add3A_90 = arith.constant 0 : i32
      %add3A_91 = arith.addi %and3A_76, %add3A_90 : i32
      %dma_start3A = arith.constant 0 : i32
      %dma_start3A_92 = tpu.memref_slice %arg10[%add3A_91, %dma_start3A] : memref<8x64xi32, #tpu.memory_space<vmem>> -> memref<1x64xi32, #tpu.memory_space<vmem>>
      %dma_start3A_93 = tpu.memref_squeeze %dma_start3A_92 : memref<1x64xi32, #tpu.memory_space<vmem>> -> memref<64xi32, #tpu.memory_space<vmem>>
      %dma_start3A_94 = arith.constant 0 : i32
      %dma_start3A_95 = arith.constant 0 : i32
      %dma_start3A_96 = tpu.memref_slice %arg15[%dma_start3A_94, %dma_start3A_95] : memref<10112x128xf32, #tpu.memory_space<vmem_shared>> -> memref<10112x128xf32, #tpu.memory_space<vmem_shared>>
      tpu.enqueue_indirect_dma source(%arg11 : memref<64x128xf32, #tpu.memory_space<vmem>>) target(%dma_start3A_96 : memref<10112x128xf32, #tpu.memory_space<vmem_shared>>) offsets(%dma_start3A_93 : memref<64xi32, #tpu.memory_space<vmem>>) semaphore(%arg20 : memref<!tpu.dma_semaphore, #tpu.memory_space<semaphore_mem>>) {add = true}
      %ge3A = arith.constant 1 : i32
      %ge3A_97 = arith.cmpi sge, %add3A_83, %ge3A : i32
      %convert_element_type3A_98 = arith.extui %ge3A_97 : i1 to i32
      %cond3A_99 = arith.constant 0 : i32
      %cond3A_100 = arith.cmpi ne, %convert_element_type3A_98, %cond3A_99 : i32
      scf.if %cond3A_100 {
        %dma_wait3A_184 = arith.constant 0 : i32
        %dma_wait3A_185 = arith.constant 0 : i32
        %dma_wait3A_186 = tpu.memref_slice %arg10[%dma_wait3A_184, %dma_wait3A_185] : memref<8x64xi32, #tpu.memory_space<vmem>> -> memref<1x64xi32, #tpu.memory_space<vmem>>
        %dma_wait3A_187 = tpu.memref_squeeze %dma_wait3A_186 : memref<1x64xi32, #tpu.memory_space<vmem>> -> memref<64xi32, #tpu.memory_space<vmem>>
        %dma_wait3A_188 = arith.constant 0 : i32
        %dma_wait3A_189 = arith.constant 0 : i32
        %dma_wait3A_190 = tpu.memref_slice %arg15[%dma_wait3A_188, %dma_wait3A_189] : memref<10112x128xf32, #tpu.memory_space<vmem_shared>> -> memref<10112x128xf32, #tpu.memory_space<vmem_shared>>
        tpu.wait_indirect_dma semaphore(%arg23 : memref<!tpu.dma_semaphore, #tpu.memory_space<semaphore_mem>>) src(%arg14 : memref<64x128xf32, #tpu.memory_space<vmem>>) dst(%dma_wait3A_190 : memref<10112x128xf32, #tpu.memory_space<vmem_shared>>)
      } else {
      }
      %lt3A_101 = arith.constant 157 : i32
      %lt3A_102 = arith.cmpi slt, %add3A_83, %lt3A_101 : i32
      %convert_element_type3A_103 = arith.extui %lt3A_102 : i1 to i32
      %cond3A_104 = arith.constant 0 : i32
      %cond3A_105 = arith.cmpi ne, %convert_element_type3A_103, %cond3A_104 : i32
      scf.if %cond3A_105 {
        %add3A_184 = arith.constant 3 : i32
        %add3A_185 = arith.addi %add3A_83, %add3A_184 : i32
        %mul3A_186 = arith.constant 64 : i32
        %mul3A_187 = arith.muli %add3A_185, %mul3A_186 : i32
        %eq3A_188 = arith.constant 0 : i32
        %eq3A_189 = arith.cmpi eq, %arg0, %eq3A_188 : i32
        %convert_element_type3A_190 = arith.extui %eq3A_189 : i1 to i32
        %cond3A_191 = arith.constant 0 : i32
        %cond3A_192 = arith.cmpi ne, %convert_element_type3A_190, %cond3A_191 : i32
        scf.if %cond3A_192 {
          %dma_start3A_198 = tpu.memref_slice %arg9[%mul3A_187] : memref<10240xi32, #tpu.memory_space<vmem>> -> memref<64xi32, #tpu.memory_space<vmem>>
          %dma_start3A_199 = arith.constant 0 : i32
          %dma_start3A_200 = arith.constant 0 : i32
          %dma_start3A_201 = tpu.memref_slice %arg2[%dma_start3A_199, %dma_start3A_200] : memref<10000x128xf32, #tpu.memory_space<hbm>> -> memref<10000x128xf32, #tpu.memory_space<hbm>>
          tpu.enqueue_indirect_dma source(%dma_start3A_201 : memref<10000x128xf32, #tpu.memory_space<hbm>>) target(%arg14 : memref<64x128xf32, #tpu.memory_space<vmem>>) offsets(%dma_start3A_198 : memref<64xi32, #tpu.memory_space<vmem>>) semaphore(%arg19 : memref<!tpu.dma_semaphore, #tpu.memory_space<semaphore_mem>>)
        } else {
        }
        %eq3A_193 = arith.constant 1 : i32
        %eq3A_194 = arith.cmpi eq, %arg0, %eq3A_193 : i32
        %convert_element_type3A_195 = arith.extui %eq3A_194 : i1 to i32
        %cond3A_196 = arith.constant 0 : i32
        %cond3A_197 = arith.cmpi ne, %convert_element_type3A_195, %cond3A_196 : i32
        scf.if %cond3A_197 {
          %dma_start3A_198 = tpu.memref_slice %arg9[%mul3A_187] : memref<10240xi32, #tpu.memory_space<vmem>> -> memref<64xi32, #tpu.memory_space<vmem>>
          %dma_start3A_199 = arith.constant 0 : i32
          %dma_start3A_200 = arith.constant 0 : i32
          %dma_start3A_201 = tpu.memref_slice %arg3[%dma_start3A_199, %dma_start3A_200] : memref<10000x128xf32, #tpu.memory_space<hbm>> -> memref<10000x128xf32, #tpu.memory_space<hbm>>
          tpu.enqueue_indirect_dma source(%dma_start3A_201 : memref<10000x128xf32, #tpu.memory_space<hbm>>) target(%arg14 : memref<64x128xf32, #tpu.memory_space<vmem>>) offsets(%dma_start3A_198 : memref<64xi32, #tpu.memory_space<vmem>>) semaphore(%arg19 : memref<!tpu.dma_semaphore, #tpu.memory_space<semaphore_mem>>)
        } else {
        }
      } else {
      }
      %add3A_106 = arith.constant 1 : i32
      %add3A_107 = arith.addi %add3A_74, %add3A_106 : i32
      %mul3A_108 = arith.constant 64 : i32
      %mul3A_109 = arith.muli %add3A_107, %mul3A_108 : i32
      %dma_wait3A_110 = tpu.memref_slice %arg9[%mul3A_109] : memref<10240xi32, #tpu.memory_space<vmem>> -> memref<64xi32, #tpu.memory_space<vmem>>
      %dma_wait3A_111 = arith.constant 0 : i32
      %dma_wait3A_112 = arith.constant 0 : i32
      %dma_wait3A_113 = tpu.memref_slice %arg2[%dma_wait3A_111, %dma_wait3A_112] : memref<10000x128xf32, #tpu.memory_space<hbm>> -> memref<10000x128xf32, #tpu.memory_space<hbm>>
      tpu.wait_indirect_dma semaphore(%arg17 : memref<!tpu.dma_semaphore, #tpu.memory_space<semaphore_mem>>) src(%dma_wait3A_113 : memref<10000x128xf32, #tpu.memory_space<hbm>>) dst(%arg12 : memref<64x128xf32, #tpu.memory_space<vmem>>)
      %add3A_114 = arith.constant 1 : i32
      %add3A_115 = arith.addi %and3A_76, %add3A_114 : i32
      %dma_start3A_116 = arith.constant 0 : i32
      %dma_start3A_117 = tpu.memref_slice %arg10[%add3A_115, %dma_start3A_116] : memref<8x64xi32, #tpu.memory_space<vmem>> -> memref<1x64xi32, #tpu.memory_space<vmem>>
      %dma_start3A_118 = tpu.memref_squeeze %dma_start3A_117 : memref<1x64xi32, #tpu.memory_space<vmem>> -> memref<64xi32, #tpu.memory_space<vmem>>
      %dma_start3A_119 = arith.constant 0 : i32
      %dma_start3A_120 = arith.constant 0 : i32
      %dma_start3A_121 = tpu.memref_slice %arg15[%dma_start3A_119, %dma_start3A_120] : memref<10112x128xf32, #tpu.memory_space<vmem_shared>> -> memref<10112x128xf32, #tpu.memory_space<vmem_shared>>
      tpu.enqueue_indirect_dma source(%arg12 : memref<64x128xf32, #tpu.memory_space<vmem>>) target(%dma_start3A_121 : memref<10112x128xf32, #tpu.memory_space<vmem_shared>>) offsets(%dma_start3A_118 : memref<64xi32, #tpu.memory_space<vmem>>) semaphore(%arg21 : memref<!tpu.dma_semaphore, #tpu.memory_space<semaphore_mem>>) {add = true}
      %ge3A_122 = arith.constant 1 : i32
      %ge3A_123 = arith.cmpi sge, %add3A_107, %ge3A_122 : i32
      %convert_element_type3A_124 = arith.extui %ge3A_123 : i1 to i32
      %cond3A_125 = arith.constant 0 : i32
      %cond3A_126 = arith.cmpi ne, %convert_element_type3A_124, %cond3A_125 : i32
      scf.if %cond3A_126 {
        %dma_wait3A_184 = arith.constant 0 : i32
        %dma_wait3A_185 = arith.constant 0 : i32
        %dma_wait3A_186 = tpu.memref_slice %arg10[%dma_wait3A_184, %dma_wait3A_185] : memref<8x64xi32, #tpu.memory_space<vmem>> -> memref<1x64xi32, #tpu.memory_space<vmem>>
        %dma_wait3A_187 = tpu.memref_squeeze %dma_wait3A_186 : memref<1x64xi32, #tpu.memory_space<vmem>> -> memref<64xi32, #tpu.memory_space<vmem>>
        %dma_wait3A_188 = arith.constant 0 : i32
        %dma_wait3A_189 = arith.constant 0 : i32
        %dma_wait3A_190 = tpu.memref_slice %arg15[%dma_wait3A_188, %dma_wait3A_189] : memref<10112x128xf32, #tpu.memory_space<vmem_shared>> -> memref<10112x128xf32, #tpu.memory_space<vmem_shared>>
        tpu.wait_indirect_dma semaphore(%arg20 : memref<!tpu.dma_semaphore, #tpu.memory_space<semaphore_mem>>) src(%arg11 : memref<64x128xf32, #tpu.memory_space<vmem>>) dst(%dma_wait3A_190 : memref<10112x128xf32, #tpu.memory_space<vmem_shared>>)
      } else {
      }
      %lt3A_127 = arith.constant 157 : i32
      %lt3A_128 = arith.cmpi slt, %add3A_107, %lt3A_127 : i32
      %convert_element_type3A_129 = arith.extui %lt3A_128 : i1 to i32
      %cond3A_130 = arith.constant 0 : i32
      %cond3A_131 = arith.cmpi ne, %convert_element_type3A_129, %cond3A_130 : i32
      scf.if %cond3A_131 {
        %add3A_184 = arith.constant 3 : i32
        %add3A_185 = arith.addi %add3A_107, %add3A_184 : i32
        %mul3A_186 = arith.constant 64 : i32
        %mul3A_187 = arith.muli %add3A_185, %mul3A_186 : i32
        %eq3A_188 = arith.constant 0 : i32
        %eq3A_189 = arith.cmpi eq, %arg0, %eq3A_188 : i32
        %convert_element_type3A_190 = arith.extui %eq3A_189 : i1 to i32
        %cond3A_191 = arith.constant 0 : i32
        %cond3A_192 = arith.cmpi ne, %convert_element_type3A_190, %cond3A_191 : i32
        scf.if %cond3A_192 {
          %dma_start3A_198 = tpu.memref_slice %arg9[%mul3A_187] : memref<10240xi32, #tpu.memory_space<vmem>> -> memref<64xi32, #tpu.memory_space<vmem>>
          %dma_start3A_199 = arith.constant 0 : i32
          %dma_start3A_200 = arith.constant 0 : i32
          %dma_start3A_201 = tpu.memref_slice %arg2[%dma_start3A_199, %dma_start3A_200] : memref<10000x128xf32, #tpu.memory_space<hbm>> -> memref<10000x128xf32, #tpu.memory_space<hbm>>
          tpu.enqueue_indirect_dma source(%dma_start3A_201 : memref<10000x128xf32, #tpu.memory_space<hbm>>) target(%arg11 : memref<64x128xf32, #tpu.memory_space<vmem>>) offsets(%dma_start3A_198 : memref<64xi32, #tpu.memory_space<vmem>>) semaphore(%arg16 : memref<!tpu.dma_semaphore, #tpu.memory_space<semaphore_mem>>)
        } else {
        }
        %eq3A_193 = arith.constant 1 : i32
        %eq3A_194 = arith.cmpi eq, %arg0, %eq3A_193 : i32
        %convert_element_type3A_195 = arith.extui %eq3A_194 : i1 to i32
        %cond3A_196 = arith.constant 0 : i32
        %cond3A_197 = arith.cmpi ne, %convert_element_type3A_195, %cond3A_196 : i32
        scf.if %cond3A_197 {
          %dma_start3A_198 = tpu.memref_slice %arg9[%mul3A_187] : memref<10240xi32, #tpu.memory_space<vmem>> -> memref<64xi32, #tpu.memory_space<vmem>>
          %dma_start3A_199 = arith.constant 0 : i32
          %dma_start3A_200 = arith.constant 0 : i32
          %dma_start3A_201 = tpu.memref_slice %arg3[%dma_start3A_199, %dma_start3A_200] : memref<10000x128xf32, #tpu.memory_space<hbm>> -> memref<10000x128xf32, #tpu.memory_space<hbm>>
          tpu.enqueue_indirect_dma source(%dma_start3A_201 : memref<10000x128xf32, #tpu.memory_space<hbm>>) target(%arg11 : memref<64x128xf32, #tpu.memory_space<vmem>>) offsets(%dma_start3A_198 : memref<64xi32, #tpu.memory_space<vmem>>) semaphore(%arg16 : memref<!tpu.dma_semaphore, #tpu.memory_space<semaphore_mem>>)
        } else {
        }
      } else {
      }
      %add3A_132 = arith.constant 2 : i32
      %add3A_133 = arith.addi %add3A_74, %add3A_132 : i32
      %mul3A_134 = arith.constant 64 : i32
      %mul3A_135 = arith.muli %add3A_133, %mul3A_134 : i32
      %dma_wait3A_136 = tpu.memref_slice %arg9[%mul3A_135] : memref<10240xi32, #tpu.memory_space<vmem>> -> memref<64xi32, #tpu.memory_space<vmem>>
      %dma_wait3A_137 = arith.constant 0 : i32
      %dma_wait3A_138 = arith.constant 0 : i32
      %dma_wait3A_139 = tpu.memref_slice %arg2[%dma_wait3A_137, %dma_wait3A_138] : memref<10000x128xf32, #tpu.memory_space<hbm>> -> memref<10000x128xf32, #tpu.memory_space<hbm>>
      tpu.wait_indirect_dma semaphore(%arg18 : memref<!tpu.dma_semaphore, #tpu.memory_space<semaphore_mem>>) src(%dma_wait3A_139 : memref<10000x128xf32, #tpu.memory_space<hbm>>) dst(%arg13 : memref<64x128xf32, #tpu.memory_space<vmem>>)
      %add3A_140 = arith.constant 2 : i32
      %add3A_141 = arith.addi %and3A_76, %add3A_140 : i32
      %dma_start3A_142 = arith.constant 0 : i32
      %dma_start3A_143 = tpu.memref_slice %arg10[%add3A_141, %dma_start3A_142] : memref<8x64xi32, #tpu.memory_space<vmem>> -> memref<1x64xi32, #tpu.memory_space<vmem>>
      %dma_start3A_144 = tpu.memref_squeeze %dma_start3A_143 : memref<1x64xi32, #tpu.memory_space<vmem>> -> memref<64xi32, #tpu.memory_space<vmem>>
      %dma_start3A_145 = arith.constant 0 : i32
      %dma_start3A_146 = arith.constant 0 : i32
      %dma_start3A_147 = tpu.memref_slice %arg15[%dma_start3A_145, %dma_start3A_146] : memref<10112x128xf32, #tpu.memory_space<vmem_shared>> -> memref<10112x128xf32, #tpu.memory_space<vmem_shared>>
      tpu.enqueue_indirect_dma source(%arg13 : memref<64x128xf32, #tpu.memory_space<vmem>>) target(%dma_start3A_147 : memref<10112x128xf32, #tpu.memory_space<vmem_shared>>) offsets(%dma_start3A_144 : memref<64xi32, #tpu.memory_space<vmem>>) semaphore(%arg22 : memref<!tpu.dma_semaphore, #tpu.memory_space<semaphore_mem>>) {add = true}
      %ge3A_148 = arith.constant 1 : i32
      %ge3A_149 = arith.cmpi sge, %add3A_133, %ge3A_148 : i32
      %convert_element_type3A_150 = arith.extui %ge3A_149 : i1 to i32
      %cond3A_151 = arith.constant 0 : i32
      %cond3A_152 = arith.cmpi ne, %convert_element_type3A_150, %cond3A_151 : i32
      scf.if %cond3A_152 {
        %dma_wait3A_184 = arith.constant 0 : i32
        %dma_wait3A_185 = arith.constant 0 : i32
        %dma_wait3A_186 = tpu.memref_slice %arg10[%dma_wait3A_184, %dma_wait3A_185] : memref<8x64xi32, #tpu.memory_space<vmem>> -> memref<1x64xi32, #tpu.memory_space<vmem>>
        %dma_wait3A_187 = tpu.memref_squeeze %dma_wait3A_186 : memref<1x64xi32, #tpu.memory_space<vmem>> -> memref<64xi32, #tpu.memory_space<vmem>>
        %dma_wait3A_188 = arith.constant 0 : i32
        %dma_wait3A_189 = arith.constant 0 : i32
        %dma_wait3A_190 = tpu.memref_slice %arg15[%dma_wait3A_188, %dma_wait3A_189] : memref<10112x128xf32, #tpu.memory_space<vmem_shared>> -> memref<10112x128xf32, #tpu.memory_space<vmem_shared>>
        tpu.wait_indirect_dma semaphore(%arg21 : memref<!tpu.dma_semaphore, #tpu.memory_space<semaphore_mem>>) src(%arg12 : memref<64x128xf32, #tpu.memory_space<vmem>>) dst(%dma_wait3A_190 : memref<10112x128xf32, #tpu.memory_space<vmem_shared>>)
      } else {
      }
      %lt3A_153 = arith.constant 157 : i32
      %lt3A_154 = arith.cmpi slt, %add3A_133, %lt3A_153 : i32
      %convert_element_type3A_155 = arith.extui %lt3A_154 : i1 to i32
      %cond3A_156 = arith.constant 0 : i32
      %cond3A_157 = arith.cmpi ne, %convert_element_type3A_155, %cond3A_156 : i32
      scf.if %cond3A_157 {
        %add3A_184 = arith.constant 3 : i32
        %add3A_185 = arith.addi %add3A_133, %add3A_184 : i32
        %mul3A_186 = arith.constant 64 : i32
        %mul3A_187 = arith.muli %add3A_185, %mul3A_186 : i32
        %eq3A_188 = arith.constant 0 : i32
        %eq3A_189 = arith.cmpi eq, %arg0, %eq3A_188 : i32
        %convert_element_type3A_190 = arith.extui %eq3A_189 : i1 to i32
        %cond3A_191 = arith.constant 0 : i32
        %cond3A_192 = arith.cmpi ne, %convert_element_type3A_190, %cond3A_191 : i32
        scf.if %cond3A_192 {
          %dma_start3A_198 = tpu.memref_slice %arg9[%mul3A_187] : memref<10240xi32, #tpu.memory_space<vmem>> -> memref<64xi32, #tpu.memory_space<vmem>>
          %dma_start3A_199 = arith.constant 0 : i32
          %dma_start3A_200 = arith.constant 0 : i32
          %dma_start3A_201 = tpu.memref_slice %arg2[%dma_start3A_199, %dma_start3A_200] : memref<10000x128xf32, #tpu.memory_space<hbm>> -> memref<10000x128xf32, #tpu.memory_space<hbm>>
          tpu.enqueue_indirect_dma source(%dma_start3A_201 : memref<10000x128xf32, #tpu.memory_space<hbm>>) target(%arg12 : memref<64x128xf32, #tpu.memory_space<vmem>>) offsets(%dma_start3A_198 : memref<64xi32, #tpu.memory_space<vmem>>) semaphore(%arg17 : memref<!tpu.dma_semaphore, #tpu.memory_space<semaphore_mem>>)
        } else {
        }
        %eq3A_193 = arith.constant 1 : i32
        %eq3A_194 = arith.cmpi eq, %arg0, %eq3A_193 : i32
        %convert_element_type3A_195 = arith.extui %eq3A_194 : i1 to i32
        %cond3A_196 = arith.constant 0 : i32
        %cond3A_197 = arith.cmpi ne, %convert_element_type3A_195, %cond3A_196 : i32
        scf.if %cond3A_197 {
          %dma_start3A_198 = tpu.memref_slice %arg9[%mul3A_187] : memref<10240xi32, #tpu.memory_space<vmem>> -> memref<64xi32, #tpu.memory_space<vmem>>
          %dma_start3A_199 = arith.constant 0 : i32
          %dma_start3A_200 = arith.constant 0 : i32
          %dma_start3A_201 = tpu.memref_slice %arg3[%dma_start3A_199, %dma_start3A_200] : memref<10000x128xf32, #tpu.memory_space<hbm>> -> memref<10000x128xf32, #tpu.memory_space<hbm>>
          tpu.enqueue_indirect_dma source(%dma_start3A_201 : memref<10000x128xf32, #tpu.memory_space<hbm>>) target(%arg12 : memref<64x128xf32, #tpu.memory_space<vmem>>) offsets(%dma_start3A_198 : memref<64xi32, #tpu.memory_space<vmem>>) semaphore(%arg17 : memref<!tpu.dma_semaphore, #tpu.memory_space<semaphore_mem>>)
        } else {
        }
      } else {
      }
      %add3A_158 = arith.constant 3 : i32
      %add3A_159 = arith.addi %add3A_74, %add3A_158 : i32
      %mul3A_160 = arith.constant 64 : i32
      %mul3A_161 = arith.muli %add3A_159, %mul3A_160 : i32
      %dma_wait3A_162 = tpu.memref_slice %arg9[%mul3A_161] : memref<10240xi32, #tpu.memory_space<vmem>> -> memref<64xi32, #tpu.memory_space<vmem>>
      %dma_wait3A_163 = arith.constant 0 : i32
      %dma_wait3A_164 = arith.constant 0 : i32
      %dma_wait3A_165 = tpu.memref_slice %arg2[%dma_wait3A_163, %dma_wait3A_164] : memref<10000x128xf32, #tpu.memory_space<hbm>> -> memref<10000x128xf32, #tpu.memory_space<hbm>>
      tpu.wait_indirect_dma semaphore(%arg19 : memref<!tpu.dma_semaphore, #tpu.memory_space<semaphore_mem>>) src(%dma_wait3A_165 : memref<10000x128xf32, #tpu.memory_space<hbm>>) dst(%arg14 : memref<64x128xf32, #tpu.memory_space<vmem>>)
      %add3A_166 = arith.constant 3 : i32
      %add3A_167 = arith.addi %and3A_76, %add3A_166 : i32
      %dma_start3A_168 = arith.constant 0 : i32
      %dma_start3A_169 = tpu.memref_slice %arg10[%add3A_167, %dma_start3A_168] : memref<8x64xi32, #tpu.memory_space<vmem>> -> memref<1x64xi32, #tpu.memory_space<vmem>>
      %dma_start3A_170 = tpu.memref_squeeze %dma_start3A_169 : memref<1x64xi32, #tpu.memory_space<vmem>> -> memref<64xi32, #tpu.memory_space<vmem>>
      %dma_start3A_171 = arith.constant 0 : i32
      %dma_start3A_172 = arith.constant 0 : i32
      %dma_start3A_173 = tpu.memref_slice %arg15[%dma_start3A_171, %dma_start3A_172] : memref<10112x128xf32, #tpu.memory_space<vmem_shared>> -> memref<10112x128xf32, #tpu.memory_space<vmem_shared>>
      tpu.enqueue_indirect_dma source(%arg14 : memref<64x128xf32, #tpu.memory_space<vmem>>) target(%dma_start3A_173 : memref<10112x128xf32, #tpu.memory_space<vmem_shared>>) offsets(%dma_start3A_170 : memref<64xi32, #tpu.memory_space<vmem>>) semaphore(%arg23 : memref<!tpu.dma_semaphore, #tpu.memory_space<semaphore_mem>>) {add = true}
      %ge3A_174 = arith.constant 1 : i32
      %ge3A_175 = arith.cmpi sge, %add3A_159, %ge3A_174 : i32
      %convert_element_type3A_176 = arith.extui %ge3A_175 : i1 to i32
      %cond3A_177 = arith.constant 0 : i32
      %cond3A_178 = arith.cmpi ne, %convert_element_type3A_176, %cond3A_177 : i32
      scf.if %cond3A_178 {
        %dma_wait3A_184 = arith.constant 0 : i32
        %dma_wait3A_185 = arith.constant 0 : i32
        %dma_wait3A_186 = tpu.memref_slice %arg10[%dma_wait3A_184, %dma_wait3A_185] : memref<8x64xi32, #tpu.memory_space<vmem>> -> memref<1x64xi32, #tpu.memory_space<vmem>>
        %dma_wait3A_187 = tpu.memref_squeeze %dma_wait3A_186 : memref<1x64xi32, #tpu.memory_space<vmem>> -> memref<64xi32, #tpu.memory_space<vmem>>
        %dma_wait3A_188 = arith.constant 0 : i32
        %dma_wait3A_189 = arith.constant 0 : i32
        %dma_wait3A_190 = tpu.memref_slice %arg15[%dma_wait3A_188, %dma_wait3A_189] : memref<10112x128xf32, #tpu.memory_space<vmem_shared>> -> memref<10112x128xf32, #tpu.memory_space<vmem_shared>>
        tpu.wait_indirect_dma semaphore(%arg22 : memref<!tpu.dma_semaphore, #tpu.memory_space<semaphore_mem>>) src(%arg13 : memref<64x128xf32, #tpu.memory_space<vmem>>) dst(%dma_wait3A_190 : memref<10112x128xf32, #tpu.memory_space<vmem_shared>>)
      } else {
      }
      %lt3A_179 = arith.constant 157 : i32
      %lt3A_180 = arith.cmpi slt, %add3A_159, %lt3A_179 : i32
      %convert_element_type3A_181 = arith.extui %lt3A_180 : i1 to i32
      %cond3A_182 = arith.constant 0 : i32
      %cond3A_183 = arith.cmpi ne, %convert_element_type3A_181, %cond3A_182 : i32
      scf.if %cond3A_183 {
        %add3A_184 = arith.constant 3 : i32
        %add3A_185 = arith.addi %add3A_159, %add3A_184 : i32
        %mul3A_186 = arith.constant 64 : i32
        %mul3A_187 = arith.muli %add3A_185, %mul3A_186 : i32
        %eq3A_188 = arith.constant 0 : i32
        %eq3A_189 = arith.cmpi eq, %arg0, %eq3A_188 : i32
        %convert_element_type3A_190 = arith.extui %eq3A_189 : i1 to i32
        %cond3A_191 = arith.constant 0 : i32
        %cond3A_192 = arith.cmpi ne, %convert_element_type3A_190, %cond3A_191 : i32
        scf.if %cond3A_192 {
          %dma_start3A_198 = tpu.memref_slice %arg9[%mul3A_187] : memref<10240xi32, #tpu.memory_space<vmem>> -> memref<64xi32, #tpu.memory_space<vmem>>
          %dma_start3A_199 = arith.constant 0 : i32
          %dma_start3A_200 = arith.constant 0 : i32
          %dma_start3A_201 = tpu.memref_slice %arg2[%dma_start3A_199, %dma_start3A_200] : memref<10000x128xf32, #tpu.memory_space<hbm>> -> memref<10000x128xf32, #tpu.memory_space<hbm>>
          tpu.enqueue_indirect_dma source(%dma_start3A_201 : memref<10000x128xf32, #tpu.memory_space<hbm>>) target(%arg13 : memref<64x128xf32, #tpu.memory_space<vmem>>) offsets(%dma_start3A_198 : memref<64xi32, #tpu.memory_space<vmem>>) semaphore(%arg18 : memref<!tpu.dma_semaphore, #tpu.memory_space<semaphore_mem>>)
        } else {
        }
        %eq3A_193 = arith.constant 1 : i32
        %eq3A_194 = arith.cmpi eq, %arg0, %eq3A_193 : i32
        %convert_element_type3A_195 = arith.extui %eq3A_194 : i1 to i32
        %cond3A_196 = arith.constant 0 : i32
        %cond3A_197 = arith.cmpi ne, %convert_element_type3A_195, %cond3A_196 : i32
        scf.if %cond3A_197 {
          %dma_start3A_198 = tpu.memref_slice %arg9[%mul3A_187] : memref<10240xi32, #tpu.memory_space<vmem>> -> memref<64xi32, #tpu.memory_space<vmem>>
          %dma_start3A_199 = arith.constant 0 : i32
          %dma_start3A_200 = arith.constant 0 : i32
          %dma_start3A_201 = tpu.memref_slice %arg3[%dma_start3A_199, %dma_start3A_200] : memref<10000x128xf32, #tpu.memory_space<hbm>> -> memref<10000x128xf32, #tpu.memory_space<hbm>>
          tpu.enqueue_indirect_dma source(%dma_start3A_201 : memref<10000x128xf32, #tpu.memory_space<hbm>>) target(%arg13 : memref<64x128xf32, #tpu.memory_space<vmem>>) offsets(%dma_start3A_198 : memref<64xi32, #tpu.memory_space<vmem>>) semaphore(%arg18 : memref<!tpu.dma_semaphore, #tpu.memory_space<semaphore_mem>>)
        } else {
        }
      } else {
      }
    }
    %scan3A_33 = arith.constant 40 : i32
    %dma_wait3A = arith.constant 0 : i32
    %dma_wait3A_34 = arith.constant 0 : i32
    %dma_wait3A_35 = tpu.memref_slice %arg10[%dma_wait3A, %dma_wait3A_34] : memref<8x64xi32, #tpu.memory_space<vmem>> -> memref<1x64xi32, #tpu.memory_space<vmem>>
    %dma_wait3A_36 = tpu.memref_squeeze %dma_wait3A_35 : memref<1x64xi32, #tpu.memory_space<vmem>> -> memref<64xi32, #tpu.memory_space<vmem>>
    %dma_wait3A_37 = arith.constant 0 : i32
    %dma_wait3A_38 = arith.constant 0 : i32
    %dma_wait3A_39 = tpu.memref_slice %arg15[%dma_wait3A_37, %dma_wait3A_38] : memref<10112x128xf32, #tpu.memory_space<vmem_shared>> -> memref<10112x128xf32, #tpu.memory_space<vmem_shared>>
    tpu.wait_indirect_dma semaphore(%arg23 : memref<!tpu.dma_semaphore, #tpu.memory_space<semaphore_mem>>) src(%arg14 : memref<64x128xf32, #tpu.memory_space<vmem>>) dst(%dma_wait3A_39 : memref<10112x128xf32, #tpu.memory_space<vmem_shared>>)
    %barrier3A_40 = arith.constant 0 : index
    tpu.barrier barrier_id(%barrier3A_40)
    %eq3A_41 = arith.constant 0 : i32
    %eq3A_42 = arith.cmpi eq, %arg0, %eq3A_41 : i32
    %lt3A = arith.constant 15 : i32
    %lt3A_43 = arith.cmpi slt, %arg1, %lt3A : i32
    %and3A = arith.andi %eq3A_42, %lt3A_43 : i1
    %convert_element_type3A_44 = arith.extui %and3A : i1 to i32
    %cond3A_45 = arith.constant 0 : i32
    %cond3A_46 = arith.cmpi ne, %convert_element_type3A_44, %cond3A_45 : i32
    scf.if %cond3A_46 {
      %mul3A_71 = arith.constant 632 : i32
      %mul3A_72 = arith.muli %arg1, %mul3A_71 : i32
      %mul3A_73 = arith.constant 632 : i32
      %mul3A_74 = arith.muli %arg1, %mul3A_73 : i32
      "tpu.region"() ({
        %run_scoped3A = tpu.sem_alloc : memref<!tpu.dma_semaphore, #tpu.memory_space<semaphore_mem>>
        %dma_start3A = arith.constant 0 : i32
        %dma_start3A_75 = tpu.memref_slice %arg7[%mul3A_74, %dma_start3A] : memref<10000x128xf32, #tpu.memory_space<hbm>> -> memref<632x128xf32, #tpu.memory_space<hbm>>
        %dma_start3A_76 = arith.constant 0 : i32
        %dma_start3A_77 = tpu.memref_slice %arg15[%mul3A_72, %dma_start3A_76] : memref<10112x128xf32, #tpu.memory_space<vmem_shared>> -> memref<632x128xf32, #tpu.memory_space<vmem_shared>>
        tpu.enqueue_dma source(%dma_start3A_77 : memref<632x128xf32, #tpu.memory_space<vmem_shared>>) target(%dma_start3A_75 : memref<632x128xf32, #tpu.memory_space<hbm>>) target_semaphore(%run_scoped3A : memref<!tpu.dma_semaphore, #tpu.memory_space<semaphore_mem>>)
        %dma_wait3A_78 = arith.constant 0 : i32
        %dma_wait3A_79 = tpu.memref_slice %arg7[%mul3A_74, %dma_wait3A_78] : memref<10000x128xf32, #tpu.memory_space<hbm>> -> memref<632x128xf32, #tpu.memory_space<hbm>>
        %dma_wait3A_80 = arith.constant 0 : i32
        %dma_wait3A_81 = tpu.memref_slice %arg15[%mul3A_72, %dma_wait3A_80] : memref<10112x128xf32, #tpu.memory_space<vmem_shared>> -> memref<632x128xf32, #tpu.memory_space<vmem_shared>>
        tpu.wait_dma2 semaphore(%run_scoped3A : memref<!tpu.dma_semaphore, #tpu.memory_space<semaphore_mem>>) src(%dma_wait3A_81 : memref<632x128xf32, #tpu.memory_space<vmem_shared>>) dst(%dma_wait3A_79 : memref<632x128xf32, #tpu.memory_space<hbm>>)
        tpu.yield
      }) : () -> ()
    } else {
    }
    %eq3A_47 = arith.constant 0 : i32
    %eq3A_48 = arith.cmpi eq, %arg0, %eq3A_47 : i32
    %eq3A_49 = arith.constant 15 : i32
    %eq3A_50 = arith.cmpi eq, %arg1, %eq3A_49 : i32
    %and3A_51 = arith.andi %eq3A_48, %eq3A_50 : i1
    %convert_element_type3A_52 = arith.extui %and3A_51 : i1 to i32
    %cond3A_53 = arith.constant 0 : i32
    %cond3A_54 = arith.cmpi ne, %convert_element_type3A_52, %cond3A_53 : i32
    scf.if %cond3A_54 {
      "tpu.region"() ({
        %run_scoped3A = tpu.sem_alloc : memref<!tpu.dma_semaphore, #tpu.memory_space<semaphore_mem>>
        %dma_start3A = arith.constant 9480 : i32
        %dma_start3A_71 = arith.constant 0 : i32
        %dma_start3A_72 = tpu.memref_slice %arg7[%dma_start3A, %dma_start3A_71] : memref<10000x128xf32, #tpu.memory_space<hbm>> -> memref<520x128xf32, #tpu.memory_space<hbm>>
        %dma_start3A_73 = arith.constant 9480 : i32
        %dma_start3A_74 = arith.constant 0 : i32
        %dma_start3A_75 = tpu.memref_slice %arg15[%dma_start3A_73, %dma_start3A_74] : memref<10112x128xf32, #tpu.memory_space<vmem_shared>> -> memref<520x128xf32, #tpu.memory_space<vmem_shared>>
        tpu.enqueue_dma source(%dma_start3A_75 : memref<520x128xf32, #tpu.memory_space<vmem_shared>>) target(%dma_start3A_72 : memref<520x128xf32, #tpu.memory_space<hbm>>) target_semaphore(%run_scoped3A : memref<!tpu.dma_semaphore, #tpu.memory_space<semaphore_mem>>)
        %dma_wait3A_76 = arith.constant 9480 : i32
        %dma_wait3A_77 = arith.constant 0 : i32
        %dma_wait3A_78 = tpu.memref_slice %arg7[%dma_wait3A_76, %dma_wait3A_77] : memref<10000x128xf32, #tpu.memory_space<hbm>> -> memref<520x128xf32, #tpu.memory_space<hbm>>
        %dma_wait3A_79 = arith.constant 9480 : i32
        %dma_wait3A_80 = arith.constant 0 : i32
        %dma_wait3A_81 = tpu.memref_slice %arg15[%dma_wait3A_79, %dma_wait3A_80] : memref<10112x128xf32, #tpu.memory_space<vmem_shared>> -> memref<520x128xf32, #tpu.memory_space<vmem_shared>>
        tpu.wait_dma2 semaphore(%run_scoped3A : memref<!tpu.dma_semaphore, #tpu.memory_space<semaphore_mem>>) src(%dma_wait3A_81 : memref<520x128xf32, #tpu.memory_space<vmem_shared>>) dst(%dma_wait3A_78 : memref<520x128xf32, #tpu.memory_space<hbm>>)
        tpu.yield
      }) : () -> ()
    } else {
    }
    %eq3A_55 = arith.constant 1 : i32
    %eq3A_56 = arith.cmpi eq, %arg0, %eq3A_55 : i32
    %lt3A_57 = arith.constant 15 : i32
    %lt3A_58 = arith.cmpi slt, %arg1, %lt3A_57 : i32
    %and3A_59 = arith.andi %eq3A_56, %lt3A_58 : i1
    %convert_element_type3A_60 = arith.extui %and3A_59 : i1 to i32
    %cond3A_61 = arith.constant 0 : i32
    %cond3A_62 = arith.cmpi ne, %convert_element_type3A_60, %cond3A_61 : i32
    scf.if %cond3A_62 {
      %mul3A_71 = arith.constant 632 : i32
      %mul3A_72 = arith.muli %arg1, %mul3A_71 : i32
      %mul3A_73 = arith.constant 632 : i32
      %mul3A_74 = arith.muli %arg1, %mul3A_73 : i32
      "tpu.region"() ({
        %run_scoped3A = tpu.sem_alloc : memref<!tpu.dma_semaphore, #tpu.memory_space<semaphore_mem>>
        %dma_start3A = arith.constant 0 : i32
        %dma_start3A_75 = tpu.memref_slice %arg8[%mul3A_74, %dma_start3A] : memref<10000x128xf32, #tpu.memory_space<hbm>> -> memref<632x128xf32, #tpu.memory_space<hbm>>
        %dma_start3A_76 = arith.constant 0 : i32
        %dma_start3A_77 = tpu.memref_slice %arg15[%mul3A_72, %dma_start3A_76] : memref<10112x128xf32, #tpu.memory_space<vmem_shared>> -> memref<632x128xf32, #tpu.memory_space<vmem_shared>>
        tpu.enqueue_dma source(%dma_start3A_77 : memref<632x128xf32, #tpu.memory_space<vmem_shared>>) target(%dma_start3A_75 : memref<632x128xf32, #tpu.memory_space<hbm>>) target_semaphore(%run_scoped3A : memref<!tpu.dma_semaphore, #tpu.memory_space<semaphore_mem>>)
        %dma_wait3A_78 = arith.constant 0 : i32
        %dma_wait3A_79 = tpu.memref_slice %arg8[%mul3A_74, %dma_wait3A_78] : memref<10000x128xf32, #tpu.memory_space<hbm>> -> memref<632x128xf32, #tpu.memory_space<hbm>>
        %dma_wait3A_80 = arith.constant 0 : i32
        %dma_wait3A_81 = tpu.memref_slice %arg15[%mul3A_72, %dma_wait3A_80] : memref<10112x128xf32, #tpu.memory_space<vmem_shared>> -> memref<632x128xf32, #tpu.memory_space<vmem_shared>>
        tpu.wait_dma2 semaphore(%run_scoped3A : memref<!tpu.dma_semaphore, #tpu.memory_space<semaphore_mem>>) src(%dma_wait3A_81 : memref<632x128xf32, #tpu.memory_space<vmem_shared>>) dst(%dma_wait3A_79 : memref<632x128xf32, #tpu.memory_space<hbm>>)
        tpu.yield
      }) : () -> ()
    } else {
    }
    %eq3A_63 = arith.constant 1 : i32
    %eq3A_64 = arith.cmpi eq, %arg0, %eq3A_63 : i32
    %eq3A_65 = arith.constant 15 : i32
    %eq3A_66 = arith.cmpi eq, %arg1, %eq3A_65 : i32
    %and3A_67 = arith.andi %eq3A_64, %eq3A_66 : i1
    %convert_element_type3A_68 = arith.extui %and3A_67 : i1 to i32
    %cond3A_69 = arith.constant 0 : i32
    %cond3A_70 = arith.cmpi ne, %convert_element_type3A_68, %cond3A_69 : i32
    scf.if %cond3A_70 {
      "tpu.region"() ({
        %run_scoped3A = tpu.sem_alloc : memref<!tpu.dma_semaphore, #tpu.memory_space<semaphore_mem>>
        %dma_start3A = arith.constant 9480 : i32
        %dma_start3A_71 = arith.constant 0 : i32
        %dma_start3A_72 = tpu.memref_slice %arg8[%dma_start3A, %dma_start3A_71] : memref<10000x128xf32, #tpu.memory_space<hbm>> -> memref<520x128xf32, #tpu.memory_space<hbm>>
        %dma_start3A_73 = arith.constant 9480 : i32
        %dma_start3A_74 = arith.constant 0 : i32
        %dma_start3A_75 = tpu.memref_slice %arg15[%dma_start3A_73, %dma_start3A_74] : memref<10112x128xf32, #tpu.memory_space<vmem_shared>> -> memref<520x128xf32, #tpu.memory_space<vmem_shared>>
        tpu.enqueue_dma source(%dma_start3A_75 : memref<520x128xf32, #tpu.memory_space<vmem_shared>>) target(%dma_start3A_72 : memref<520x128xf32, #tpu.memory_space<hbm>>) target_semaphore(%run_scoped3A : memref<!tpu.dma_semaphore, #tpu.memory_space<semaphore_mem>>)
        %dma_wait3A_76 = arith.constant 9480 : i32
        %dma_wait3A_77 = arith.constant 0 : i32
        %dma_wait3A_78 = tpu.memref_slice %arg8[%dma_wait3A_76, %dma_wait3A_77] : memref<10000x128xf32, #tpu.memory_space<hbm>> -> memref<520x128xf32, #tpu.memory_space<hbm>>
        %dma_wait3A_79 = arith.constant 9480 : i32
        %dma_wait3A_80 = arith.constant 0 : i32
        %dma_wait3A_81 = tpu.memref_slice %arg15[%dma_wait3A_79, %dma_wait3A_80] : memref<10112x128xf32, #tpu.memory_space<vmem_shared>> -> memref<520x128xf32, #tpu.memory_space<vmem_shared>>
        tpu.wait_dma2 semaphore(%run_scoped3A : memref<!tpu.dma_semaphore, #tpu.memory_space<semaphore_mem>>) src(%dma_wait3A_81 : memref<520x128xf32, #tpu.memory_space<vmem_shared>>) dst(%dma_wait3A_78 : memref<520x128xf32, #tpu.memory_space<hbm>>)
        tpu.yield
      }) : () -> ()
    } else {
    }
    return
  }
}

module attributes {stable_mosaic.version = 14 : i64} {
  func.func @_proj_body(%arg0: i32, %arg1: memref<1000x256xf32, #tpu.memory_space<vmem>>, %arg2: memref<256x256xbf16, #tpu.memory_space<vmem>>, %arg3: memref<1x256xf32, #tpu.memory_space<vmem>>, %arg4: memref<1000x128xf32, #tpu.memory_space<vmem>>, %arg5: memref<1000x128xf32, #tpu.memory_space<vmem>>) attributes {dimension_semantics = [#tpu.dimension_semantics<arbitrary>], iteration_bounds = array<i64: 10>, scalar_prefetch = 0 : i64, scratch_operands = 0 : i64, tpu.core_type = #tpu.core_type<tc>, window_params = [{transform_indices = @transform_0, window_bounds = array<i64: 1000, 256>}, {pipeline_mode = #tpu.pipeline_mode<synchronous>, transform_indices = @transform_1, window_bounds = array<i64: 256, 256>}, {pipeline_mode = #tpu.pipeline_mode<synchronous>, transform_indices = @transform_2, window_bounds = array<i64: 1, 256>}, {transform_indices = @transform_3, window_bounds = array<i64: 1000, 128>}, {transform_indices = @transform_4, window_bounds = array<i64: 1000, 128>}]} {
    %get3A = arith.constant 0 : index
    %get3A_0 = arith.constant 0 : index
    %get3A_1 = vector.load %arg1[%get3A, %get3A_0] : memref<1000x256xf32, #tpu.memory_space<vmem>>, vector<1000x256xf32>
    %convert_element_type3A = arith.truncf %get3A_1 : vector<1000x256xf32> to vector<1000x256xbf16>
    %get3A_2 = arith.constant 0 : index
    %get3A_3 = arith.constant 0 : index
    %get3A_4 = vector.load %arg2[%get3A_2, %get3A_3] : memref<256x256xbf16, #tpu.memory_space<vmem>>, vector<256x256xbf16>
    %dot_general3A = arith.constant dense<0.000000e+00> : vector<1000x256xf32>
    %dot_general3A_5 = tpu.matmul %convert_element_type3A, %get3A_4, %dot_general3A {dimension_numbers = #tpu.dot_dimension_numbers<[1], [0], [0], [1], [0, 0, 1, 1], [], []>, transpose_lhs_hint = false} : vector<1000x256xbf16>, vector<256x256xbf16>, vector<1000x256xf32> -> vector<1000x256xf32>
    %get3A_6 = arith.constant 0 : index
    %get3A_7 = arith.constant 0 : index
    %get3A_8 = vector.load %arg3[%get3A_6, %get3A_7] : memref<1x256xf32, #tpu.memory_space<vmem>>, vector<1x256xf32>
    %add3A = vector.broadcast %get3A_8 : vector<1x256xf32> to vector<1000x256xf32>
    %add3A_9 = arith.addf %dot_general3A_5, %add3A : vector<1000x256xf32>
    %max3A = arith.constant 0.000000e+00 : f32
    %max3A_10 = vector.broadcast %max3A : f32 to vector<1000x256xf32>
    %max3A_11 = arith.maximumf %add3A_9, %max3A_10 : vector<1000x256xf32>
    %slice3A = vector.extract_strided_slice %max3A_11 {offsets = [0, 0], sizes = [1000, 128], strides = [1, 1]} : vector<1000x256xf32> to vector<1000x128xf32>
    %swap3A = arith.constant 0 : index
    %swap3A_12 = arith.constant 0 : index
    %swap3A_13 = vector.load %arg4[%swap3A, %swap3A_12] : memref<1000x128xf32, #tpu.memory_space<vmem>>, vector<1000x128xf32>
    tpu.vector_store %arg4[%swap3A, %swap3A_12], %slice3A {strides = array<i32>} : memref<1000x128xf32, #tpu.memory_space<vmem>>, vector<1000x128xf32>,
    %slice3A_14 = vector.extract_strided_slice %max3A_11 {offsets = [0, 128], sizes = [1000, 128], strides = [1, 1]} : vector<1000x256xf32> to vector<1000x128xf32>
    %swap3A_15 = arith.constant 0 : index
    %swap3A_16 = arith.constant 0 : index
    %swap3A_17 = vector.load %arg5[%swap3A_15, %swap3A_16] : memref<1000x128xf32, #tpu.memory_space<vmem>>, vector<1000x128xf32>
    tpu.vector_store %arg5[%swap3A_15, %swap3A_16], %slice3A_14 {strides = array<i32>} : memref<1000x128xf32, #tpu.memory_space<vmem>>, vector<1000x128xf32>,
    return
  }
  func.func @transform_0(%arg0: i32) -> (i32, i32) {
    %c0_i32 = arith.constant 0 : i32
    %c0_i32_0 = arith.constant 0 : i32
    return %arg0, %c0_i32 : i32, i32
  }
  func.func @transform_1(%arg0: i32) -> (i32, i32) {
    %c0_i32 = arith.constant 0 : i32
    %c0_i32_0 = arith.constant 0 : i32
    %c0_i32_1 = arith.constant 0 : i32
    return %c0_i32, %c0_i32_0 : i32, i32
  }
  func.func @transform_2(%arg0: i32) -> (i32, i32) {
    %c0_i32 = arith.constant 0 : i32
    %c0_i32_0 = arith.constant 0 : i32
    %c0_i32_1 = arith.constant 0 : i32
    return %c0_i32, %c0_i32_0 : i32, i32
  }
  func.func @transform_3(%arg0: i32) -> (i32, i32) {
    %c0_i32 = arith.constant 0 : i32
    %c0_i32_0 = arith.constant 0 : i32
    return %arg0, %c0_i32 : i32, i32
  }
  func.func @transform_4(%arg0: i32) -> (i32, i32) {
    %c0_i32 = arith.constant 0 : i32
    %c0_i32_0 = arith.constant 0 : i32
    return %arg0, %c0_i32 : i32, i32
  }
}

module attributes {stable_mosaic.version = 14 : i64} {
  func.func @_mlpbn_final_body(%arg0: i32, %arg1: i32, %arg2: memref<1000x128xf32, #tpu.memory_space<vmem>>, %arg3: memref<1000x128xf32, #tpu.memory_space<vmem>>, %arg4: memref<1000x128xf32, #tpu.memory_space<vmem>>, %arg5: memref<1000x128xf32, #tpu.memory_space<vmem>>, %arg6: memref<256x256xbf16, #tpu.memory_space<vmem>>, %arg7: memref<1x256xf32, #tpu.memory_space<vmem>>, %arg8: memref<256x256xbf16, #tpu.memory_space<vmem>>, %arg9: memref<1x256xf32, #tpu.memory_space<vmem>>, %arg10: memref<1x256xf32, #tpu.memory_space<vmem>>, %arg11: memref<1x256xf32, #tpu.memory_space<vmem>>, %arg12: memref<1000x128xf32, #tpu.memory_space<vmem>>, %arg13: memref<1000x128xf32, #tpu.memory_space<vmem>>, %arg14: memref<1000x256xf32, #tpu.memory_space<vmem>>, %arg15: memref<10x1000x256xf32, #tpu.memory_space<vmem>>, %arg16: memref<1x256xf32, #tpu.memory_space<vmem>>, %arg17: memref<1x256xf32, #tpu.memory_space<vmem>>) attributes {dimension_semantics = [#tpu.dimension_semantics<arbitrary>, #tpu.dimension_semantics<arbitrary>], iteration_bounds = array<i64: 2, 10>, scalar_prefetch = 0 : i64, scratch_operands = 3 : i64, tpu.core_type = #tpu.core_type<tc>, window_params = [{transform_indices = @transform_0, window_bounds = array<i64: 1000, 128>}, {transform_indices = @transform_1, window_bounds = array<i64: 1000, 128>}, {transform_indices = @transform_2, window_bounds = array<i64: 1000, 128>}, {transform_indices = @transform_3, window_bounds = array<i64: 1000, 128>}, {pipeline_mode = #tpu.pipeline_mode<synchronous>, transform_indices = @transform_4, window_bounds = array<i64: 256, 256>}, {pipeline_mode = #tpu.pipeline_mode<synchronous>, transform_indices = @transform_5, window_bounds = array<i64: 1, 256>}, {pipeline_mode = #tpu.pipeline_mode<synchronous>, transform_indices = @transform_6, window_bounds = array<i64: 256, 256>}, {pipeline_mode = #tpu.pipeline_mode<synchronous>, transform_indices = @transform_7, window_bounds = array<i64: 1, 256>}, {pipeline_mode = #tpu.pipeline_mode<synchronous>, transform_indices = @transform_8, window_bounds = array<i64: 1, 256>}, {pipeline_mode = #tpu.pipeline_mode<synchronous>, transform_indices = @transform_9, window_bounds = array<i64: 1, 256>}, {transform_indices = @transform_10, window_bounds = array<i64: 1000, 128>}, {transform_indices = @transform_11, window_bounds = array<i64: 1000, 128>}, {transform_indices = @transform_12, window_bounds = array<i64: 1000, 256>}]} {
    %eq3A = arith.constant 0 : i32
    %eq3A_0 = arith.cmpi eq, %arg0, %eq3A : i32
    %convert_element_type3A = arith.extui %eq3A_0 : i1 to i32
    %cond3A = arith.constant 0 : i32
    %cond3A_1 = arith.cmpi ne, %convert_element_type3A, %cond3A : i32
    scf.if %cond3A_1 {
      %get3A_39 = arith.constant 0 : index
      %get3A_40 = arith.constant 0 : index
      %get3A_41 = vector.load %arg2[%get3A_39, %get3A_40] : memref<1000x128xf32, #tpu.memory_space<vmem>>, vector<1000x128xf32>
      %get3A_42 = arith.constant 0 : index
      %get3A_43 = arith.constant 0 : index
      %get3A_44 = vector.load %arg4[%get3A_42, %get3A_43] : memref<1000x128xf32, #tpu.memory_space<vmem>>, vector<1000x128xf32>
      %add3A_45 = arith.addf %get3A_41, %get3A_44 : vector<1000x128xf32>
      %get3A_46 = arith.constant 0 : index
      %get3A_47 = arith.constant 0 : index
      %get3A_48 = vector.load %arg3[%get3A_46, %get3A_47] : memref<1000x128xf32, #tpu.memory_space<vmem>>, vector<1000x128xf32>
      %get3A_49 = arith.constant 0 : index
      %get3A_50 = arith.constant 0 : index
      %get3A_51 = vector.load %arg5[%get3A_49, %get3A_50] : memref<1000x128xf32, #tpu.memory_space<vmem>>, vector<1000x128xf32>
      %add3A_52 = arith.addf %get3A_48, %get3A_51 : vector<1000x128xf32>
      %concatenate3A = tpu.concatenate %add3A_45, %add3A_52 in 1 : vector<1000x128xf32>, vector<1000x128xf32> -> vector<1000x256xf32>
      %convert_element_type3A_53 = arith.truncf %concatenate3A : vector<1000x256xf32> to vector<1000x256xbf16>
      %get3A_54 = arith.constant 0 : index
      %get3A_55 = arith.constant 0 : index
      %get3A_56 = vector.load %arg6[%get3A_54, %get3A_55] : memref<256x256xbf16, #tpu.memory_space<vmem>>, vector<256x256xbf16>
      %dot_general3A = arith.constant dense<0.000000e+00> : vector<1000x256xf32>
      %dot_general3A_57 = tpu.matmul %convert_element_type3A_53, %get3A_56, %dot_general3A {dimension_numbers = #tpu.dot_dimension_numbers<[1], [0], [0], [1], [0, 0, 1, 1], [], []>, transpose_lhs_hint = false} : vector<1000x256xbf16>, vector<256x256xbf16>, vector<1000x256xf32> -> vector<1000x256xf32>
      %get3A_58 = arith.constant 0 : index
      %get3A_59 = arith.constant 0 : index
      %get3A_60 = vector.load %arg7[%get3A_58, %get3A_59] : memref<1x256xf32, #tpu.memory_space<vmem>>, vector<1x256xf32>
      %add3A_61 = vector.broadcast %get3A_60 : vector<1x256xf32> to vector<1000x256xf32>
      %add3A_62 = arith.addf %dot_general3A_57, %add3A_61 : vector<1000x256xf32>
      %max3A_63 = arith.constant 0.000000e+00 : f32
      %max3A_64 = vector.broadcast %max3A_63 : f32 to vector<1000x256xf32>
      %max3A_65 = arith.maximumf %add3A_62, %max3A_64 : vector<1000x256xf32>
      %convert_element_type3A_66 = arith.truncf %max3A_65 : vector<1000x256xf32> to vector<1000x256xbf16>
      %get3A_67 = arith.constant 0 : index
      %get3A_68 = arith.constant 0 : index
      %get3A_69 = vector.load %arg8[%get3A_67, %get3A_68] : memref<256x256xbf16, #tpu.memory_space<vmem>>, vector<256x256xbf16>
      %dot_general3A_70 = arith.constant dense<0.000000e+00> : vector<1000x256xf32>
      %dot_general3A_71 = tpu.matmul %convert_element_type3A_66, %get3A_69, %dot_general3A_70 {dimension_numbers = #tpu.dot_dimension_numbers<[1], [0], [0], [1], [0, 0, 1, 1], [], []>, transpose_lhs_hint = false} : vector<1000x256xbf16>, vector<256x256xbf16>, vector<1000x256xf32> -> vector<1000x256xf32>
      %get3A_72 = arith.constant 0 : index
      %get3A_73 = arith.constant 0 : index
      %get3A_74 = vector.load %arg9[%get3A_72, %get3A_73] : memref<1x256xf32, #tpu.memory_space<vmem>>, vector<1x256xf32>
      %add3A_75 = vector.broadcast %get3A_74 : vector<1x256xf32> to vector<1000x256xf32>
      %add3A_76 = arith.addf %dot_general3A_71, %add3A_75 : vector<1000x256xf32>
      %swap3A = arith.index_cast %arg1 : i32 to index
      %swap3A_77 = arith.constant 0 : index
      %swap3A_78 = arith.constant 0 : index
      %swap3A_79 = vector.load %arg15[%swap3A, %swap3A_77, %swap3A_78] : memref<10x1000x256xf32, #tpu.memory_space<vmem>>, vector<1x1000x256xf32>
      %swap3A_80 = vector.shape_cast %swap3A_79 : vector<1x1000x256xf32> to vector<1000x256xf32>
      %swap3A_81 = vector.shape_cast %add3A_76 : vector<1000x256xf32> to vector<1x1000x256xf32>
      tpu.vector_store %arg15[%swap3A, %swap3A_77, %swap3A_78], %swap3A_81 {strides = array<i32>} : memref<10x1000x256xf32, #tpu.memory_space<vmem>>, vector<1x1000x256xf32>,
      %reduce_sum3A = arith.constant dense<0.000000e+00> : vector<256xf32>
      %reduce_sum3A_82 = vector.multi_reduction <add>, %add3A_76, %reduce_sum3A [0] : vector<1000x256xf32> to vector<256xf32>
      %broadcast_in_dim3A = vector.shape_cast %reduce_sum3A_82 : vector<256xf32> to vector<1x256xf32>
      %mul3A_83 = arith.mulf %add3A_76, %add3A_76 : vector<1000x256xf32>
      %reduce_sum3A_84 = arith.constant dense<0.000000e+00> : vector<256xf32>
      %reduce_sum3A_85 = vector.multi_reduction <add>, %mul3A_83, %reduce_sum3A_84 [0] : vector<1000x256xf32> to vector<256xf32>
      %broadcast_in_dim3A_86 = vector.shape_cast %reduce_sum3A_85 : vector<256xf32> to vector<1x256xf32>
      %eq3A_87 = arith.constant 0 : i32
      %eq3A_88 = arith.cmpi eq, %arg1, %eq3A_87 : i32
      %convert_element_type3A_89 = arith.extui %eq3A_88 : i1 to i32
      %cond3A_90 = arith.constant 0 : i32
      %cond3A_91 = arith.cmpi ne, %convert_element_type3A_89, %cond3A_90 : i32
      scf.if %cond3A_91 {
        %swap3A_96 = arith.constant 0 : index
        %swap3A_97 = arith.constant 0 : index
        %swap3A_98 = vector.load %arg16[%swap3A_96, %swap3A_97] : memref<1x256xf32, #tpu.memory_space<vmem>>, vector<1x256xf32>
        tpu.vector_store %arg16[%swap3A_96, %swap3A_97], %broadcast_in_dim3A {strides = array<i32>} : memref<1x256xf32, #tpu.memory_space<vmem>>, vector<1x256xf32>,
        %swap3A_99 = arith.constant 0 : index
        %swap3A_100 = arith.constant 0 : index
        %swap3A_101 = vector.load %arg17[%swap3A_99, %swap3A_100] : memref<1x256xf32, #tpu.memory_space<vmem>>, vector<1x256xf32>
        tpu.vector_store %arg17[%swap3A_99, %swap3A_100], %broadcast_in_dim3A_86 {strides = array<i32>} : memref<1x256xf32, #tpu.memory_space<vmem>>, vector<1x256xf32>,
      } else {
      }
      %gt3A = arith.constant 0 : i32
      %gt3A_92 = arith.cmpi sgt, %arg1, %gt3A : i32
      %convert_element_type3A_93 = arith.extui %gt3A_92 : i1 to i32
      %cond3A_94 = arith.constant 0 : i32
      %cond3A_95 = arith.cmpi ne, %convert_element_type3A_93, %cond3A_94 : i32
      scf.if %cond3A_95 {
        %get3A_96 = arith.constant 0 : index
        %get3A_97 = arith.constant 0 : index
        %get3A_98 = vector.load %arg16[%get3A_96, %get3A_97] : memref<1x256xf32, #tpu.memory_space<vmem>>, vector<1x256xf32>
        %add3A_99 = arith.addf %get3A_98, %broadcast_in_dim3A : vector<1x256xf32>
        %swap3A_100 = arith.constant 0 : index
        %swap3A_101 = arith.constant 0 : index
        %swap3A_102 = vector.load %arg16[%swap3A_100, %swap3A_101] : memref<1x256xf32, #tpu.memory_space<vmem>>, vector<1x256xf32>
        tpu.vector_store %arg16[%swap3A_100, %swap3A_101], %add3A_99 {strides = array<i32>} : memref<1x256xf32, #tpu.memory_space<vmem>>, vector<1x256xf32>,
        %get3A_103 = arith.constant 0 : index
        %get3A_104 = arith.constant 0 : index
        %get3A_105 = vector.load %arg17[%get3A_103, %get3A_104] : memref<1x256xf32, #tpu.memory_space<vmem>>, vector<1x256xf32>
        %add3A_106 = arith.addf %get3A_105, %broadcast_in_dim3A_86 : vector<1x256xf32>
        %swap3A_107 = arith.constant 0 : index
        %swap3A_108 = arith.constant 0 : index
        %swap3A_109 = vector.load %arg17[%swap3A_107, %swap3A_108] : memref<1x256xf32, #tpu.memory_space<vmem>>, vector<1x256xf32>
        tpu.vector_store %arg17[%swap3A_107, %swap3A_108], %add3A_106 {strides = array<i32>} : memref<1x256xf32, #tpu.memory_space<vmem>>, vector<1x256xf32>,
      } else {
      }
    } else {
    }
    %get3A = arith.constant 0 : index
    %get3A_2 = arith.constant 0 : index
    %get3A_3 = vector.load %arg16[%get3A, %get3A_2] : memref<1x256xf32, #tpu.memory_space<vmem>>, vector<1x256xf32>
    %mul3A = arith.constant 9.99999974E-5 : f32
    %mul3A_4 = vector.broadcast %mul3A : f32 to vector<1x256xf32>
    %mul3A_5 = arith.mulf %get3A_3, %mul3A_4 : vector<1x256xf32>
    %get3A_6 = arith.constant 0 : index
    %get3A_7 = arith.constant 0 : index
    %get3A_8 = vector.load %arg17[%get3A_6, %get3A_7] : memref<1x256xf32, #tpu.memory_space<vmem>>, vector<1x256xf32>
    %mul3A_9 = arith.constant 9.99999974E-5 : f32
    %mul3A_10 = vector.broadcast %mul3A_9 : f32 to vector<1x256xf32>
    %mul3A_11 = arith.mulf %get3A_8, %mul3A_10 : vector<1x256xf32>
    %mul3A_12 = arith.mulf %mul3A_5, %mul3A_5 : vector<1x256xf32>
    %sub3A = arith.subf %mul3A_11, %mul3A_12 : vector<1x256xf32>
    %get3A_13 = arith.constant 0 : index
    %get3A_14 = arith.constant 0 : index
    %get3A_15 = vector.load %arg10[%get3A_13, %get3A_14] : memref<1x256xf32, #tpu.memory_space<vmem>>, vector<1x256xf32>
    %add3A = arith.constant 9.99999974E-6 : f32
    %add3A_16 = vector.broadcast %add3A : f32 to vector<1x256xf32>
    %add3A_17 = arith.addf %sub3A, %add3A_16 : vector<1x256xf32>
    %sqrt3A = math.sqrt %add3A_17 : vector<1x256xf32>
    %div3A = arith.divf %get3A_15, %sqrt3A : vector<1x256xf32>
    %get3A_18 = arith.index_cast %arg1 : i32 to index
    %get3A_19 = arith.constant 0 : index
    %get3A_20 = arith.constant 0 : index
    %get3A_21 = vector.load %arg15[%get3A_18, %get3A_19, %get3A_20] : memref<10x1000x256xf32, #tpu.memory_space<vmem>>, vector<1x1000x256xf32>
    %get3A_22 = vector.shape_cast %get3A_21 : vector<1x1000x256xf32> to vector<1000x256xf32>
    %sub3A_23 = vector.broadcast %mul3A_5 : vector<1x256xf32> to vector<1000x256xf32>
    %sub3A_24 = arith.subf %get3A_22, %sub3A_23 : vector<1000x256xf32>
    %mul3A_25 = vector.broadcast %div3A : vector<1x256xf32> to vector<1000x256xf32>
    %mul3A_26 = arith.mulf %sub3A_24, %mul3A_25 : vector<1000x256xf32>
    %get3A_27 = arith.constant 0 : index
    %get3A_28 = arith.constant 0 : index
    %get3A_29 = vector.load %arg11[%get3A_27, %get3A_28] : memref<1x256xf32, #tpu.memory_space<vmem>>, vector<1x256xf32>
    %add3A_30 = vector.broadcast %get3A_29 : vector<1x256xf32> to vector<1000x256xf32>
    %add3A_31 = arith.addf %mul3A_26, %add3A_30 : vector<1000x256xf32>
    %max3A = arith.constant 0.000000e+00 : f32
    %max3A_32 = vector.broadcast %max3A : f32 to vector<1000x256xf32>
    %max3A_33 = arith.maximumf %add3A_31, %max3A_32 : vector<1000x256xf32>
    %eq3A_34 = arith.constant 1 : i32
    %eq3A_35 = arith.cmpi eq, %arg0, %eq3A_34 : i32
    %convert_element_type3A_36 = arith.extui %eq3A_35 : i1 to i32
    %cond3A_37 = arith.constant 0 : i32
    %cond3A_38 = arith.cmpi ne, %convert_element_type3A_36, %cond3A_37 : i32
    scf.if %cond3A_38 {
      %get3A_39 = arith.constant 0 : index
      %get3A_40 = arith.constant 0 : index
      %get3A_41 = vector.load %arg12[%get3A_39, %get3A_40] : memref<1000x128xf32, #tpu.memory_space<vmem>>, vector<1000x128xf32>
      %get3A_42 = arith.constant 0 : index
      %get3A_43 = arith.constant 0 : index
      %get3A_44 = vector.load %arg13[%get3A_42, %get3A_43] : memref<1000x128xf32, #tpu.memory_space<vmem>>, vector<1000x128xf32>
      %concatenate3A = tpu.concatenate %get3A_41, %get3A_44 in 1 : vector<1000x128xf32>, vector<1000x128xf32> -> vector<1000x256xf32>
      %add3A_45 = arith.addf %max3A_33, %concatenate3A : vector<1000x256xf32>
      %swap3A = arith.constant 0 : index
      %swap3A_46 = arith.constant 0 : index
      %swap3A_47 = vector.load %arg14[%swap3A, %swap3A_46] : memref<1000x256xf32, #tpu.memory_space<vmem>>, vector<1000x256xf32>
      tpu.vector_store %arg14[%swap3A, %swap3A_46], %add3A_45 {strides = array<i32>} : memref<1000x256xf32, #tpu.memory_space<vmem>>, vector<1000x256xf32>,
    } else {
    }
    return
  }
  func.func @transform_0(%arg0: i32, %arg1: i32) -> (i32, i32) {
    %sub3A = arith.constant 1 : i32
    %sub3A_0 = arith.subi %sub3A, %arg0 : i32
    %mul3A = arith.muli %sub3A_0, %arg1 : i32
    %c0_i32 = arith.constant 0 : i32
    %c0_i32_1 = arith.constant 0 : i32
    return %mul3A, %c0_i32 : i32, i32
  }
  func.func @transform_1(%arg0: i32, %arg1: i32) -> (i32, i32) {
    %sub3A = arith.constant 1 : i32
    %sub3A_0 = arith.subi %sub3A, %arg0 : i32
    %mul3A = arith.muli %sub3A_0, %arg1 : i32
    %c0_i32 = arith.constant 0 : i32
    %c0_i32_1 = arith.constant 0 : i32
    return %mul3A, %c0_i32 : i32, i32
  }
  func.func @transform_2(%arg0: i32, %arg1: i32) -> (i32, i32) {
    %sub3A = arith.constant 1 : i32
    %sub3A_0 = arith.subi %sub3A, %arg0 : i32
    %mul3A = arith.muli %sub3A_0, %arg1 : i32
    %c0_i32 = arith.constant 0 : i32
    %c0_i32_1 = arith.constant 0 : i32
    return %mul3A, %c0_i32 : i32, i32
  }
  func.func @transform_3(%arg0: i32, %arg1: i32) -> (i32, i32) {
    %sub3A = arith.constant 1 : i32
    %sub3A_0 = arith.subi %sub3A, %arg0 : i32
    %mul3A = arith.muli %sub3A_0, %arg1 : i32
    %c0_i32 = arith.constant 0 : i32
    %c0_i32_1 = arith.constant 0 : i32
    return %mul3A, %c0_i32 : i32, i32
  }
  func.func @transform_4(%arg0: i32, %arg1: i32) -> (i32, i32) {
    %c0_i32 = arith.constant 0 : i32
    %c0_i32_0 = arith.constant 0 : i32
    %c0_i32_1 = arith.constant 0 : i32
    return %c0_i32, %c0_i32_0 : i32, i32
  }
  func.func @transform_5(%arg0: i32, %arg1: i32) -> (i32, i32) {
    %c0_i32 = arith.constant 0 : i32
    %c0_i32_0 = arith.constant 0 : i32
    %c0_i32_1 = arith.constant 0 : i32
    return %c0_i32, %c0_i32_0 : i32, i32
  }
  func.func @transform_6(%arg0: i32, %arg1: i32) -> (i32, i32) {
    %c0_i32 = arith.constant 0 : i32
    %c0_i32_0 = arith.constant 0 : i32
    %c0_i32_1 = arith.constant 0 : i32
    return %c0_i32, %c0_i32_0 : i32, i32
  }
  func.func @transform_7(%arg0: i32, %arg1: i32) -> (i32, i32) {
    %c0_i32 = arith.constant 0 : i32
    %c0_i32_0 = arith.constant 0 : i32
    %c0_i32_1 = arith.constant 0 : i32
    return %c0_i32, %c0_i32_0 : i32, i32
  }
  func.func @transform_8(%arg0: i32, %arg1: i32) -> (i32, i32) {
    %c0_i32 = arith.constant 0 : i32
    %c0_i32_0 = arith.constant 0 : i32
    %c0_i32_1 = arith.constant 0 : i32
    return %c0_i32, %c0_i32_0 : i32, i32
  }
  func.func @transform_9(%arg0: i32, %arg1: i32) -> (i32, i32) {
    %c0_i32 = arith.constant 0 : i32
    %c0_i32_0 = arith.constant 0 : i32
    %c0_i32_1 = arith.constant 0 : i32
    return %c0_i32, %c0_i32_0 : i32, i32
  }
  func.func @transform_10(%arg0: i32, %arg1: i32) -> (i32, i32) {
    %mul3A = arith.muli %arg0, %arg1 : i32
    %c0_i32 = arith.constant 0 : i32
    %c0_i32_0 = arith.constant 0 : i32
    return %mul3A, %c0_i32 : i32, i32
  }
  func.func @transform_11(%arg0: i32, %arg1: i32) -> (i32, i32) {
    %mul3A = arith.muli %arg0, %arg1 : i32
    %c0_i32 = arith.constant 0 : i32
    %c0_i32_0 = arith.constant 0 : i32
    return %mul3A, %c0_i32 : i32, i32
  }
  func.func @transform_12(%arg0: i32, %arg1: i32) -> (i32, i32) {
    %c0_i32 = arith.constant 0 : i32
    %c0_i32_0 = arith.constant 0 : i32
    return %arg1, %c0_i32 : i32, i32
  }
}

module attributes {stable_mosaic.version = 14 : i64} {
  func.func @_mlpbn_mid_body(%arg0: i32, %arg1: i32, %arg2: memref<1000x128xf32, #tpu.memory_space<vmem>>, %arg3: memref<1000x128xf32, #tpu.memory_space<vmem>>, %arg4: memref<1000x128xf32, #tpu.memory_space<vmem>>, %arg5: memref<1000x128xf32, #tpu.memory_space<vmem>>, %arg6: memref<256x256xbf16, #tpu.memory_space<vmem>>, %arg7: memref<1x256xf32, #tpu.memory_space<vmem>>, %arg8: memref<256x256xbf16, #tpu.memory_space<vmem>>, %arg9: memref<1x256xf32, #tpu.memory_space<vmem>>, %arg10: memref<1x256xf32, #tpu.memory_space<vmem>>, %arg11: memref<1x256xf32, #tpu.memory_space<vmem>>, %arg12: memref<1000x128xf32, #tpu.memory_space<vmem>>, %arg13: memref<1000x128xf32, #tpu.memory_space<vmem>>, %arg14: memref<10x1000x256xf32, #tpu.memory_space<vmem>>, %arg15: memref<1x256xf32, #tpu.memory_space<vmem>>, %arg16: memref<1x256xf32, #tpu.memory_space<vmem>>) attributes {dimension_semantics = [#tpu.dimension_semantics<arbitrary>, #tpu.dimension_semantics<arbitrary>], iteration_bounds = array<i64: 2, 10>, scalar_prefetch = 0 : i64, scratch_operands = 3 : i64, tpu.core_type = #tpu.core_type<tc>, window_params = [{transform_indices = @transform_0, window_bounds = array<i64: 1000, 128>}, {transform_indices = @transform_1, window_bounds = array<i64: 1000, 128>}, {transform_indices = @transform_2, window_bounds = array<i64: 1000, 128>}, {transform_indices = @transform_3, window_bounds = array<i64: 1000, 128>}, {pipeline_mode = #tpu.pipeline_mode<synchronous>, transform_indices = @transform_4, window_bounds = array<i64: 256, 256>}, {pipeline_mode = #tpu.pipeline_mode<synchronous>, transform_indices = @transform_5, window_bounds = array<i64: 1, 256>}, {pipeline_mode = #tpu.pipeline_mode<synchronous>, transform_indices = @transform_6, window_bounds = array<i64: 256, 256>}, {pipeline_mode = #tpu.pipeline_mode<synchronous>, transform_indices = @transform_7, window_bounds = array<i64: 1, 256>}, {pipeline_mode = #tpu.pipeline_mode<synchronous>, transform_indices = @transform_8, window_bounds = array<i64: 1, 256>}, {pipeline_mode = #tpu.pipeline_mode<synchronous>, transform_indices = @transform_9, window_bounds = array<i64: 1, 256>}, {transform_indices = @transform_10, window_bounds = array<i64: 1000, 128>}, {transform_indices = @transform_11, window_bounds = array<i64: 1000, 128>}]} {
    %eq3A = arith.constant 0 : i32
    %eq3A_0 = arith.cmpi eq, %arg0, %eq3A : i32
    %convert_element_type3A = arith.extui %eq3A_0 : i1 to i32
    %cond3A = arith.constant 0 : i32
    %cond3A_1 = arith.cmpi ne, %convert_element_type3A, %cond3A : i32
    scf.if %cond3A_1 {
      %get3A_39 = arith.constant 0 : index
      %get3A_40 = arith.constant 0 : index
      %get3A_41 = vector.load %arg2[%get3A_39, %get3A_40] : memref<1000x128xf32, #tpu.memory_space<vmem>>, vector<1000x128xf32>
      %get3A_42 = arith.constant 0 : index
      %get3A_43 = arith.constant 0 : index
      %get3A_44 = vector.load %arg4[%get3A_42, %get3A_43] : memref<1000x128xf32, #tpu.memory_space<vmem>>, vector<1000x128xf32>
      %add3A_45 = arith.addf %get3A_41, %get3A_44 : vector<1000x128xf32>
      %get3A_46 = arith.constant 0 : index
      %get3A_47 = arith.constant 0 : index
      %get3A_48 = vector.load %arg3[%get3A_46, %get3A_47] : memref<1000x128xf32, #tpu.memory_space<vmem>>, vector<1000x128xf32>
      %get3A_49 = arith.constant 0 : index
      %get3A_50 = arith.constant 0 : index
      %get3A_51 = vector.load %arg5[%get3A_49, %get3A_50] : memref<1000x128xf32, #tpu.memory_space<vmem>>, vector<1000x128xf32>
      %add3A_52 = arith.addf %get3A_48, %get3A_51 : vector<1000x128xf32>
      %concatenate3A = tpu.concatenate %add3A_45, %add3A_52 in 1 : vector<1000x128xf32>, vector<1000x128xf32> -> vector<1000x256xf32>
      %convert_element_type3A_53 = arith.truncf %concatenate3A : vector<1000x256xf32> to vector<1000x256xbf16>
      %get3A_54 = arith.constant 0 : index
      %get3A_55 = arith.constant 0 : index
      %get3A_56 = vector.load %arg6[%get3A_54, %get3A_55] : memref<256x256xbf16, #tpu.memory_space<vmem>>, vector<256x256xbf16>
      %dot_general3A = arith.constant dense<0.000000e+00> : vector<1000x256xf32>
      %dot_general3A_57 = tpu.matmul %convert_element_type3A_53, %get3A_56, %dot_general3A {dimension_numbers = #tpu.dot_dimension_numbers<[1], [0], [0], [1], [0, 0, 1, 1], [], []>, transpose_lhs_hint = false} : vector<1000x256xbf16>, vector<256x256xbf16>, vector<1000x256xf32> -> vector<1000x256xf32>
      %get3A_58 = arith.constant 0 : index
      %get3A_59 = arith.constant 0 : index
      %get3A_60 = vector.load %arg7[%get3A_58, %get3A_59] : memref<1x256xf32, #tpu.memory_space<vmem>>, vector<1x256xf32>
      %add3A_61 = vector.broadcast %get3A_60 : vector<1x256xf32> to vector<1000x256xf32>
      %add3A_62 = arith.addf %dot_general3A_57, %add3A_61 : vector<1000x256xf32>
      %max3A_63 = arith.constant 0.000000e+00 : f32
      %max3A_64 = vector.broadcast %max3A_63 : f32 to vector<1000x256xf32>
      %max3A_65 = arith.maximumf %add3A_62, %max3A_64 : vector<1000x256xf32>
      %convert_element_type3A_66 = arith.truncf %max3A_65 : vector<1000x256xf32> to vector<1000x256xbf16>
      %get3A_67 = arith.constant 0 : index
      %get3A_68 = arith.constant 0 : index
      %get3A_69 = vector.load %arg8[%get3A_67, %get3A_68] : memref<256x256xbf16, #tpu.memory_space<vmem>>, vector<256x256xbf16>
      %dot_general3A_70 = arith.constant dense<0.000000e+00> : vector<1000x256xf32>
      %dot_general3A_71 = tpu.matmul %convert_element_type3A_66, %get3A_69, %dot_general3A_70 {dimension_numbers = #tpu.dot_dimension_numbers<[1], [0], [0], [1], [0, 0, 1, 1], [], []>, transpose_lhs_hint = false} : vector<1000x256xbf16>, vector<256x256xbf16>, vector<1000x256xf32> -> vector<1000x256xf32>
      %get3A_72 = arith.constant 0 : index
      %get3A_73 = arith.constant 0 : index
      %get3A_74 = vector.load %arg9[%get3A_72, %get3A_73] : memref<1x256xf32, #tpu.memory_space<vmem>>, vector<1x256xf32>
      %add3A_75 = vector.broadcast %get3A_74 : vector<1x256xf32> to vector<1000x256xf32>
      %add3A_76 = arith.addf %dot_general3A_71, %add3A_75 : vector<1000x256xf32>
      %swap3A = arith.index_cast %arg1 : i32 to index
      %swap3A_77 = arith.constant 0 : index
      %swap3A_78 = arith.constant 0 : index
      %swap3A_79 = vector.load %arg14[%swap3A, %swap3A_77, %swap3A_78] : memref<10x1000x256xf32, #tpu.memory_space<vmem>>, vector<1x1000x256xf32>
      %swap3A_80 = vector.shape_cast %swap3A_79 : vector<1x1000x256xf32> to vector<1000x256xf32>
      %swap3A_81 = vector.shape_cast %add3A_76 : vector<1000x256xf32> to vector<1x1000x256xf32>
      tpu.vector_store %arg14[%swap3A, %swap3A_77, %swap3A_78], %swap3A_81 {strides = array<i32>} : memref<10x1000x256xf32, #tpu.memory_space<vmem>>, vector<1x1000x256xf32>,
      %reduce_sum3A = arith.constant dense<0.000000e+00> : vector<256xf32>
      %reduce_sum3A_82 = vector.multi_reduction <add>, %add3A_76, %reduce_sum3A [0] : vector<1000x256xf32> to vector<256xf32>
      %broadcast_in_dim3A = vector.shape_cast %reduce_sum3A_82 : vector<256xf32> to vector<1x256xf32>
      %mul3A_83 = arith.mulf %add3A_76, %add3A_76 : vector<1000x256xf32>
      %reduce_sum3A_84 = arith.constant dense<0.000000e+00> : vector<256xf32>
      %reduce_sum3A_85 = vector.multi_reduction <add>, %mul3A_83, %reduce_sum3A_84 [0] : vector<1000x256xf32> to vector<256xf32>
      %broadcast_in_dim3A_86 = vector.shape_cast %reduce_sum3A_85 : vector<256xf32> to vector<1x256xf32>
      %eq3A_87 = arith.constant 0 : i32
      %eq3A_88 = arith.cmpi eq, %arg1, %eq3A_87 : i32
      %convert_element_type3A_89 = arith.extui %eq3A_88 : i1 to i32
      %cond3A_90 = arith.constant 0 : i32
      %cond3A_91 = arith.cmpi ne, %convert_element_type3A_89, %cond3A_90 : i32
      scf.if %cond3A_91 {
        %swap3A_96 = arith.constant 0 : index
        %swap3A_97 = arith.constant 0 : index
        %swap3A_98 = vector.load %arg15[%swap3A_96, %swap3A_97] : memref<1x256xf32, #tpu.memory_space<vmem>>, vector<1x256xf32>
        tpu.vector_store %arg15[%swap3A_96, %swap3A_97], %broadcast_in_dim3A {strides = array<i32>} : memref<1x256xf32, #tpu.memory_space<vmem>>, vector<1x256xf32>,
        %swap3A_99 = arith.constant 0 : index
        %swap3A_100 = arith.constant 0 : index
        %swap3A_101 = vector.load %arg16[%swap3A_99, %swap3A_100] : memref<1x256xf32, #tpu.memory_space<vmem>>, vector<1x256xf32>
        tpu.vector_store %arg16[%swap3A_99, %swap3A_100], %broadcast_in_dim3A_86 {strides = array<i32>} : memref<1x256xf32, #tpu.memory_space<vmem>>, vector<1x256xf32>,
      } else {
      }
      %gt3A = arith.constant 0 : i32
      %gt3A_92 = arith.cmpi sgt, %arg1, %gt3A : i32
      %convert_element_type3A_93 = arith.extui %gt3A_92 : i1 to i32
      %cond3A_94 = arith.constant 0 : i32
      %cond3A_95 = arith.cmpi ne, %convert_element_type3A_93, %cond3A_94 : i32
      scf.if %cond3A_95 {
        %get3A_96 = arith.constant 0 : index
        %get3A_97 = arith.constant 0 : index
        %get3A_98 = vector.load %arg15[%get3A_96, %get3A_97] : memref<1x256xf32, #tpu.memory_space<vmem>>, vector<1x256xf32>
        %add3A_99 = arith.addf %get3A_98, %broadcast_in_dim3A : vector<1x256xf32>
        %swap3A_100 = arith.constant 0 : index
        %swap3A_101 = arith.constant 0 : index
        %swap3A_102 = vector.load %arg15[%swap3A_100, %swap3A_101] : memref<1x256xf32, #tpu.memory_space<vmem>>, vector<1x256xf32>
        tpu.vector_store %arg15[%swap3A_100, %swap3A_101], %add3A_99 {strides = array<i32>} : memref<1x256xf32, #tpu.memory_space<vmem>>, vector<1x256xf32>,
        %get3A_103 = arith.constant 0 : index
        %get3A_104 = arith.constant 0 : index
        %get3A_105 = vector.load %arg16[%get3A_103, %get3A_104] : memref<1x256xf32, #tpu.memory_space<vmem>>, vector<1x256xf32>
        %add3A_106 = arith.addf %get3A_105, %broadcast_in_dim3A_86 : vector<1x256xf32>
        %swap3A_107 = arith.constant 0 : index
        %swap3A_108 = arith.constant 0 : index
        %swap3A_109 = vector.load %arg16[%swap3A_107, %swap3A_108] : memref<1x256xf32, #tpu.memory_space<vmem>>, vector<1x256xf32>
        tpu.vector_store %arg16[%swap3A_107, %swap3A_108], %add3A_106 {strides = array<i32>} : memref<1x256xf32, #tpu.memory_space<vmem>>, vector<1x256xf32>,
      } else {
      }
    } else {
    }
    %get3A = arith.constant 0 : index
    %get3A_2 = arith.constant 0 : index
    %get3A_3 = vector.load %arg15[%get3A, %get3A_2] : memref<1x256xf32, #tpu.memory_space<vmem>>, vector<1x256xf32>
    %mul3A = arith.constant 9.99999974E-5 : f32
    %mul3A_4 = vector.broadcast %mul3A : f32 to vector<1x256xf32>
    %mul3A_5 = arith.mulf %get3A_3, %mul3A_4 : vector<1x256xf32>
    %get3A_6 = arith.constant 0 : index
    %get3A_7 = arith.constant 0 : index
    %get3A_8 = vector.load %arg16[%get3A_6, %get3A_7] : memref<1x256xf32, #tpu.memory_space<vmem>>, vector<1x256xf32>
    %mul3A_9 = arith.constant 9.99999974E-5 : f32
    %mul3A_10 = vector.broadcast %mul3A_9 : f32 to vector<1x256xf32>
    %mul3A_11 = arith.mulf %get3A_8, %mul3A_10 : vector<1x256xf32>
    %mul3A_12 = arith.mulf %mul3A_5, %mul3A_5 : vector<1x256xf32>
    %sub3A = arith.subf %mul3A_11, %mul3A_12 : vector<1x256xf32>
    %get3A_13 = arith.constant 0 : index
    %get3A_14 = arith.constant 0 : index
    %get3A_15 = vector.load %arg10[%get3A_13, %get3A_14] : memref<1x256xf32, #tpu.memory_space<vmem>>, vector<1x256xf32>
    %add3A = arith.constant 9.99999974E-6 : f32
    %add3A_16 = vector.broadcast %add3A : f32 to vector<1x256xf32>
    %add3A_17 = arith.addf %sub3A, %add3A_16 : vector<1x256xf32>
    %sqrt3A = math.sqrt %add3A_17 : vector<1x256xf32>
    %div3A = arith.divf %get3A_15, %sqrt3A : vector<1x256xf32>
    %get3A_18 = arith.index_cast %arg1 : i32 to index
    %get3A_19 = arith.constant 0 : index
    %get3A_20 = arith.constant 0 : index
    %get3A_21 = vector.load %arg14[%get3A_18, %get3A_19, %get3A_20] : memref<10x1000x256xf32, #tpu.memory_space<vmem>>, vector<1x1000x256xf32>
    %get3A_22 = vector.shape_cast %get3A_21 : vector<1x1000x256xf32> to vector<1000x256xf32>
    %sub3A_23 = vector.broadcast %mul3A_5 : vector<1x256xf32> to vector<1000x256xf32>
    %sub3A_24 = arith.subf %get3A_22, %sub3A_23 : vector<1000x256xf32>
    %mul3A_25 = vector.broadcast %div3A : vector<1x256xf32> to vector<1000x256xf32>
    %mul3A_26 = arith.mulf %sub3A_24, %mul3A_25 : vector<1000x256xf32>
    %get3A_27 = arith.constant 0 : index
    %get3A_28 = arith.constant 0 : index
    %get3A_29 = vector.load %arg11[%get3A_27, %get3A_28] : memref<1x256xf32, #tpu.memory_space<vmem>>, vector<1x256xf32>
    %add3A_30 = vector.broadcast %get3A_29 : vector<1x256xf32> to vector<1000x256xf32>
    %add3A_31 = arith.addf %mul3A_26, %add3A_30 : vector<1000x256xf32>
    %max3A = arith.constant 0.000000e+00 : f32
    %max3A_32 = vector.broadcast %max3A : f32 to vector<1000x256xf32>
    %max3A_33 = arith.maximumf %add3A_31, %max3A_32 : vector<1000x256xf32>
    %eq3A_34 = arith.constant 1 : i32
    %eq3A_35 = arith.cmpi eq, %arg0, %eq3A_34 : i32
    %convert_element_type3A_36 = arith.extui %eq3A_35 : i1 to i32
    %cond3A_37 = arith.constant 0 : i32
    %cond3A_38 = arith.cmpi ne, %convert_element_type3A_36, %cond3A_37 : i32
    scf.if %cond3A_38 {
      %slice3A = vector.extract_strided_slice %max3A_33 {offsets = [0, 0], sizes = [1000, 128], strides = [1, 1]} : vector<1000x256xf32> to vector<1000x128xf32>
      %swap3A = arith.constant 0 : index
      %swap3A_39 = arith.constant 0 : index
      %swap3A_40 = vector.load %arg12[%swap3A, %swap3A_39] : memref<1000x128xf32, #tpu.memory_space<vmem>>, vector<1000x128xf32>
      tpu.vector_store %arg12[%swap3A, %swap3A_39], %slice3A {strides = array<i32>} : memref<1000x128xf32, #tpu.memory_space<vmem>>, vector<1000x128xf32>,
      %slice3A_41 = vector.extract_strided_slice %max3A_33 {offsets = [0, 128], sizes = [1000, 128], strides = [1, 1]} : vector<1000x256xf32> to vector<1000x128xf32>
      %swap3A_42 = arith.constant 0 : index
      %swap3A_43 = arith.constant 0 : index
      %swap3A_44 = vector.load %arg13[%swap3A_42, %swap3A_43] : memref<1000x128xf32, #tpu.memory_space<vmem>>, vector<1000x128xf32>
      tpu.vector_store %arg13[%swap3A_42, %swap3A_43], %slice3A_41 {strides = array<i32>} : memref<1000x128xf32, #tpu.memory_space<vmem>>, vector<1000x128xf32>,
    } else {
    }
    return
  }
  func.func @transform_0(%arg0: i32, %arg1: i32) -> (i32, i32) {
    %sub3A = arith.constant 1 : i32
    %sub3A_0 = arith.subi %sub3A, %arg0 : i32
    %mul3A = arith.muli %sub3A_0, %arg1 : i32
    %c0_i32 = arith.constant 0 : i32
    %c0_i32_1 = arith.constant 0 : i32
    return %mul3A, %c0_i32 : i32, i32
  }
  func.func @transform_1(%arg0: i32, %arg1: i32) -> (i32, i32) {
    %sub3A = arith.constant 1 : i32
    %sub3A_0 = arith.subi %sub3A, %arg0 : i32
    %mul3A = arith.muli %sub3A_0, %arg1 : i32
    %c0_i32 = arith.constant 0 : i32
    %c0_i32_1 = arith.constant 0 : i32
    return %mul3A, %c0_i32 : i32, i32
  }
  func.func @transform_2(%arg0: i32, %arg1: i32) -> (i32, i32) {
    %sub3A = arith.constant 1 : i32
    %sub3A_0 = arith.subi %sub3A, %arg0 : i32
    %mul3A = arith.muli %sub3A_0, %arg1 : i32
    %c0_i32 = arith.constant 0 : i32
    %c0_i32_1 = arith.constant 0 : i32
    return %mul3A, %c0_i32 : i32, i32
  }
  func.func @transform_3(%arg0: i32, %arg1: i32) -> (i32, i32) {
    %sub3A = arith.constant 1 : i32
    %sub3A_0 = arith.subi %sub3A, %arg0 : i32
    %mul3A = arith.muli %sub3A_0, %arg1 : i32
    %c0_i32 = arith.constant 0 : i32
    %c0_i32_1 = arith.constant 0 : i32
    return %mul3A, %c0_i32 : i32, i32
  }
  func.func @transform_4(%arg0: i32, %arg1: i32) -> (i32, i32) {
    %c0_i32 = arith.constant 0 : i32
    %c0_i32_0 = arith.constant 0 : i32
    %c0_i32_1 = arith.constant 0 : i32
    return %c0_i32, %c0_i32_0 : i32, i32
  }
  func.func @transform_5(%arg0: i32, %arg1: i32) -> (i32, i32) {
    %c0_i32 = arith.constant 0 : i32
    %c0_i32_0 = arith.constant 0 : i32
    %c0_i32_1 = arith.constant 0 : i32
    return %c0_i32, %c0_i32_0 : i32, i32
  }
  func.func @transform_6(%arg0: i32, %arg1: i32) -> (i32, i32) {
    %c0_i32 = arith.constant 0 : i32
    %c0_i32_0 = arith.constant 0 : i32
    %c0_i32_1 = arith.constant 0 : i32
    return %c0_i32, %c0_i32_0 : i32, i32
  }
  func.func @transform_7(%arg0: i32, %arg1: i32) -> (i32, i32) {
    %c0_i32 = arith.constant 0 : i32
    %c0_i32_0 = arith.constant 0 : i32
    %c0_i32_1 = arith.constant 0 : i32
    return %c0_i32, %c0_i32_0 : i32, i32
  }
  func.func @transform_8(%arg0: i32, %arg1: i32) -> (i32, i32) {
    %c0_i32 = arith.constant 0 : i32
    %c0_i32_0 = arith.constant 0 : i32
    %c0_i32_1 = arith.constant 0 : i32
    return %c0_i32, %c0_i32_0 : i32, i32
  }
  func.func @transform_9(%arg0: i32, %arg1: i32) -> (i32, i32) {
    %c0_i32 = arith.constant 0 : i32
    %c0_i32_0 = arith.constant 0 : i32
    %c0_i32_1 = arith.constant 0 : i32
    return %c0_i32, %c0_i32_0 : i32, i32
  }
  func.func @transform_10(%arg0: i32, %arg1: i32) -> (i32, i32) {
    %c0_i32 = arith.constant 0 : i32
    %c0_i32_0 = arith.constant 0 : i32
    return %arg1, %c0_i32 : i32, i32
  }
  func.func @transform_11(%arg0: i32, %arg1: i32) -> (i32, i32) {
    %c0_i32 = arith.constant 0 : i32
    %c0_i32_0 = arith.constant 0 : i32
    return %arg1, %c0_i32 : i32, i32
  }
}

</mosaic_0001>

<sc_bundles>
// kernel: kernel.10.cloned.1.call-start
scs
__scs_entry_jumppad:
0x0: {  	(pc) =	sbr.rel $0x88, $3  }
0x1: {  	(tag) =	ssettag $0x0;
	lr =	simm.s32 $0x1  }
0x2: {  	[smem:$0x3F97] =	sst lr;
	_ =	strace $0xD0000000  }
0x3: {  	_ = 	snop  }
0x4: {  	_ = 	snop  }
0x5: {  	_ = 	snop  }
0x6: {  	_ = 	snop  }
0x7: {  	_ = 	snop  }
__scs_overlays_trampoline_lowered:
0x8: {  	[smem:$0x3FA6] =	sst s0  }
0x9: {  	[smem:$0x3FA7] =	sst s1  }
0xa: {  	[smem:$0x3FA8] =	sst s2  }
0xb: {  	[smem:$0x3FA9] =	sst s3  }
0xc: {  	[smem:$0x3FAA] =	sst s4  }
0xd: {  	[smem:$0x3FAB] =	sst s5  }
0xe: {  	[smem:$0x3FAC] =	sst s6  }
0xf: {  	[smem:$0x3FAD] =	sst s7  }
0x10: {  	[smem:$0x3FAE] =	sst s8  }
0x11: {  	[smem:$0x3FAF] =	sst s9;
	s0 =	simm.s32 @!p0 $0x0  }
0x12: {  	s1 =	sld [smem:$0x3F95];
	s0 =	simm.s32 @p0 $0x1  }
0x13: {  	[smem:$0x3FB0] =	sst s0;
	s0 =	simm.s32 @!p1 $0x0  }
0x14: {  	s2 =	sld [smem:$0x3F94];
	s0 =	simm.s32 @p1 $0x1  }
0x15: {  	[smem:$0x3FB1] =	sst s0;
	s0 =	simm.s32 @!p2 $0x0  }
0x16: {  	s3 =	sld [smem:$0x3FDB];
	s0 =	simm.s32 @p2 $0x1  }
0x17: {  	s4 =	simm.s32 $0x1BF5;
	[smem:$0x3FB3] =	sst s0  }
0x18: {  	s0 =	sld [smem:$0x3F96];
	_ =	swait.ge [sflag:s4], $0x0  }
0x19: {  	s7 =	sld [smem:$0x3F97]  }
0x1a: {  	s8 =	sadd.s32 $0xFFFFE003, lr  }
0x1b: {  	s9 =	sadd.s32 $0xFFFFFEF7, lr;
	s5 =	simm.s32 $0xFFFFFFFF;
	p2 =	slt.u32 s8, $0xFFFFF086  }
0x1c: {  	p1 =	slt.u32 s9, $0xF7A;
	s5 =	simm.s32 @!p2 $0x0  }
0x1d: {  	s5 =	simm.s32 @p1 $0x1;
	p0 =	seq.s32 s7, s2  }
0x1e: {  	s7 =	smul.u32 @!p0 $0xF7A, s2;
	p2 =	seq.s32 @!p0 s5, $0x0  }
0x1f: {  	s9 =	smul.u32 $0xF7A, s1;
	s8 =	simm.s32 @!p0 $0x1BF5;
	p2 =	por !p2, p0  }
0x20: {  	[sflag:s8] =	ssyncset.s32 @!p0 $0xFFFFF086;
	s6 =	sadd.s32 @!p0 s3, s7;
	s7 =	simm.s32 @!p0 $0x108  }
0x21: {  	s3 =	sadd.s32 s3, s9;
	s6 =	sadd.s32 @!p0 $0x88, s6;
	s7 =	simm.s32 @p2 $0x1082  }
0x22: {  	[simem:s7], [sflag:s8] =	dma.local @!p0 [hbm:s6], $0xF7A  }
0x23: {  	s9 =	sor.u32 $0xD0000000, s2;
	s6 =	simm.s32 $0x108;
	_ =	swait.ge @!p0 [sflag:s8], $0x0  }
0x24: {  	s3 =	sadd.s32 $0x88, s3;
	s6 =	simm.s32 @!p1 $0x1082;
	[sflag:s4] =	ssyncset.s32 $0xFFFFF086  }
0x25: {  	[simem:s6], [sflag:s4] =	dma.local [hbm:s3], $0xF7A  }
0x26: {  	[smem:$0x3F97] =	sst s1;
	(tag) =	ssettag s2;
	_ =	strace s9  }
0x27: {  	s1 =	sld [smem:$0x3FA7]  }
0x28: {  	s2 =	sld [smem:$0x3FA8]  }
0x29: {  	s4 =	sld [smem:$0x3FAA]  }
0x2a: {  	p0 =	seq.s32 s5, $0x0;
	s5 =	sld [smem:$0x3FAB]  }
0x2b: {  	s6 =	sld [smem:$0x3FAC]  }
0x2c: {  	s7 =	sld [smem:$0x3FAD]  }
0x2d: {  	s3 =	simm.s32 $0x108;
	s8 =	sld [smem:$0x3FAE]  }
0x2e: {  	s3 =	simm.s32 @!p0 $0x1082;
	s9 =	sld [smem:$0x3FAF]  }
0x2f: {  	lr =	sadd.s32 s0, s3;
	s0 =	sld [smem:$0x3FA6]  }
0x30: {  	s3 =	sld [smem:$0x3FA9]  }
0x31: {  	[smem:$0x3FB2] =	sst s10  }
0x32: {  	s10 =	sld [smem:$0x3FB0];
	_ =	sdelay $0x3  }
0x33: {  	p0 =	seq.s32 s10, $0x1;
	s10 =	sld [smem:$0x3FB2];
	_ =	sdelay $0x3  }
0x34: {  	[smem:$0x3FB2] =	sst s10  }
0x35: {  	s10 =	sld [smem:$0x3FB1];
	_ =	sdelay $0x3  }
0x36: {  	p1 =	seq.s32 s10, $0x1;
	s10 =	sld [smem:$0x3FB2];
	_ =	sdelay $0x3  }
0x37: {  	[smem:$0x3FB2] =	sst s10  }
0x38: {  	s10 =	sld [smem:$0x3FB3]  }
0x39: {  	_ = 	snop;
	(pc) =	sbr.ind lr, $3  }
0x3a: {  	_ = 	snop  }
0x3b: {  	_ = 	snop  }
0x3c: {  	p2 =	seq.s32 s10, $0x1;
	s10 =	sld [smem:$0x3FB2]  }
0x3d: {  	_ =	shalt  }
0x3e: {  	_ =	shalt  }
0x3f: {  	_ =	shalt  }
0x40: {  	_ =	shalt  }
0x41: {  	_ =	shalt  }
0x42: {  	_ =	shalt  }
0x43: {  	_ =	shalt  }
0x44: {  	_ =	shalt  }
0x45: {  	_ =	shalt  }
0x46: {  	_ =	shalt  }
0x47: {  	_ =	shalt  }
0x48: {  	_ =	shalt  }
0x49: {  	_ =	shalt  }
0x4a: {  	_ =	shalt  }
0x4b: {  	_ =	shalt  }
0x4c: {  	_ =	shalt  }
0x4d: {  	_ =	shalt  }
0x4e: {  	_ =	shalt  }
0x4f: {  	_ =	shalt  }
0x50: {  	_ =	shalt  }
0x51: {  	_ =	shalt  }
0x52: {  	_ =	shalt  }
0x53: {  	_ =	shalt  }
0x54: {  	_ =	shalt  }
0x55: {  	_ =	shalt  }
0x56: {  	_ =	shalt  }
0x57: {  	_ =	shalt  }
0x58: {  	_ =	shalt  }
0x59: {  	_ =	shalt  }
0x5a: {  	_ =	shalt  }
0x5b: {  	_ =	shalt  }
0x5c: {  	_ =	shalt  }
0x5d: {  	_ =	shalt  }
0x5e: {  	_ =	shalt  }
0x5f: {  	_ =	shalt  }
0x60: {  	_ =	shalt  }
0x61: {  	_ =	shalt  }
0x62: {  	_ =	shalt  }
0x63: {  	_ =	shalt  }
0x64: {  	_ =	shalt  }
0x65: {  	_ =	shalt  }
0x66: {  	_ =	shalt  }
0x67: {  	_ =	shalt  }
0x68: {  	_ =	shalt  }
0x69: {  	_ =	shalt  }
0x6a: {  	_ =	shalt  }
0x6b: {  	_ =	shalt  }
0x6c: {  	_ =	shalt  }
0x6d: {  	_ =	shalt  }
0x6e: {  	_ =	shalt  }
0x6f: {  	_ =	shalt  }
0x70: {  	_ =	shalt  }
0x71: {  	_ =	shalt  }
0x72: {  	_ =	shalt  }
0x73: {  	_ =	shalt  }
0x74: {  	_ =	shalt  }
0x75: {  	_ =	shalt  }
0x76: {  	_ =	shalt  }
0x77: {  	_ =	shalt  }
0x78: {  	_ =	shalt  }
0x79: {  	_ =	shalt  }
0x7a: {  	_ =	shalt  }
0x7b: {  	_ =	shalt  }
0x7c: {  	_ =	shalt  }
0x7d: {  	_ =	shalt  }
0x7e: {  	_ =	shalt  }
0x7f: {  	_ =	shalt  }
0x80: {  	_ =	shalt  }
0x81: {  	_ =	shalt  }
0x82: {  	_ =	shalt  }
0x83: {  	_ =	shalt  }
0x84: {  	_ =	shalt  }
0x85: {  	_ =	shalt  }
0x86: {  	_ =	shalt  }
0x87: {  	_ =	shalt  }
.Lfunc_end0:
.L_simem_size_0:
called_computation.1_lowered:
.L_overlay_start_0:
0x88: {  	s2 =	sld [smem:$0x3FD9]  }
0x89: {  	s3 =	sld [smem:$0x3FFE];
	_ =	sdelay $0x1  }
0x8a: {  	s1 =	srdreg.scid  }
0x8b: {  	s0 =	sand.u32 $0x1, s1  }
0x8c: {  	s17 =	sshll.u32 s0, $0xA;
	s2 =	sadd.s32 s3, s2  }
0x8d: {  	s2 =	sadd.s32 s2, s17  }
0x8e: {  	[smem:$0x3FBE] =	sst s2  }
0x8f: {  	_ = 	snop  }
0x90: {  	s2 =	sld [smem:$0x3FD0];
	(tm) =	ssettm $0x1  }
0x91: {  	s18 =	sld [smem:$0x3FFB];
	_ =	sdelay $0x3  }
0x92: {  	_ =	strace s18  }
0x93: {  	s3 =	sld [smem:$0x3FFC];
	_ =	sdelay $0x3  }
0x94: {  	_ =	strace s3  }
0x95: {  	s3 =	sld [smem:$0x3FFD];
	_ =	sdelay $0x3  }
0x96: {  	_ =	strace s3  }
0x97: {  	_ =	strace $0x8FFFFFFF  }
0x98: {  	s19 =	sld [smem:$0x3FDB];
	_ =	sdelay $0x1  }
0x99: {  	s4 =	simm.s32 $_scs_section_size  }
0x9a: {  	s5 =	simm.s32 $_size__tile_overlayer_lowered;
	s6 =	simm.s32 $_tile_overlayer_lowered  }
0x9b: {  	s22 =	simm.s32 $0x1BFF;
	s21 =	sshll.u32 s6, $0x1;
	s3 =	sadd.s32 s4, s19  }
0x9c: {  	s7 =	simm.s32 $0x0;
	s20 =	sshll.u32 s5, $0x1;
	s5 =	sadd.s32 s21, s3  }
0x9d: {  	[timem:s7], [sflag:s22] =	dma.local [hbm:s5], s20  }
0x9e: {  	_ =	swait.ge [sflag:s22], s20  }
0x9f: {  	s4 =	ssub.s32 $0x0, s20;
	[sflag:s22] =	ssyncset.done $0x0  }
0xa0: {  	[sflag:s22] =	ssyncadd.s32 s4;
	_ =	sdelay $0x1  }
0xa1: {  	s23 =	simm.s32 $0x1B8B  }
0xa2: {  	_ =	swait.ge [sflag:s23], $0x1  }
0xa3: {  	[sflag:s23] =	ssyncset.done $0x0  }
0xa4: {  	s25 =	simm.s32 $0x1B8E;
	s24 =	sld [smem:$0x3FFE];
	[sflag:s23] =	ssyncadd.s32 $0xFFFFFFFF  }
0xa5: {  	s26 =	simm.s32 $execute0_lowered;
	[smem:$0x3FD2] =	sst s25  }
0xa6: {  	s5 =	sshll.u32 s26, $0x1;
	_ =	strace $0x80000049;
	[dreg:$0x1] =	wrdreg $0xFFFFFFFF  }
0xa7: {  	s28 =	simm.s32 $_size_execute0_lowered;
	s3 =	sadd.s32 s3, s5;
	[dreg:$0x0] =	wrdreg $0x0  }
0xa8: {  	s5 =	sshll.u32 s28, $0x1;
	[dreg:$0x2] =	wrdreg s3  }
0xa9: {  	[dreg:$0x3] =	wrdreg s5  }
0xaa: {  	[dreg:$0x4] =	wrdreg $0xC0  }
0xab: {  	_ =	task [dreg:s7], $0x5FFFF  }
0xac: {  	[dreg:$0x1] =	wrdreg $0xFFFFFFFF  }
0xad: {  	[dreg:$0x0] =	wrdreg $0x60  }
0xae: {  	[dreg:$0x2] =	wrdreg s2  }
0xaf: {  	[dreg:$0x3] =	wrdreg s24  }
0xb0: {  	[dreg:$0x4] =	wrdreg $0xAC000  }
0xb1: {  	[dreg:$0x5] =	wrdreg $0x9  }
0xb2: {  	_ =	task.clear_ibuf [dreg:s7], $0x6FFFF;
	_ =	strace $0x90000049  }
0xb3: {  	s29 =	simm.s32 $0x9;
	_ =	strace $0x8000004B  }
0xb4: {  	_ =	swait.ge [sflag:s29], $0x1  }
0xb5: {  	[sflag:s29] =	ssyncadd.s32 $0xFFFFFFFF  }
0xb6: {  	_ =	strace $0x9000004B  }
0xb7: {  	_ =	sfence  }
0xb8: {  	s30 =	sld [smem:$0x0];
	_ =	sdelay $0x2  }
0xb9: {  	s31 =	sshll.u32 s1, $0xD;
	s1 =	sshrl.u32 s1, $0x2  }
0xba: {  	s3 =	sand.u32 $0x4000, s31;
	s1 =	sadd.s32 s1, s30  }
0xbb: {  	s0 =	sor.u32 s3, s0;
	s1 =	sshll.u32 s1, $0x11  }
0xbc: {  	s0 =	sor.u32 s1, s0  }
0xbd: {  	s0 =	sadd.s32 $0x8F2B, s0  }
0xbe: {  	[sflag:s0] =	ssyncadd.remote.s32 $0x1  }
0xbf: {  	_ =	sfence.sel $0xFFFF  }
0xc0: {  	[dreg:$0x0] =	wrdreg $0xFFFFFFFF;
	(pc) =	sbr.abs _section_cstart, $3  }
0xc1: {  	[dreg:$0x1] =	wrdreg $0xFFFFFFFF  }
0xc2: {  	_ =	task.clear_ibuf [dreg:s7], $0x2FFFF;
	_ =	strace $0x9FFFFFFF  }
0xc3: {  	(tm) =	ssettm $0x7FFFFFFF  }
tec
execute0_lowered:
.L_overlay_start_1:
0x0: {  	(tag) =	ssettag $0x1  }
0x1: {  	s1 =	rddreg [dreg:$0x0]  }
0x2: {  	s0 =	rddreg [dreg:$0x1]  }
0x3: {  	s3 =	rddreg [dreg:$0x2];
	s2 =	simm.s32 $0x0;
	s11 =	stileid.u32  }
0x4: {  	s6 =	srdreg.scid;
	s29 =	simm.s32 $0x2C00;
	s17 =	smul.u32 $0x500, s11  }
0x5: {  	s30 =	simm.s32 $0x4C00;
	s31 =	simm.s32 $0x8C00;
	s4 =	smul.u32 $0xA00, s11  }
0x6: {  	[smem:$0x7FF] =	sst s2;
	s5 =	sadd.s32 $0x62C00, s0;
	s7 =	smul.u32 $0x2780, s11  }
0x7: {  	s6 =	sand.u32 $0x1, s6;
	s8 =	smul.u32 $0x4F000, s11;
	s9 =	sadd.s32 $0x60400, s0  }
0x8: {  	s21 =	sadd.s32 $0x128400, s3;
	_ =	strace $0x8000004A;
	[dreg:$0x7] =	wrdreg s9  }
0x9: {  	s20 =	sshll.u32 s11, $0x6;
	s22 =	sadd.s32 $0xAEE80, s0;
	[dreg:$0xb] =	wrdreg s21  }
0xa: {  	p2 =	sne.s32 s11, $0xF;
	p4 =	seq.s32 s11, $0xF;
	[dreg:$0xc] =	wrdreg s22  }
0xb: {  	s18 =	ssub.s32 $0x2, s6;
	p0 =	seq.s32 s6, $0x0;
	[dreg:$0x4] =	wrdreg s29  }
0xc: {  	p1 =	seq.s32 s6, $0x1;
	p5 =	sne.s32 s6, $0x0;
	[dreg:$0x5] =	wrdreg s30  }
0xd: {  	s21 =	simm.s32 $0x40;
	s22 =	simm.s32 $0x2;
	[dreg:$0x6] =	wrdreg s31  }
0xe: {  	s2 =	sadd.s32 s17, s0;
	s4 =	sadd.s32 s4, s0;
	s7 =	sadd.s32 s7, s0  }
0xf: {  	s10 =	sshrl.u32 s18, $0x1;
	s8 =	sshrl.u32 s8, $0x2;
	p3 =	por !p0, !p2  }
0x10: {  	p0 =	por !p0, !p4;
	p6 =	por !p2, !p1;
	s0 =	sadd.s32 $0xD6080, s0  }
0x11: {  	s10 =	ssub.s32 s18, s10;
	s2 =	sadd.s32 $0xD000, s2;
	[dreg:$0xf] =	wrdreg s0  }
0x12: {  	s19 =	sadd.s32 s8, s3;
	s23 =	sadd.s32 $0x89E00, s7;
	[dreg:$0xa] =	wrdreg s2  }
0x13: {  	s8 =	sor.u32 $0x1C09, s20;
	s24 =	sadd.s32 $0xB1000, s7;
	[dreg:$0xd] =	wrdreg s23  }
0x14: {  	p3 =	por !p3, !p3;
	s26 =	sadd.s32 $0x3000, s4;
	[dreg:$0xe] =	wrdreg s24  }
0x15: {  	p0 =	por !p0, !p0;
	s20 =	simm.s32 $0x1;
	[dreg:$0x11] =	wrdreg s26  }
0x16: {  	s4 =	simm.s32 $0x0;
	s2 =	simm.s32 @!p3 $0x0;
	[dreg:$0x8] =	wrdreg s19  }
0x17: {  	s25 =	smax.u32 s10, $0x1;
	[dreg:$0x9] =	wrdreg s8;
	s2 =	simm.s32 @p3 $0x1  }
.Ltmp0:
0x18: {  	[smem:$0x7FB] =	sst s2;
	s2 =	simm.s32 @!p4 $0x0;
	(pc) =	sbr.rel .LBB2_1-.Ltmp0, $4  }
0x19: {  	s28 =	sshrl.u32 s19, $0x3;
	[dreg:$0x10] =	wrdreg s25;
	s2 =	simm.s32 @p4 $0x1  }
0x1a: {  	s23 =	simm.s32 $0x5;
	[smem:$0x7FC] =	sst s2;
	s2 =	simm.s32 @!p0 $0x0  }
0x1b: {  	s24 =	simm.s32 $0x4;
	[dreg:$0x12] =	wrdreg s28;
	s2 =	simm.s32 @p0 $0x1  }
0x1c: {  	s25 =	simm.s32 $0x7;
	p4 =	por !p6, !p6;
	[smem:$0x7FD] =	sst s2  }
.LBB2_7:
0x1d: {  	s0 =	rddreg [dreg:$0xb]  }
0x1e: {  	s2 =	rddreg [dreg:$0xc];
	s31 =	simm.s32 $0x9;
	s0 =	sshrl.u32 s0, $0x3  }
0x1f: {  	[hbm:s2], [sflag:s8] =	dma.local [spmem:s0], $0x2080  }
0x20: {  	_ =	swait.ge [sflag:s31], $0x2080  }
0x21: {  	[sflag:s31] =	ssyncset.done $0x0  }
0x22: {  	p0 =	por $0x1, $0x1;
	[sflag:s31] =	ssyncadd.s32 $0xFFFFDF80  }
.LBB2_8:
0x23: {  	p0 =	por !p0, !p1  }
0x24: {  	s0 =	rddreg [dreg:$0xb];
	p0 =	por !p0, !p0  }
0x25: {  	s2 =	rddreg [dreg:$0xf];
	s0 =	sshrl.u32 @p0 s0, $0x3  }
0x26: {  	[hbm:s2], [sflag:s8] =	dma.local @p0 [spmem:s0], $0x2080  }
0x27: {  	s0 =	simm.s32 @p0 $0x9  }
0x28: {  	_ =	swait.ge @p0 [sflag:s0], $0x2080  }
0x29: {  	s4 =	sadd.s32 $0x1, s4;
	s31 =	rddreg [dreg:$0x10]  }
0x2a: {  	p2 =	sne.s32 s4, s31  }
.Ltmp1:
0x2b: {  	_ = 	snop;
	(pc) =	sbr.rel @!p2 .LBB2_9-.Ltmp1, $3  }
0x2c: {  	_ =	sdelay $0x1  }
0x2d: {  	[sflag:s0] =	ssyncset.done @p0 $0x0  }
0x2e: {  	[sflag:s0] =	ssyncadd.s32 @p0 $0xFFFFDF80  }
.LBB2_1:
0x2f: {  	[dreg:$0x13] =	wrdreg s4  }
0x30: {  	s0 =	rddreg [dreg:$0x7]  }
0x31: {  	s2 =	rddreg [dreg:$0x12];
	s15 =	simm.s32 $0x9  }
0x32: {  	[spmem:s2], [sflag:s8] =	dma.local [hbm:s0], $0x2780  }
0x33: {  	_ =	swait.ge [sflag:s15], $0x2780  }
0x34: {  	[sflag:s15] =	ssyncset.done $0x0  }
0x35: {  	[sflag:s15] =	ssyncadd.s32 $0xFFFFD880  }
0x36: {  	[bflag:$0x0] =	sbarrier.arrive $0xFFFF  }
0x37: {  	s16 =	simm.s32 $0x0;
	s17 =	rddreg [dreg:$0xa]  }
0x38: {  	[tilespmem:s16], [sflag:$0x9] =	stream.linear.gather [hbm4b:s17+s16], $0x2800, $0x38;
	[tilespmem:$0x1E800] =	vst v63  }
0x39: {  	_ =	swait.ge [sflag:s15], $0x2800  }
0x3a: {  	s8 =	simm.s32 @!p5 $0x40;
	[sflag:s15] =	ssyncset.done $0x0  }
0x3b: {  	s0 =	simm.s32 @!p5 $0x0;
	s2 =	simm.s32 @!p5 $0x2C00;
	[sflag:s15] =	ssyncadd.s32 $0xFFFFD800  }
0x3c: {  	[tilespmem:s2], [sflag:$0x1] =	stream.indirect.gather @!p5 [hbm4b:s1+s8], $0x80, s0, s8, $0xb8;
	[tilespmem:$0x1E800] =	vst v63  }
0x3d: {  	s10 =	simm.s32 @p1 $0x40;
	s0 =	simm.s32 @p1 $0x0;
	s2 =	simm.s32 @p1 $0x2C00  }
0x3e: {  	[tilespmem:s2], [sflag:$0x1] =	stream.indirect.gather @p1 [hbm4b:s5+s10], $0x80, s0, s10, $0xb8;
	[tilespmem:$0x1E800] =	vst v63  }
0x3f: {  	s0 =	simm.s32 @!p5 $0x4C00  }
0x40: {  	[tilespmem:s0], [sflag:$0x2] =	stream.indirect.gather @!p5 [hbm4b:s1+s8], $0x80, s8, s8, $0xb8;
	[tilespmem:$0x1E800] =	vst v63  }
0x41: {  	s18 =	sand.u32 $0x4, s16;
	s0 =	simm.s32 @p1 $0x4C00  }
0x42: {  	[tilespmem:s0], [sflag:$0x2] =	stream.indirect.gather @p1 [hbm4b:s5+s10], $0x80, s10, s10, $0xb8;
	[tilespmem:$0x1E800] =	vst v63  }
0x43: {  	p0 =	sne.s32 s18, $0x0;
	s2 =	simm.s32 @!p5 $0x6C00;
	s0 =	simm.s32 @!p5 $0x80  }
0x44: {  	[tilespmem:s2], [sflag:$0x3] =	stream.indirect.gather @!p5 [hbm4b:s1+s8], $0x80, s0, s8, $0xb8;
	[tilespmem:$0x1E800] =	vst v63  }
0x45: {  	s4 =	simm.s32 @!p0 $0x2800;
	s0 =	simm.s32 @p1 $0x80;
	s2 =	simm.s32 @p1 $0x6C00  }
0x46: {  	[tilespmem:s2], [sflag:$0x3] =	stream.indirect.gather @p1 [hbm4b:s5+s10], $0x80, s0, s10, $0xb8;
	[tilespmem:$0x1E800] =	vst v63  }
0x47: {  	s7 =	simm.s32 @!p0 $0x9;
	s9 =	rddreg [dreg:$0x11];
	s2 =	simm.s32 @!p0 $0x0  }
0x48: {  	[tilespmem:s4], [sflag:$0x9] =	stream.linear.gather @!p0 [hbm4b:s9+s2], $0x400, $0x38;
	[tilespmem:$0x1E800] =	vst v63  }
0x49: {  	_ =	swait.ge @!p0 [sflag:s7], $0x400  }
0x4a: {  	[sflag:s7] =	ssyncset.done @!p0 $0x0  }
0x4b: {  	[sflag:s7] =	ssyncadd.s32 @!p0 $0xFFFFFC00  }
0x4c: {  	s4 =	sshll.u32 s18, $0x7;
	_ =	swait.ge [sflag:s20], $0x2000  }
0x4d: {  	s0 =	sor.u32 $0x2800, s4;
	p0 =	por $0x1, $0x1;
	[sflag:s20] =	ssyncset.done $0x0  }
0x4e: {  	s2 =	simm.s32 @!p0 $0x8;
	s19 =	rddreg [dreg:$0x4];
	[sflag:s20] =	ssyncadd.s32 $0xFFFFE000  }
0x4f: {  	[spmem:s3] =	stream.indirect.scatter.add.f32 [tilespmem:s19], [sflag:$0x5], $0x80, s0, s21, $0xb8;
	[tilespmem:$0x1E800] =	vst v63  }
0x50: {  	_ =	swait.ge @!p0 [sflag:s2], $0x2000  }
0x51: {  	[sflag:s2] =	ssyncset.done @!p0 $0x0  }
0x52: {  	s7 =	simm.s32 @!p5 $0xC0;
	s0 =	simm.s32 @!p5 $0x8C00;
	[sflag:s2] =	ssyncadd.s32 @!p0 $0xFFFFE000  }
0x53: {  	[tilespmem:s0], [sflag:$0x4] =	stream.indirect.gather @!p5 [hbm4b:s1+s8], $0x80, s7, s8, $0xb8;
	[tilespmem:$0x1E800] =	vst v63  }
0x54: {  	s2 =	simm.s32 @p1 $0x8C00;
	s7 =	simm.s32 @p1 $0xC0  }
0x55: {  	[tilespmem:s2], [sflag:$0x4] =	stream.indirect.gather @p1 [hbm4b:s5+s10], $0x80, s7, s10, $0xb8;
	[tilespmem:$0x1E800] =	vst v63  }
0x56: {  	_ =	swait.ge [sflag:s22], $0x2000  }
0x57: {  	[sflag:s22] =	ssyncset.done $0x0  }
0x58: {  	s28 =	sadd.s32 $0x2880, s4;
	s26 =	rddreg [dreg:$0x5];
	[sflag:s22] =	ssyncadd.s32 $0xFFFFE000  }
0x59: {  	[spmem:s3] =	stream.indirect.scatter.add.f32 [tilespmem:s26], [sflag:$0x6], $0x80, s28, s21, $0xb8;
	[tilespmem:$0x1E800] =	vst v63  }
0x5a: {  	_ =	swait.ge [sflag:s23], $0x2000  }
0x5b: {  	p2 =	por $0x0, $0x0;
	[sflag:s23] =	ssyncset.done $0x0  }
0x5c: {  	s7 =	simm.s32 @p2 $0x3;
	[sflag:s23] =	ssyncadd.s32 $0xFFFFE000  }
0x5d: {  	s11 =	sadd.s32 @p2 $0x2900, s4;
	_ =	swait.ge @p2 [sflag:s7], $0x2000  }
0x5e: {  	p0 =	sne.s32 @!p2 s6, $0x0;
	s8 =	simm.s32 @p2 $0x40;
	[sflag:s7] =	ssyncset.done @p2 $0x0  }
0x5f: {  	s10 =	simm.s32 @p2 $0x6C00;
	[sflag:s7] =	ssyncadd.s32 @p2 $0xFFFFE000;
	s7 =	simm.s32 @p2 $0x6  }
0x60: {  	[spmem:s3] =	stream.indirect.scatter.add.f32 @p2 [tilespmem:s10], [sflag:$0x7], $0x80, s11, s8, $0xb8;
	[tilespmem:$0x1E800] =	vst v63  }
0x61: {  	p6 =	por !p1, p2;
	p0 =	por p0, p2;
	_ =	swait.ge @p2 [sflag:s7], $0x2000  }
0x62: {  	s16 =	simm.s32 @!p6 $0x40;
	s13 =	simm.s32 @!p0 $0x40;
	[sflag:s7] =	ssyncset.done @p2 $0x0  }
0x63: {  	s10 =	simm.s32 @!p0 $0x2C00;
	s11 =	simm.s32 @!p0 $0x100;
	[sflag:s7] =	ssyncadd.s32 @p2 $0xFFFFE000  }
0x64: {  	[tilespmem:s10], [sflag:$0x1] =	stream.indirect.gather @!p0 [hbm4b:s1+s13], $0x80, s11, s13, $0xb8;
	[tilespmem:$0x1E800] =	vst v63  }
0x65: {  	s8 =	simm.s32 @!p6 $0x2C00;
	s7 =	simm.s32 @!p6 $0x100;
	s10 =	simm.s32 @!p2 $0x3  }
0x66: {  	[tilespmem:s8], [sflag:$0x1] =	stream.indirect.gather @!p6 [hbm4b:s5+s16], $0x80, s7, s16, $0xb8;
	[tilespmem:$0x1E800] =	vst v63  }
0x67: {  	_ =	swait.ge @!p2 [sflag:s10], $0x2000  }
0x68: {  	s11 =	simm.s32 @!p2 $0x6C00;
	s7 =	sadd.s32 @!p2 $0x2900, s4;
	[sflag:s10] =	ssyncset.done @!p2 $0x0  }
0x69: {  	s8 =	simm.s32 @!p2 $0x40;
	[sflag:s10] =	ssyncadd.s32 @!p2 $0xFFFFE000;
	s10 =	simm.s32 @!p2 $0x6  }
0x6a: {  	[spmem:s3] =	stream.indirect.scatter.add.f32 @!p2 [tilespmem:s11], [sflag:$0x7], $0x80, s7, s8, $0xb8;
	[tilespmem:$0x1E800] =	vst v63  }
0x6b: {  	_ =	swait.ge @!p2 [sflag:s10], $0x2000  }
0x6c: {  	[sflag:s10] =	ssyncset.done @!p2 $0x0  }
0x6d: {  	s7 =	simm.s32 @!p0 $0x140;
	s8 =	simm.s32 @!p0 $0x4C00;
	[sflag:s10] =	ssyncadd.s32 @!p2 $0xFFFFE000  }
0x6e: {  	[tilespmem:s8], [sflag:$0x2] =	stream.indirect.gather @!p0 [hbm4b:s1+s13], $0x80, s7, s13, $0xb8;
	[tilespmem:$0x1E800] =	vst v63  }
0x6f: {  	s7 =	simm.s32 @!p6 $0x140;
	s8 =	simm.s32 @!p6 $0x4C00  }
0x70: {  	[tilespmem:s8], [sflag:$0x2] =	stream.indirect.gather @!p6 [hbm4b:s5+s16], $0x80, s7, s16, $0xb8;
	[tilespmem:$0x1E800] =	vst v63  }
0x71: {  	s30 =	simm.s32 $0x4;
	_ =	swait.ge [sflag:s24], $0x2000  }
0x72: {  	s12 =	simm.s32 $0x400;
	s14 =	sand.u32 $0x4, s30;
	[sflag:s24] =	ssyncset.done $0x0  }
0x73: {  	s4 =	sadd.s32 $0x2980, s4;
	s29 =	rddreg [dreg:$0x6];
	[sflag:s24] =	ssyncadd.s32 $0xFFFFE000  }
0x74: {  	[spmem:s3] =	stream.indirect.scatter.add.f32 [tilespmem:s29], [sflag:$0x8], $0x80, s4, s21, $0xb8;
	[tilespmem:$0x1E800] =	vst v63  }
0x75: {  	s31 =	sshll.u32 s14, $0x7;
	s18 =	simm.s32 @!p6 $0x180;
	_ =	swait.ge [sflag:s25], $0x2000  }
0x76: {  	s10 =	simm.s32 @!p6 $0x6C00;
	s8 =	simm.s32 $0x800;
	[sflag:s25] =	ssyncset.done $0x0  }
0x77: {  	s7 =	simm.s32 @!p0 $0x6C00;
	s4 =	simm.s32 @!p0 $0x180;
	[sflag:s25] =	ssyncadd.s32 $0xFFFFE000  }
0x78: {  	[tilespmem:s7], [sflag:$0x3] =	stream.indirect.gather @!p0 [hbm4b:s1+s13], $0x80, s4, s13, $0xb8;
	[tilespmem:$0x1E800] =	vst v63  }
0x79: {  	s4 =	sadd.s32 $0x40, s9;
	s13 =	simm.s32 $0x1;
	s7 =	simm.s32 $0x8  }
.LBB2_2:
0x7a: {  	p0 =	sne.s32 s14, $0x0  }
0x7b: {  	[tilespmem:s10], [sflag:$0x3] =	stream.indirect.gather @!p6 [hbm4b:s5+s16], $0x80, s18, s16, $0xb8;
	[tilespmem:$0x1E800] =	vst v63  }
0x7c: {  	s10 =	simm.s32 @!p0 $0x0;
	s11 =	simm.s32 @!p0 $0x2800;
	s16 =	simm.s32 @!p0 $0x9  }
0x7d: {  	[tilespmem:s11], [sflag:$0x9] =	stream.linear.gather @!p0 [hbm4b:s4+s10], $0x400, $0x38;
	[tilespmem:$0x1E800] =	vst v63  }
0x7e: {  	_ =	swait.ge @!p0 [sflag:s16], $0x400  }
0x7f: {  	[sflag:s16] =	ssyncset.done @!p0 $0x0  }
0x80: {  	[sflag:s16] =	ssyncadd.s32 @!p0 $0xFFFFFC00  }
0x81: {  	_ =	swait.ge [sflag:s20], $0x2000  }
0x82: {  	s19 =	sor.u32 $0x2800, s31;
	p0 =	seq.s32 s12, $0x0;
	[sflag:s20] =	ssyncset.done $0x0  }
0x83: {  	s11 =	simm.s32 @!p0 $0x8;
	s18 =	rddreg [dreg:$0x4];
	[sflag:s20] =	ssyncadd.s32 $0xFFFFE000  }
0x84: {  	[spmem:s3] =	stream.indirect.scatter.add.f32 [tilespmem:s18], [sflag:$0x5], $0x80, s19, s21, $0xb8;
	[tilespmem:$0x1E800] =	vst v63  }
0x85: {  	_ =	swait.ge @!p0 [sflag:s11], $0x2000  }
0x86: {  	s9 =	simm.s32 @!p5 $0x40;
	s16 =	sshra.s32 @!p5 s12, $0x2;
	[sflag:s11] =	ssyncset.done @!p0 $0x0  }
0x87: {  	s16 =	sadd.s32 @!p5 $0xC0, s16;
	[sflag:s11] =	ssyncadd.s32 @!p0 $0xFFFFE000;
	s11 =	sshra.s32 @p1 s12, $0x2  }
0x88: {  	[tilespmem:s0], [sflag:$0x4] =	stream.indirect.gather @!p5 [hbm4b:s1+s9], $0x80, s16, s9, $0xb8;
	[tilespmem:$0x1E800] =	vst v63  }
0x89: {  	s11 =	sadd.s32 @p1 $0xC0, s11;
	s9 =	simm.s32 @p1 $0x40  }
0x8a: {  	[tilespmem:s2], [sflag:$0x4] =	stream.indirect.gather @p1 [hbm4b:s5+s9], $0x80, s11, s9, $0xb8;
	[tilespmem:$0x1E800] =	vst v63  }
0x8b: {  	_ =	swait.ge [sflag:s22], $0x2000  }
0x8c: {  	[sflag:s22] =	ssyncset.done $0x0  }
0x8d: {  	s28 =	sadd.s32 $0x2880, s31;
	s26 =	rddreg [dreg:$0x5];
	[sflag:s22] =	ssyncadd.s32 $0xFFFFE000  }
0x8e: {  	[spmem:s3] =	stream.indirect.scatter.add.f32 [tilespmem:s26], [sflag:$0x6], $0x80, s28, s21, $0xb8;
	[tilespmem:$0x1E800] =	vst v63  }
0x8f: {  	_ =	swait.ge [sflag:s23], $0x2000  }
0x90: {  	p2 =	sgt.u32 s13, $0x26;
	[sflag:s23] =	ssyncset.done $0x0  }
0x91: {  	p6 =	por !p1, p2;
	s11 =	simm.s32 @p2 $0x3;
	[sflag:s23] =	ssyncadd.s32 $0xFFFFE000  }
0x92: {  	s17 =	sadd.s32 @p2 $0x2900, s31;
	s18 =	simm.s32 @p2 $0x6C00;
	_ =	swait.ge @p2 [sflag:s11], $0x2000  }
0x93: {  	s19 =	simm.s32 @p2 $0x6;
	p0 =	sne.s32 @!p2 s6, $0x0;
	[sflag:s11] =	ssyncset.done @p2 $0x0  }
0x94: {  	s16 =	simm.s32 @p2 $0x40;
	p0 =	por p0, p2;
	[sflag:s11] =	ssyncadd.s32 @p2 $0xFFFFE000  }
0x95: {  	[spmem:s3] =	stream.indirect.scatter.add.f32 @p2 [tilespmem:s18], [sflag:$0x7], $0x80, s17, s16, $0xb8;
	[tilespmem:$0x1E800] =	vst v63  }
0x96: {  	s9 =	simm.s32 @!p6 $0x2C00;
	s11 =	simm.s32 @!p0 $0x40;
	_ =	swait.ge @p2 [sflag:s19], $0x2000  }
0x97: {  	s17 =	sshra.s32 @!p0 s12, $0x2;
	s18 =	simm.s32 @!p0 $0x2C00;
	[sflag:s19] =	ssyncset.done @p2 $0x0  }
0x98: {  	s12 =	sshra.s32 @!p6 s12, $0x2;
	s28 =	sadd.s32 @!p0 $0x100, s17;
	[sflag:s19] =	ssyncadd.s32 @p2 $0xFFFFE000  }
0x99: {  	[tilespmem:s18], [sflag:$0x1] =	stream.indirect.gather @!p0 [hbm4b:s1+s11], $0x80, s28, s11, $0xb8;
	[tilespmem:$0x1E800] =	vst v63  }
0x9a: {  	s16 =	simm.s32 @!p6 $0x40;
	s19 =	simm.s32 @!p2 $0x3;
	s18 =	sadd.s32 @!p6 $0x100, s12  }
0x9b: {  	[tilespmem:s9], [sflag:$0x1] =	stream.indirect.gather @!p6 [hbm4b:s5+s16], $0x80, s18, s16, $0xb8;
	[tilespmem:$0x1E800] =	vst v63  }
0x9c: {  	_ =	swait.ge @!p2 [sflag:s19], $0x2000  }
0x9d: {  	s29 =	simm.s32 @!p2 $0x40;
	s30 =	simm.s32 @!p2 $0x6C00;
	[sflag:s19] =	ssyncset.done @!p2 $0x0  }
0x9e: {  	s26 =	sadd.s32 @!p2 $0x2900, s31;
	[sflag:s19] =	ssyncadd.s32 @!p2 $0xFFFFE000;
	s19 =	simm.s32 @!p2 $0x6  }
0x9f: {  	[spmem:s3] =	stream.indirect.scatter.add.f32 @!p2 [tilespmem:s30], [sflag:$0x7], $0x80, s26, s29, $0xb8;
	[tilespmem:$0x1E800] =	vst v63  }
0xa0: {  	s15 =	smov.u32 s8;
	s28 =	sadd.s32 @!p0 $0x140, s17;
	_ =	swait.ge @!p2 [sflag:s19], $0x2000  }
0xa1: {  	s9 =	sadd.s32 @!p6 $0x140, s12;
	s18 =	sadd.s32 @!p6 $0x180, s12;
	[sflag:s19] =	ssyncset.done @!p2 $0x0  }
0xa2: {  	s12 =	smov.u32 s15;
	s15 =	simm.s32 @!p0 $0x4C00;
	[sflag:s19] =	ssyncadd.s32 @!p2 $0xFFFFE000  }
0xa3: {  	[tilespmem:s15], [sflag:$0x2] =	stream.indirect.gather @!p0 [hbm4b:s1+s11], $0x80, s28, s11, $0xb8;
	[tilespmem:$0x1E800] =	vst v63  }
0xa4: {  	s19 =	simm.s32 @!p6 $0x4C00  }
0xa5: {  	[tilespmem:s19], [sflag:$0x2] =	stream.indirect.gather @!p6 [hbm4b:s5+s16], $0x80, s9, s16, $0xb8;
	[tilespmem:$0x1E800] =	vst v63  }
0xa6: {  	s8 =	sadd.s32 $0x400, s8;
	_ =	swait.ge [sflag:s24], $0x2000  }
0xa7: {  	s14 =	sand.u32 $0x4, s7;
	p3 =	sne.s32 s8, $0xA000;
	[sflag:s24] =	ssyncset.done $0x0  }
0xa8: {  	s30 =	sadd.s32 $0x2980, s31;
	s29 =	rddreg [dreg:$0x6];
	[sflag:s24] =	ssyncadd.s32 $0xFFFFE000  }
0xa9: {  	[spmem:s3] =	stream.indirect.scatter.add.f32 [tilespmem:s29], [sflag:$0x8], $0x80, s30, s21, $0xb8;
	[tilespmem:$0x1E800] =	vst v63  }
.Ltmp2:
0xaa: {  	s13 =	sadd.s32 $0x1, s13;
	s7 =	sadd.s32 $0x4, s7;
	(pc) =	sbr.rel @p3 .LBB2_2-.Ltmp2, $4  }
0xab: {  	s10 =	sshll.u32 s14, $0x7;
	s4 =	sadd.s32 $0x40, s4;
	_ =	swait.ge [sflag:s25], $0x2000  }
0xac: {  	s17 =	sadd.s32 @!p0 $0x180, s17;
	s31 =	smov.u32 s10;
	[sflag:s25] =	ssyncset.done $0x0  }
0xad: {  	s10 =	simm.s32 @!p6 $0x6C00;
	s9 =	simm.s32 @!p0 $0x6C00;
	[sflag:s25] =	ssyncadd.s32 $0xFFFFE000  }
0xae: {  	[tilespmem:s9], [sflag:$0x3] =	stream.indirect.gather @!p0 [hbm4b:s1+s11], $0x80, s17, s11, $0xb8;
	[tilespmem:$0x1E800] =	vst v63  }
0xaf: {  	p0 =	sne.s32 s14, $0x0  }
0xb0: {  	[tilespmem:s10], [sflag:$0x3] =	stream.indirect.gather @!p6 [hbm4b:s5+s16], $0x80, s18, s16, $0xb8;
	[tilespmem:$0x1E800] =	vst v63  }
0xb1: {  	s0 =	simm.s32 @!p0 $0x0;
	s2 =	simm.s32 @!p0 $0x2800;
	s7 =	simm.s32 @!p0 $0x9  }
0xb2: {  	[tilespmem:s2], [sflag:$0x9] =	stream.linear.gather @!p0 [hbm4b:s4+s0], $0x400, $0x38;
	[tilespmem:$0x1E800] =	vst v63  }
0xb3: {  	_ =	swait.ge @!p0 [sflag:s7], $0x400  }
0xb4: {  	[sflag:s7] =	ssyncset.done @!p0 $0x0  }
0xb5: {  	[sflag:s7] =	ssyncadd.s32 @!p0 $0xFFFFFC00  }
0xb6: {  	_ =	swait.ge [sflag:s20], $0x2000  }
0xb7: {  	s18 =	sor.u32 $0x2800, s31;
	p0 =	seq.s32 s12, $0x0;
	[sflag:s20] =	ssyncset.done $0x0  }
0xb8: {  	s0 =	simm.s32 @!p0 $0x8;
	s17 =	rddreg [dreg:$0x4];
	[sflag:s20] =	ssyncadd.s32 $0xFFFFE000  }
0xb9: {  	[spmem:s3] =	stream.indirect.scatter.add.f32 [tilespmem:s17], [sflag:$0x5], $0x80, s18, s21, $0xb8;
	[tilespmem:$0x1E800] =	vst v63  }
0xba: {  	s2 =	sshra.s32 @!p5 s12, $0x2;
	_ =	swait.ge @!p0 [sflag:s0], $0x2000  }
0xbb: {  	s4 =	simm.s32 @!p5 $0x8C00;
	s2 =	sadd.s32 @!p5 $0xC0, s2;
	[sflag:s0] =	ssyncset.done @!p0 $0x0  }
0xbc: {  	s7 =	simm.s32 @!p5 $0x40;
	[sflag:s0] =	ssyncadd.s32 @!p0 $0xFFFFE000;
	s0 =	sshra.s32 @p1 s12, $0x2  }
0xbd: {  	[tilespmem:s4], [sflag:$0x4] =	stream.indirect.gather @!p5 [hbm4b:s1+s7], $0x80, s2, s7, $0xb8;
	[tilespmem:$0x1E800] =	vst v63  }
0xbe: {  	s2 =	simm.s32 @p1 $0x8C00;
	s0 =	sadd.s32 @p1 $0xC0, s0;
	s4 =	simm.s32 @p1 $0x40  }
0xbf: {  	[tilespmem:s2], [sflag:$0x4] =	stream.indirect.gather @p1 [hbm4b:s5+s4], $0x80, s0, s4, $0xb8;
	[tilespmem:$0x1E800] =	vst v63  }
0xc0: {  	_ =	swait.ge [sflag:s22], $0x2000  }
0xc1: {  	[sflag:s22] =	ssyncset.done $0x0  }
0xc2: {  	s26 =	sadd.s32 $0x2880, s31;
	s19 =	rddreg [dreg:$0x5];
	[sflag:s22] =	ssyncadd.s32 $0xFFFFE000  }
0xc3: {  	[spmem:s3] =	stream.indirect.scatter.add.f32 [tilespmem:s19], [sflag:$0x6], $0x80, s26, s21, $0xb8;
	[tilespmem:$0x1E800] =	vst v63  }
0xc4: {  	_ =	swait.ge [sflag:s23], $0x2000  }
0xc5: {  	p3 =	sgt.u32 s13, $0x26;
	[sflag:s23] =	ssyncset.done $0x0  }
0xc6: {  	p2 =	sne.s32 @!p3 s6, $0x0;
	s0 =	simm.s32 @p3 $0x3;
	[sflag:s23] =	ssyncadd.s32 $0xFFFFE000  }
0xc7: {  	s10 =	simm.s32 @!p3 $0x3;
	p2 =	por p2, p3;
	_ =	swait.ge @p3 [sflag:s0], $0x2000  }
0xc8: {  	s7 =	sadd.s32 @p3 $0x2900, s31;
	s2 =	simm.s32 @p3 $0x40;
	[sflag:s0] =	ssyncset.done @p3 $0x0  }
0xc9: {  	s4 =	simm.s32 @p3 $0x6C00;
	[sflag:s0] =	ssyncadd.s32 @p3 $0xFFFFE000;
	s0 =	simm.s32 @p3 $0x6  }
0xca: {  	[spmem:s3] =	stream.indirect.scatter.add.f32 @p3 [tilespmem:s4], [sflag:$0x7], $0x80, s7, s2, $0xb8;
	[tilespmem:$0x1E800] =	vst v63  }
0xcb: {  	s9 =	simm.s32 @!p2 $0x40;
	p0 =	por !p1, p3;
	_ =	swait.ge @p3 [sflag:s0], $0x2000  }
0xcc: {  	s4 =	sshra.s32 @!p2 s12, $0x2;
	s7 =	simm.s32 @!p2 $0x2C00;
	[sflag:s0] =	ssyncset.done @p3 $0x0  }
0xcd: {  	s8 =	sadd.s32 @!p2 $0x100, s4;
	[sflag:s0] =	ssyncadd.s32 @p3 $0xFFFFE000;
	s0 =	sshra.s32 @!p0 s12, $0x2  }
0xce: {  	[tilespmem:s7], [sflag:$0x1] =	stream.indirect.gather @!p2 [hbm4b:s1+s9], $0x80, s8, s9, $0xb8;
	[tilespmem:$0x1E800] =	vst v63  }
0xcf: {  	s2 =	simm.s32 @!p0 $0x2C00;
	s7 =	simm.s32 @!p0 $0x40;
	s8 =	sadd.s32 @!p0 $0x100, s0  }
0xd0: {  	[tilespmem:s2], [sflag:$0x1] =	stream.indirect.gather @!p0 [hbm4b:s5+s7], $0x80, s8, s7, $0xb8;
	[tilespmem:$0x1E800] =	vst v63  }
0xd1: {  	_ =	swait.ge @!p3 [sflag:s10], $0x2000  }
0xd2: {  	s11 =	simm.s32 @!p3 $0x6C00;
	s2 =	sadd.s32 @!p3 $0x2900, s31;
	[sflag:s10] =	ssyncset.done @!p3 $0x0  }
0xd3: {  	s8 =	simm.s32 @!p3 $0x40;
	[sflag:s10] =	ssyncadd.s32 @!p3 $0xFFFFE000;
	s10 =	simm.s32 @!p3 $0x6  }
0xd4: {  	[spmem:s3] =	stream.indirect.scatter.add.f32 @!p3 [tilespmem:s11], [sflag:$0x7], $0x80, s2, s8, $0xb8;
	[tilespmem:$0x1E800] =	vst v63  }
0xd5: {  	_ =	swait.ge @!p3 [sflag:s10], $0x2000  }
0xd6: {  	[sflag:s10] =	ssyncset.done @!p3 $0x0  }
0xd7: {  	s2 =	sadd.s32 @!p2 $0x140, s4;
	s8 =	simm.s32 @!p2 $0x4C00;
	[sflag:s10] =	ssyncadd.s32 @!p3 $0xFFFFE000  }
0xd8: {  	[tilespmem:s8], [sflag:$0x2] =	stream.indirect.gather @!p2 [hbm4b:s1+s9], $0x80, s2, s9, $0xb8;
	[tilespmem:$0x1E800] =	vst v63  }
0xd9: {  	s2 =	sadd.s32 @!p0 $0x140, s0;
	s8 =	simm.s32 @!p0 $0x4C00  }
0xda: {  	[tilespmem:s8], [sflag:$0x2] =	stream.indirect.gather @!p0 [hbm4b:s5+s7], $0x80, s2, s7, $0xb8;
	[tilespmem:$0x1E800] =	vst v63  }
0xdb: {  	_ =	swait.ge [sflag:s24], $0x2000  }
0xdc: {  	[sflag:s24] =	ssyncset.done $0x0  }
0xdd: {  	s29 =	sadd.s32 $0x2980, s31;
	s28 =	rddreg [dreg:$0x6];
	[sflag:s24] =	ssyncadd.s32 $0xFFFFE000  }
0xde: {  	[spmem:s3] =	stream.indirect.scatter.add.f32 [tilespmem:s28], [sflag:$0x8], $0x80, s29, s21, $0xb8;
	[tilespmem:$0x1E800] =	vst v63  }
0xdf: {  	_ =	swait.ge [sflag:s25], $0x2000  }
0xe0: {  	[sflag:s25] =	ssyncset.done $0x0  }
0xe1: {  	s2 =	sadd.s32 @!p2 $0x180, s4;
	s4 =	simm.s32 @!p2 $0x6C00;
	[sflag:s25] =	ssyncadd.s32 $0xFFFFE000  }
0xe2: {  	[tilespmem:s4], [sflag:$0x3] =	stream.indirect.gather @!p2 [hbm4b:s1+s9], $0x80, s2, s9, $0xb8;
	[tilespmem:$0x1E800] =	vst v63  }
0xe3: {  	s30 =	simm.s32 $0x8;
	s0 =	sadd.s32 @!p0 $0x180, s0;
	s2 =	simm.s32 @!p0 $0x6C00  }
0xe4: {  	[tilespmem:s2], [sflag:$0x3] =	stream.indirect.gather @!p0 [hbm4b:s5+s7], $0x80, s0, s7, $0xb8;
	[tilespmem:$0x1E800] =	vst v63  }
0xe5: {  	_ =	swait.ge [sflag:s30], $0x2000  }
0xe6: {  	[sflag:s30] =	ssyncset.done $0x0  }
0xe7: {  	[sflag:s30] =	ssyncadd.s32 $0xFFFFE000  }
0xe8: {  	[bflag:$0x0] =	sbarrier.arrive $0xFFFF  }
0xe9: {  	s31 =	sld [smem:$0x7FB];
	_ =	sdelay $0x2  }
0xea: {  	p0 =	seq.s32 s31, $0x1  }
.Ltmp3:
0xeb: {  	_ = 	snop;
	(pc) =	sbr.rel @!p0 .LBB2_6-.Ltmp3, $1  }
0xec: {  	_ =	sdelay $0x3  }
0xed: {  	s8 =	rddreg [dreg:$0x9]  }
0xee: {  	s0 =	rddreg [dreg:$0xd]  }
.Ltmp4:
0xef: {  	s2 =	rddreg [dreg:$0x12];
	s31 =	simm.s32 $0x9;
	(pc) =	sbr.rel .LBB2_5-.Ltmp4, $4  }
0xf0: {  	[hbm:s0], [sflag:s8] =	dma.local [spmem:s2], $0x2780  }
0xf1: {  	_ =	swait.ge [sflag:s31], $0x2780  }
0xf2: {  	[sflag:s31] =	ssyncset.done $0x0  }
0xf3: {  	p0 =	por $0x0, $0x0;
	s4 =	rddreg [dreg:$0x13];
	[sflag:s31] =	ssyncadd.s32 $0xFFFFD880  }
.LBB2_6:
0xf4: {  	s31 =	sld [smem:$0x7FD];
	_ =	sdelay $0x2  }
0xf5: {  	p2 =	seq.s32 s31, $0x1  }
.Ltmp5:
0xf6: {  	_ = 	snop;
	(pc) =	sbr.rel @p2 .LBB2_7-.Ltmp5, $3  }
0xf7: {  	s0 =	sld [smem:$0x7FC];
	_ =	sdelay $0x1  }
0xf8: {  	s8 =	rddreg [dreg:$0x9]  }
0xf9: {  	s4 =	rddreg [dreg:$0x13];
	p0 =	seq.s32 s0, $0x1  }
.LBB2_5:
0xfa: {  	s0 =	rddreg [dreg:$0x8]  }
0xfb: {  	s2 =	rddreg [dreg:$0xe];
	s0 =	sshrl.u32 @p4 s0, $0x3  }
0xfc: {  	[hbm:s2], [sflag:s8] =	dma.local @p4 [spmem:s0], $0x2780  }
.Ltmp6:
0xfd: {  	_ = 	snop;
	(pc) =	sbr.rel .LBB2_8-.Ltmp6, $4  }
0xfe: {  	s0 =	simm.s32 @p4 $0x9  }
0xff: {  	_ =	swait.ge @p4 [sflag:s0], $0x2780  }
0x100: {  	[sflag:s0] =	ssyncset.done @p4 $0x0  }
0x101: {  	[sflag:s0] =	ssyncadd.s32 @p4 $0xFFFFD880  }
.LBB2_9:
0x102: {  	_ =	sfence.sel $0x180000  }
0x103: {  	[bflag:$0x0] =	sbarrier.arrive $0xFFFF  }
0x104: {  	_ =	strace $0x9000004A  }
0x105: {  	s0 =	stileid.u32;
	[bflag:$0x2] =	sbarrier.arrive $0xFFFF  }
0x106: {  	p0 =	sne.s32 s0, $0x0;
	s0 =	rddreg [dreg:$0x3]  }
0x107: {  	s0 =	sadd.s32 @!p0 $0x100000, s0  }
0x108: {  	[sflag:s0] =	ssyncadd.tile.s32 @!p0 $0x1;
	_ =	shalt  }
.Lfunc_end2:
_tile_overlayer_lowered:
.L_overlay_start_2:
0x109: {  	(tag) =	ssettag $0x2  }
0x10a: {  	s0 =	rddreg [dreg:$0x0];
	s2 =	stileid.u32  }
0x10b: {  	s1 =	rddreg [dreg:$0x1];
	p0 =	sne.s32 s2, $0x0  }
0x10c: {  	s3 =	rddreg [dreg:$0x2];
	[bflag:$0x3] =	sbarrier.arrive $0xFFFF;
	s2 =	simm.s32 @!p0 $0x1C09  }
0x10d: {  	[timem:s3], [sflag:s2] =	dma.local @!p0 [hbm:s0], s1  }
0x10e: {  	s0 =	simm.s32 @!p0 $0x9  }
0x10f: {  	_ =	swait.ge @!p0 [sflag:s0], s1  }
0x110: {  	s1 =	ssub.s32 @!p0 $0x0, s1;
	[sflag:s0] =	ssyncset.done @!p0 $0x0  }
0x111: {  	[sflag:s0] =	ssyncadd.s32 @!p0 s1  }
0x112: {  	[bflag:$0x3] =	sbarrier.arrive $0xFFFF  }
0x113: {  	_ =	shalt  }

// kernel: kernel.7.cloned.1.call-start
scs
__scs_entry_jumppad:
0x0: {  	(pc) =	sbr.rel $0x88, $3  }
0x1: {  	(tag) =	ssettag $0x0;
	lr =	simm.s32 $0x1  }
0x2: {  	[smem:$0x3F97] =	sst lr;
	_ =	strace $0xD0000000  }
0x3: {  	_ = 	snop  }
0x4: {  	_ = 	snop  }
0x5: {  	_ = 	snop  }
0x6: {  	_ = 	snop  }
0x7: {  	_ = 	snop  }
__scs_overlays_trampoline_lowered:
0x8: {  	[smem:$0x3FA6] =	sst s0  }
0x9: {  	[smem:$0x3FA7] =	sst s1  }
0xa: {  	[smem:$0x3FA8] =	sst s2  }
0xb: {  	[smem:$0x3FA9] =	sst s3  }
0xc: {  	[smem:$0x3FAA] =	sst s4  }
0xd: {  	[smem:$0x3FAB] =	sst s5  }
0xe: {  	[smem:$0x3FAC] =	sst s6  }
0xf: {  	[smem:$0x3FAD] =	sst s7  }
0x10: {  	[smem:$0x3FAE] =	sst s8  }
0x11: {  	[smem:$0x3FAF] =	sst s9;
	s0 =	simm.s32 @!p0 $0x0  }
0x12: {  	s1 =	sld [smem:$0x3F95];
	s0 =	simm.s32 @p0 $0x1  }
0x13: {  	[smem:$0x3FB0] =	sst s0;
	s0 =	simm.s32 @!p1 $0x0  }
0x14: {  	s2 =	sld [smem:$0x3F94];
	s0 =	simm.s32 @p1 $0x1  }
0x15: {  	[smem:$0x3FB1] =	sst s0;
	s0 =	simm.s32 @!p2 $0x0  }
0x16: {  	s3 =	sld [smem:$0x3FDB];
	s0 =	simm.s32 @p2 $0x1  }
0x17: {  	s4 =	simm.s32 $0x1BF5;
	[smem:$0x3FB3] =	sst s0  }
0x18: {  	s0 =	sld [smem:$0x3F96];
	_ =	swait.ge [sflag:s4], $0x0  }
0x19: {  	s7 =	sld [smem:$0x3F97]  }
0x1a: {  	s8 =	sadd.s32 $0xFFFFE003, lr  }
0x1b: {  	s9 =	sadd.s32 $0xFFFFFEF7, lr;
	s5 =	simm.s32 $0xFFFFFFFF;
	p2 =	slt.u32 s8, $0xFFFFF086  }
0x1c: {  	p1 =	slt.u32 s9, $0xF7A;
	s5 =	simm.s32 @!p2 $0x0  }
0x1d: {  	s5 =	simm.s32 @p1 $0x1;
	p0 =	seq.s32 s7, s2  }
0x1e: {  	s7 =	smul.u32 @!p0 $0xF7A, s2;
	p2 =	seq.s32 @!p0 s5, $0x0  }
0x1f: {  	s9 =	smul.u32 $0xF7A, s1;
	s8 =	simm.s32 @!p0 $0x1BF5;
	p2 =	por !p2, p0  }
0x20: {  	[sflag:s8] =	ssyncset.s32 @!p0 $0xFFFFF086;
	s6 =	sadd.s32 @!p0 s3, s7;
	s7 =	simm.s32 @!p0 $0x108  }
0x21: {  	s3 =	sadd.s32 s3, s9;
	s6 =	sadd.s32 @!p0 $0x88, s6;
	s7 =	simm.s32 @p2 $0x1082  }
0x22: {  	[simem:s7], [sflag:s8] =	dma.local @!p0 [hbm:s6], $0xF7A  }
0x23: {  	s9 =	sor.u32 $0xD0000000, s2;
	s6 =	simm.s32 $0x108;
	_ =	swait.ge @!p0 [sflag:s8], $0x0  }
0x24: {  	s3 =	sadd.s32 $0x88, s3;
	s6 =	simm.s32 @!p1 $0x1082;
	[sflag:s4] =	ssyncset.s32 $0xFFFFF086  }
0x25: {  	[simem:s6], [sflag:s4] =	dma.local [hbm:s3], $0xF7A  }
0x26: {  	[smem:$0x3F97] =	sst s1;
	(tag) =	ssettag s2;
	_ =	strace s9  }
0x27: {  	s1 =	sld [smem:$0x3FA7]  }
0x28: {  	s2 =	sld [smem:$0x3FA8]  }
0x29: {  	s4 =	sld [smem:$0x3FAA]  }
0x2a: {  	p0 =	seq.s32 s5, $0x0;
	s5 =	sld [smem:$0x3FAB]  }
0x2b: {  	s6 =	sld [smem:$0x3FAC]  }
0x2c: {  	s7 =	sld [smem:$0x3FAD]  }
0x2d: {  	s3 =	simm.s32 $0x108;
	s8 =	sld [smem:$0x3FAE]  }
0x2e: {  	s3 =	simm.s32 @!p0 $0x1082;
	s9 =	sld [smem:$0x3FAF]  }
0x2f: {  	lr =	sadd.s32 s0, s3;
	s0 =	sld [smem:$0x3FA6]  }
0x30: {  	s3 =	sld [smem:$0x3FA9]  }
0x31: {  	[smem:$0x3FB2] =	sst s10  }
0x32: {  	s10 =	sld [smem:$0x3FB0];
	_ =	sdelay $0x3  }
0x33: {  	p0 =	seq.s32 s10, $0x1;
	s10 =	sld [smem:$0x3FB2];
	_ =	sdelay $0x3  }
0x34: {  	[smem:$0x3FB2] =	sst s10  }
0x35: {  	s10 =	sld [smem:$0x3FB1];
	_ =	sdelay $0x3  }
0x36: {  	p1 =	seq.s32 s10, $0x1;
	s10 =	sld [smem:$0x3FB2];
	_ =	sdelay $0x3  }
0x37: {  	[smem:$0x3FB2] =	sst s10  }
0x38: {  	s10 =	sld [smem:$0x3FB3]  }
0x39: {  	_ = 	snop;
	(pc) =	sbr.ind lr, $3  }
0x3a: {  	_ = 	snop  }
0x3b: {  	_ = 	snop  }
0x3c: {  	p2 =	seq.s32 s10, $0x1;
	s10 =	sld [smem:$0x3FB2]  }
0x3d: {  	_ =	shalt  }
0x3e: {  	_ =	shalt  }
0x3f: {  	_ =	shalt  }
0x40: {  	_ =	shalt  }
0x41: {  	_ =	shalt  }
0x42: {  	_ =	shalt  }
0x43: {  	_ =	shalt  }
0x44: {  	_ =	shalt  }
0x45: {  	_ =	shalt  }
0x46: {  	_ =	shalt  }
0x47: {  	_ =	shalt  }
0x48: {  	_ =	shalt  }
0x49: {  	_ =	shalt  }
0x4a: {  	_ =	shalt  }
0x4b: {  	_ =	shalt  }
0x4c: {  	_ =	shalt  }
0x4d: {  	_ =	shalt  }
0x4e: {  	_ =	shalt  }
0x4f: {  	_ =	shalt  }
0x50: {  	_ =	shalt  }
0x51: {  	_ =	shalt  }
0x52: {  	_ =	shalt  }
0x53: {  	_ =	shalt  }
0x54: {  	_ =	shalt  }
0x55: {  	_ =	shalt  }
0x56: {  	_ =	shalt  }
0x57: {  	_ =	shalt  }
0x58: {  	_ =	shalt  }
0x59: {  	_ =	shalt  }
0x5a: {  	_ =	shalt  }
0x5b: {  	_ =	shalt  }
0x5c: {  	_ =	shalt  }
0x5d: {  	_ =	shalt  }
0x5e: {  	_ =	shalt  }
0x5f: {  	_ =	shalt  }
0x60: {  	_ =	shalt  }
0x61: {  	_ =	shalt  }
0x62: {  	_ =	shalt  }
0x63: {  	_ =	shalt  }
0x64: {  	_ =	shalt  }
0x65: {  	_ =	shalt  }
0x66: {  	_ =	shalt  }
0x67: {  	_ =	shalt  }
0x68: {  	_ =	shalt  }
0x69: {  	_ =	shalt  }
0x6a: {  	_ =	shalt  }
0x6b: {  	_ =	shalt  }
0x6c: {  	_ =	shalt  }
0x6d: {  	_ =	shalt  }
0x6e: {  	_ =	shalt  }
0x6f: {  	_ =	shalt  }
0x70: {  	_ =	shalt  }
0x71: {  	_ =	shalt  }
0x72: {  	_ =	shalt  }
0x73: {  	_ =	shalt  }
0x74: {  	_ =	shalt  }
0x75: {  	_ =	shalt  }
0x76: {  	_ =	shalt  }
0x77: {  	_ =	shalt  }
0x78: {  	_ =	shalt  }
0x79: {  	_ =	shalt  }
0x7a: {  	_ =	shalt  }
0x7b: {  	_ =	shalt  }
0x7c: {  	_ =	shalt  }
0x7d: {  	_ =	shalt  }
0x7e: {  	_ =	shalt  }
0x7f: {  	_ =	shalt  }
0x80: {  	_ =	shalt  }
0x81: {  	_ =	shalt  }
0x82: {  	_ =	shalt  }
0x83: {  	_ =	shalt  }
0x84: {  	_ =	shalt  }
0x85: {  	_ =	shalt  }
0x86: {  	_ =	shalt  }
0x87: {  	_ =	shalt  }
.Lfunc_end0:
.L_simem_size_0:
called_computation_lowered:
.L_overlay_start_0:
0x88: {  	s2 =	sld [smem:$0x3FD9]  }
0x89: {  	s3 =	sld [smem:$0x3FFE];
	_ =	sdelay $0x1  }
0x8a: {  	s1 =	srdreg.scid  }
0x8b: {  	s0 =	sand.u32 $0x1, s1  }
0x8c: {  	s17 =	sshll.u32 s0, $0xA;
	s2 =	sadd.s32 s3, s2  }
0x8d: {  	s2 =	sadd.s32 s2, s17  }
0x8e: {  	[smem:$0x3FBE] =	sst s2  }
0x8f: {  	_ = 	snop  }
0x90: {  	s2 =	sld [smem:$0x3FD0];
	(tm) =	ssettm $0x1  }
0x91: {  	s18 =	sld [smem:$0x3FFB];
	_ =	sdelay $0x3  }
0x92: {  	_ =	strace s18  }
0x93: {  	s3 =	sld [smem:$0x3FFC];
	_ =	sdelay $0x3  }
0x94: {  	_ =	strace s3  }
0x95: {  	s3 =	sld [smem:$0x3FFD];
	_ =	sdelay $0x3  }
0x96: {  	_ =	strace s3  }
0x97: {  	_ =	strace $0x8FFFFFFF  }
0x98: {  	s19 =	sld [smem:$0x3FDB];
	_ =	sdelay $0x1  }
0x99: {  	s4 =	simm.s32 $_scs_section_size  }
0x9a: {  	s5 =	simm.s32 $_size__tile_overlayer_lowered;
	s6 =	simm.s32 $_tile_overlayer_lowered  }
0x9b: {  	s22 =	simm.s32 $0x1BFF;
	s21 =	sshll.u32 s6, $0x1;
	s3 =	sadd.s32 s4, s19  }
0x9c: {  	s7 =	simm.s32 $0x0;
	s20 =	sshll.u32 s5, $0x1;
	s5 =	sadd.s32 s21, s3  }
0x9d: {  	[timem:s7], [sflag:s22] =	dma.local [hbm:s5], s20  }
0x9e: {  	_ =	swait.ge [sflag:s22], s20  }
0x9f: {  	s4 =	ssub.s32 $0x0, s20;
	[sflag:s22] =	ssyncset.done $0x0  }
0xa0: {  	[sflag:s22] =	ssyncadd.s32 s4;
	_ =	sdelay $0x1  }
0xa1: {  	s23 =	simm.s32 $0x1B8B  }
0xa2: {  	_ =	swait.ge [sflag:s23], $0x1  }
0xa3: {  	[sflag:s23] =	ssyncset.done $0x0  }
0xa4: {  	s25 =	simm.s32 $0x1B8E;
	s24 =	sld [smem:$0x3FFE];
	[sflag:s23] =	ssyncadd.s32 $0xFFFFFFFF  }
0xa5: {  	s26 =	simm.s32 $execute0_lowered;
	[smem:$0x3FD2] =	sst s25  }
0xa6: {  	s5 =	sshll.u32 s26, $0x1;
	_ =	strace $0x80000046;
	[dreg:$0x1] =	wrdreg $0xFFFFFFFF  }
0xa7: {  	s28 =	simm.s32 $_size_execute0_lowered;
	s3 =	sadd.s32 s3, s5;
	[dreg:$0x0] =	wrdreg $0x0  }
0xa8: {  	s5 =	sshll.u32 s28, $0x1;
	[dreg:$0x2] =	wrdreg s3  }
0xa9: {  	[dreg:$0x3] =	wrdreg s5  }
0xaa: {  	[dreg:$0x4] =	wrdreg $0xC0  }
0xab: {  	_ =	task [dreg:s7], $0x5FFFF  }
0xac: {  	[dreg:$0x1] =	wrdreg $0xFFFFFFFF  }
0xad: {  	[dreg:$0x0] =	wrdreg $0x60  }
0xae: {  	[dreg:$0x2] =	wrdreg s24  }
0xaf: {  	[dreg:$0x3] =	wrdreg s2  }
0xb0: {  	[dreg:$0x4] =	wrdreg $0xAC000  }
0xb1: {  	[dreg:$0x5] =	wrdreg $0x9  }
0xb2: {  	_ =	task.clear_ibuf [dreg:s7], $0x6FFFF;
	_ =	strace $0x90000046  }
0xb3: {  	s29 =	simm.s32 $0x9;
	_ =	strace $0x80000048  }
0xb4: {  	_ =	swait.ge [sflag:s29], $0x1  }
0xb5: {  	[sflag:s29] =	ssyncadd.s32 $0xFFFFFFFF  }
0xb6: {  	_ =	strace $0x90000048  }
0xb7: {  	_ =	sfence  }
0xb8: {  	s30 =	sld [smem:$0x0];
	_ =	sdelay $0x2  }
0xb9: {  	s31 =	sshll.u32 s1, $0xD;
	s1 =	sshrl.u32 s1, $0x2  }
0xba: {  	s3 =	sand.u32 $0x4000, s31;
	s1 =	sadd.s32 s1, s30  }
0xbb: {  	s0 =	sor.u32 s3, s0;
	s1 =	sshll.u32 s1, $0x11  }
0xbc: {  	s0 =	sor.u32 s1, s0  }
0xbd: {  	s0 =	sadd.s32 $0x8F2B, s0  }
0xbe: {  	[sflag:s0] =	ssyncadd.remote.s32 $0x1  }
0xbf: {  	_ =	sfence.sel $0xFFFF  }
0xc0: {  	[dreg:$0x0] =	wrdreg $0xFFFFFFFF;
	(pc) =	sbr.abs _section_cstart, $3  }
0xc1: {  	[dreg:$0x1] =	wrdreg $0xFFFFFFFF  }
0xc2: {  	_ =	task.clear_ibuf [dreg:s7], $0x2FFFF;
	_ =	strace $0x9FFFFFFF  }
0xc3: {  	(tm) =	ssettm $0x7FFFFFFF  }
tec
execute0_lowered:
.L_overlay_start_1:
0x0: {  	(tag) =	ssettag $0x1  }
0x1: {  	s0 =	rddreg [dreg:$0x0]  }
0x2: {  	s1 =	rddreg [dreg:$0x1]  }
0x3: {  	s2 =	rddreg [dreg:$0x2]  }
0x4: {  	s3 =	simm.s32 $0x0;
	s13 =	stileid.u32;
	s6 =	srdreg.scid  }
0x5: {  	s29 =	simm.s32 $0x2C00;
	s30 =	simm.s32 $0x4C00;
	s18 =	smul.u32 $0x500, s13  }
0x6: {  	s31 =	simm.s32 $0x8C00;
	[smem:$0x7FF] =	sst s3;
	s7 =	smul.u32 $0xA00, s13  }
0x7: {  	s4 =	sadd.s32 $0x12000, s0;
	s5 =	sadd.s32 $0x39200, s0;
	s8 =	smul.u32 $0x2780, s13  }
0x8: {  	s6 =	sand.u32 $0x1, s6;
	s9 =	smul.u32 $0x4F000, s13;
	s10 =	sadd.s32 $0x60400, s0  }
0x9: {  	s22 =	sadd.s32 $0x128400, s2;
	_ =	strace $0x80000047;
	[dreg:$0x7] =	wrdreg s10  }
0xa: {  	s21 =	sshll.u32 s13, $0x6;
	s23 =	sadd.s32 $0x25080, s1;
	[dreg:$0xb] =	wrdreg s22  }
0xb: {  	p2 =	sne.s32 s13, $0xF;
	p4 =	seq.s32 s13, $0xF;
	[dreg:$0xc] =	wrdreg s23  }
0xc: {  	s19 =	ssub.s32 $0x2, s6;
	p0 =	seq.s32 s6, $0x0;
	[dreg:$0x4] =	wrdreg s29  }
0xd: {  	p1 =	seq.s32 s6, $0x1;
	p5 =	sne.s32 s6, $0x0;
	[dreg:$0x5] =	wrdreg s30  }
0xe: {  	s22 =	simm.s32 $0x2;
	s23 =	simm.s32 $0x5;
	[dreg:$0x6] =	wrdreg s31  }
0xf: {  	s3 =	sadd.s32 s18, s0;
	s7 =	sadd.s32 s7, s0;
	s11 =	sadd.s32 s8, s0  }
0x10: {  	s12 =	sshrl.u32 s19, $0x1;
	s9 =	sshrl.u32 s9, $0x2;
	p3 =	por !p0, !p2  }
0x11: {  	p0 =	por !p0, !p4;
	p6 =	por !p2, !p1;
	s1 =	sadd.s32 s1, s8  }
0x12: {  	s0 =	sadd.s32 $0x87C80, s0;
	s10 =	ssub.s32 s19, s12;
	[dreg:$0xd] =	wrdreg s1  }
0x13: {  	s20 =	sadd.s32 s9, s2;
	s3 =	sadd.s32 $0xD000, s3;
	[dreg:$0xf] =	wrdreg s0  }
0x14: {  	s9 =	sor.u32 $0x1C09, s21;
	s24 =	sadd.s32 $0x62C00, s11;
	[dreg:$0xa] =	wrdreg s3  }
0x15: {  	p3 =	por !p3, !p3;
	s26 =	sadd.s32 $0x3000, s7;
	[dreg:$0xe] =	wrdreg s24  }
0x16: {  	p0 =	por !p0, !p0;
	s21 =	simm.s32 $0x40;
	[dreg:$0x11] =	wrdreg s26  }
0x17: {  	s3 =	simm.s32 @!p3 $0x0;
	s25 =	smax.u32 s10, $0x1;
	[dreg:$0x8] =	wrdreg s20  }
0x18: {  	s28 =	sshrl.u32 s20, $0x3;
	[dreg:$0x9] =	wrdreg s9;
	s3 =	simm.s32 @p3 $0x1  }
.Ltmp0:
0x19: {  	[smem:$0x7FB] =	sst s3;
	s3 =	simm.s32 @!p4 $0x0;
	(pc) =	sbr.rel .LBB2_1-.Ltmp0, $4  }
0x1a: {  	s20 =	simm.s32 $0x1;
	[dreg:$0x10] =	wrdreg s25;
	s3 =	simm.s32 @p4 $0x1  }
0x1b: {  	s24 =	simm.s32 $0x4;
	[smem:$0x7FC] =	sst s3;
	s3 =	simm.s32 @!p0 $0x0  }
0x1c: {  	[dreg:$0x12] =	wrdreg s28;
	s25 =	simm.s32 $0x7;
	s3 =	simm.s32 @p0 $0x1  }
0x1d: {  	p4 =	por !p6, !p6;
	[smem:$0x7FD] =	sst s3;
	s3 =	simm.s32 $0x0  }
.LBB2_7:
0x1e: {  	s0 =	rddreg [dreg:$0xb]  }
0x1f: {  	s1 =	rddreg [dreg:$0xc];
	s31 =	simm.s32 $0x9;
	s0 =	sshrl.u32 s0, $0x3  }
0x20: {  	[hbm:s1], [sflag:s9] =	dma.local [spmem:s0], $0x2080  }
0x21: {  	_ =	swait.ge [sflag:s31], $0x2080  }
0x22: {  	[sflag:s31] =	ssyncset.done $0x0  }
0x23: {  	p0 =	por $0x1, $0x1;
	[sflag:s31] =	ssyncadd.s32 $0xFFFFDF80  }
.LBB2_8:
0x24: {  	p0 =	por !p0, !p1  }
0x25: {  	s0 =	rddreg [dreg:$0xb];
	p0 =	por !p0, !p0  }
0x26: {  	s1 =	rddreg [dreg:$0xf];
	s0 =	sshrl.u32 @p0 s0, $0x3  }
0x27: {  	[hbm:s1], [sflag:s9] =	dma.local @p0 [spmem:s0], $0x2080  }
0x28: {  	s0 =	simm.s32 @p0 $0x9  }
0x29: {  	_ =	swait.ge @p0 [sflag:s0], $0x2080  }
0x2a: {  	s3 =	sadd.s32 $0x1, s3;
	s31 =	rddreg [dreg:$0x10]  }
0x2b: {  	p2 =	sne.s32 s3, s31  }
.Ltmp1:
0x2c: {  	_ = 	snop;
	(pc) =	sbr.rel @!p2 .LBB2_9-.Ltmp1, $3  }
0x2d: {  	_ =	sdelay $0x1  }
0x2e: {  	[sflag:s0] =	ssyncset.done @p0 $0x0  }
0x2f: {  	[sflag:s0] =	ssyncadd.s32 @p0 $0xFFFFDF80  }
.LBB2_1:
0x30: {  	[dreg:$0x13] =	wrdreg s3  }
0x31: {  	s0 =	rddreg [dreg:$0x7]  }
0x32: {  	s1 =	rddreg [dreg:$0x12];
	s15 =	simm.s32 $0x9  }
0x33: {  	[spmem:s1], [sflag:s9] =	dma.local [hbm:s0], $0x2780  }
0x34: {  	_ =	swait.ge [sflag:s15], $0x2780  }
0x35: {  	[sflag:s15] =	ssyncset.done $0x0  }
0x36: {  	[sflag:s15] =	ssyncadd.s32 $0xFFFFD880  }
0x37: {  	[bflag:$0x0] =	sbarrier.arrive $0xFFFF  }
0x38: {  	s16 =	simm.s32 $0x0;
	s17 =	rddreg [dreg:$0xa]  }
0x39: {  	[tilespmem:s16], [sflag:$0x9] =	stream.linear.gather [hbm4b:s17+s16], $0x2800, $0x38;
	[tilespmem:$0x1E800] =	vst v63  }
0x3a: {  	_ =	swait.ge [sflag:s15], $0x2800  }
0x3b: {  	s8 =	simm.s32 @!p5 $0x40;
	[sflag:s15] =	ssyncset.done $0x0  }
0x3c: {  	s0 =	simm.s32 @!p5 $0x0;
	s1 =	simm.s32 @!p5 $0x2C00;
	[sflag:s15] =	ssyncadd.s32 $0xFFFFD800  }
0x3d: {  	[tilespmem:s1], [sflag:$0x1] =	stream.indirect.gather @!p5 [hbm4b:s4+s8], $0x80, s0, s8, $0xb8;
	[tilespmem:$0x1E800] =	vst v63  }
0x3e: {  	s10 =	simm.s32 @p1 $0x40;
	s0 =	simm.s32 @p1 $0x0;
	s1 =	simm.s32 @p1 $0x2C00  }
0x3f: {  	[tilespmem:s1], [sflag:$0x1] =	stream.indirect.gather @p1 [hbm4b:s5+s10], $0x80, s0, s10, $0xb8;
	[tilespmem:$0x1E800] =	vst v63  }
0x40: {  	s0 =	simm.s32 @!p5 $0x4C00  }
0x41: {  	[tilespmem:s0], [sflag:$0x2] =	stream.indirect.gather @!p5 [hbm4b:s4+s8], $0x80, s8, s8, $0xb8;
	[tilespmem:$0x1E800] =	vst v63  }
0x42: {  	s18 =	sand.u32 $0x4, s16;
	s0 =	simm.s32 @p1 $0x4C00  }
0x43: {  	[tilespmem:s0], [sflag:$0x2] =	stream.indirect.gather @p1 [hbm4b:s5+s10], $0x80, s10, s10, $0xb8;
	[tilespmem:$0x1E800] =	vst v63  }
0x44: {  	p0 =	sne.s32 s18, $0x0;
	s1 =	simm.s32 @!p5 $0x6C00;
	s0 =	simm.s32 @!p5 $0x80  }
0x45: {  	[tilespmem:s1], [sflag:$0x3] =	stream.indirect.gather @!p5 [hbm4b:s4+s8], $0x80, s0, s8, $0xb8;
	[tilespmem:$0x1E800] =	vst v63  }
0x46: {  	s3 =	simm.s32 @!p0 $0x2800;
	s0 =	simm.s32 @p1 $0x80;
	s1 =	simm.s32 @p1 $0x6C00  }
0x47: {  	[tilespmem:s1], [sflag:$0x3] =	stream.indirect.gather @p1 [hbm4b:s5+s10], $0x80, s0, s10, $0xb8;
	[tilespmem:$0x1E800] =	vst v63  }
0x48: {  	s7 =	simm.s32 @!p0 $0x9;
	s9 =	rddreg [dreg:$0x11];
	s1 =	simm.s32 @!p0 $0x0  }
0x49: {  	[tilespmem:s3], [sflag:$0x9] =	stream.linear.gather @!p0 [hbm4b:s9+s1], $0x400, $0x38;
	[tilespmem:$0x1E800] =	vst v63  }
0x4a: {  	_ =	swait.ge @!p0 [sflag:s7], $0x400  }
0x4b: {  	[sflag:s7] =	ssyncset.done @!p0 $0x0  }
0x4c: {  	[sflag:s7] =	ssyncadd.s32 @!p0 $0xFFFFFC00  }
0x4d: {  	s3 =	sshll.u32 s18, $0x7;
	_ =	swait.ge [sflag:s20], $0x2000  }
0x4e: {  	s0 =	sor.u32 $0x2800, s3;
	p0 =	por $0x1, $0x1;
	[sflag:s20] =	ssyncset.done $0x0  }
0x4f: {  	s1 =	simm.s32 @!p0 $0x8;
	s19 =	rddreg [dreg:$0x4];
	[sflag:s20] =	ssyncadd.s32 $0xFFFFE000  }
0x50: {  	[spmem:s2] =	stream.indirect.scatter.add.f32 [tilespmem:s19], [sflag:$0x5], $0x80, s0, s21, $0xb8;
	[tilespmem:$0x1E800] =	vst v63  }
0x51: {  	_ =	swait.ge @!p0 [sflag:s1], $0x2000  }
0x52: {  	[sflag:s1] =	ssyncset.done @!p0 $0x0  }
0x53: {  	s7 =	simm.s32 @!p5 $0xC0;
	s0 =	simm.s32 @!p5 $0x8C00;
	[sflag:s1] =	ssyncadd.s32 @!p0 $0xFFFFE000  }
0x54: {  	[tilespmem:s0], [sflag:$0x4] =	stream.indirect.gather @!p5 [hbm4b:s4+s8], $0x80, s7, s8, $0xb8;
	[tilespmem:$0x1E800] =	vst v63  }
0x55: {  	s1 =	simm.s32 @p1 $0x8C00;
	s7 =	simm.s32 @p1 $0xC0  }
0x56: {  	[tilespmem:s1], [sflag:$0x4] =	stream.indirect.gather @p1 [hbm4b:s5+s10], $0x80, s7, s10, $0xb8;
	[tilespmem:$0x1E800] =	vst v63  }
0x57: {  	_ =	swait.ge [sflag:s22], $0x2000  }
0x58: {  	[sflag:s22] =	ssyncset.done $0x0  }
0x59: {  	s28 =	sadd.s32 $0x2880, s3;
	s26 =	rddreg [dreg:$0x5];
	[sflag:s22] =	ssyncadd.s32 $0xFFFFE000  }
0x5a: {  	[spmem:s2] =	stream.indirect.scatter.add.f32 [tilespmem:s26], [sflag:$0x6], $0x80, s28, s21, $0xb8;
	[tilespmem:$0x1E800] =	vst v63  }
0x5b: {  	_ =	swait.ge [sflag:s23], $0x2000  }
0x5c: {  	p2 =	por $0x0, $0x0;
	[sflag:s23] =	ssyncset.done $0x0  }
0x5d: {  	s7 =	simm.s32 @p2 $0x3;
	[sflag:s23] =	ssyncadd.s32 $0xFFFFE000  }
0x5e: {  	s11 =	sadd.s32 @p2 $0x2900, s3;
	_ =	swait.ge @p2 [sflag:s7], $0x2000  }
0x5f: {  	p0 =	sne.s32 @!p2 s6, $0x0;
	s8 =	simm.s32 @p2 $0x40;
	[sflag:s7] =	ssyncset.done @p2 $0x0  }
0x60: {  	s10 =	simm.s32 @p2 $0x6C00;
	[sflag:s7] =	ssyncadd.s32 @p2 $0xFFFFE000;
	s7 =	simm.s32 @p2 $0x6  }
0x61: {  	[spmem:s2] =	stream.indirect.scatter.add.f32 @p2 [tilespmem:s10], [sflag:$0x7], $0x80, s11, s8, $0xb8;
	[tilespmem:$0x1E800] =	vst v63  }
0x62: {  	p6 =	por !p1, p2;
	p0 =	por p0, p2;
	_ =	swait.ge @p2 [sflag:s7], $0x2000  }
0x63: {  	s16 =	simm.s32 @!p6 $0x40;
	s13 =	simm.s32 @!p0 $0x40;
	[sflag:s7] =	ssyncset.done @p2 $0x0  }
0x64: {  	s10 =	simm.s32 @!p0 $0x2C00;
	s11 =	simm.s32 @!p0 $0x100;
	[sflag:s7] =	ssyncadd.s32 @p2 $0xFFFFE000  }
0x65: {  	[tilespmem:s10], [sflag:$0x1] =	stream.indirect.gather @!p0 [hbm4b:s4+s13], $0x80, s11, s13, $0xb8;
	[tilespmem:$0x1E800] =	vst v63  }
0x66: {  	s8 =	simm.s32 @!p6 $0x2C00;
	s7 =	simm.s32 @!p6 $0x100;
	s10 =	simm.s32 @!p2 $0x3  }
0x67: {  	[tilespmem:s8], [sflag:$0x1] =	stream.indirect.gather @!p6 [hbm4b:s5+s16], $0x80, s7, s16, $0xb8;
	[tilespmem:$0x1E800] =	vst v63  }
0x68: {  	_ =	swait.ge @!p2 [sflag:s10], $0x2000  }
0x69: {  	s11 =	simm.s32 @!p2 $0x6C00;
	s7 =	sadd.s32 @!p2 $0x2900, s3;
	[sflag:s10] =	ssyncset.done @!p2 $0x0  }
0x6a: {  	s8 =	simm.s32 @!p2 $0x40;
	[sflag:s10] =	ssyncadd.s32 @!p2 $0xFFFFE000;
	s10 =	simm.s32 @!p2 $0x6  }
0x6b: {  	[spmem:s2] =	stream.indirect.scatter.add.f32 @!p2 [tilespmem:s11], [sflag:$0x7], $0x80, s7, s8, $0xb8;
	[tilespmem:$0x1E800] =	vst v63  }
0x6c: {  	_ =	swait.ge @!p2 [sflag:s10], $0x2000  }
0x6d: {  	[sflag:s10] =	ssyncset.done @!p2 $0x0  }
0x6e: {  	s7 =	simm.s32 @!p0 $0x140;
	s8 =	simm.s32 @!p0 $0x4C00;
	[sflag:s10] =	ssyncadd.s32 @!p2 $0xFFFFE000  }
0x6f: {  	[tilespmem:s8], [sflag:$0x2] =	stream.indirect.gather @!p0 [hbm4b:s4+s13], $0x80, s7, s13, $0xb8;
	[tilespmem:$0x1E800] =	vst v63  }
0x70: {  	s7 =	simm.s32 @!p6 $0x140;
	s8 =	simm.s32 @!p6 $0x4C00  }
0x71: {  	[tilespmem:s8], [sflag:$0x2] =	stream.indirect.gather @!p6 [hbm4b:s5+s16], $0x80, s7, s16, $0xb8;
	[tilespmem:$0x1E800] =	vst v63  }
0x72: {  	s30 =	simm.s32 $0x4;
	_ =	swait.ge [sflag:s24], $0x2000  }
0x73: {  	s12 =	simm.s32 $0x400;
	s14 =	sand.u32 $0x4, s30;
	[sflag:s24] =	ssyncset.done $0x0  }
0x74: {  	s3 =	sadd.s32 $0x2980, s3;
	s29 =	rddreg [dreg:$0x6];
	[sflag:s24] =	ssyncadd.s32 $0xFFFFE000  }
0x75: {  	[spmem:s2] =	stream.indirect.scatter.add.f32 [tilespmem:s29], [sflag:$0x8], $0x80, s3, s21, $0xb8;
	[tilespmem:$0x1E800] =	vst v63  }
0x76: {  	s31 =	sshll.u32 s14, $0x7;
	s18 =	simm.s32 @!p6 $0x180;
	_ =	swait.ge [sflag:s25], $0x2000  }
0x77: {  	s10 =	simm.s32 @!p6 $0x6C00;
	s8 =	simm.s32 $0x800;
	[sflag:s25] =	ssyncset.done $0x0  }
0x78: {  	s7 =	simm.s32 @!p0 $0x6C00;
	s3 =	simm.s32 @!p0 $0x180;
	[sflag:s25] =	ssyncadd.s32 $0xFFFFE000  }
0x79: {  	[tilespmem:s7], [sflag:$0x3] =	stream.indirect.gather @!p0 [hbm4b:s4+s13], $0x80, s3, s13, $0xb8;
	[tilespmem:$0x1E800] =	vst v63  }
0x7a: {  	s3 =	sadd.s32 $0x40, s9;
	s13 =	simm.s32 $0x1;
	s7 =	simm.s32 $0x8  }
.LBB2_2:
0x7b: {  	p0 =	sne.s32 s14, $0x0  }
0x7c: {  	[tilespmem:s10], [sflag:$0x3] =	stream.indirect.gather @!p6 [hbm4b:s5+s16], $0x80, s18, s16, $0xb8;
	[tilespmem:$0x1E800] =	vst v63  }
0x7d: {  	s10 =	simm.s32 @!p0 $0x0;
	s11 =	simm.s32 @!p0 $0x2800;
	s16 =	simm.s32 @!p0 $0x9  }
0x7e: {  	[tilespmem:s11], [sflag:$0x9] =	stream.linear.gather @!p0 [hbm4b:s3+s10], $0x400, $0x38;
	[tilespmem:$0x1E800] =	vst v63  }
0x7f: {  	_ =	swait.ge @!p0 [sflag:s16], $0x400  }
0x80: {  	[sflag:s16] =	ssyncset.done @!p0 $0x0  }
0x81: {  	[sflag:s16] =	ssyncadd.s32 @!p0 $0xFFFFFC00  }
0x82: {  	_ =	swait.ge [sflag:s20], $0x2000  }
0x83: {  	s19 =	sor.u32 $0x2800, s31;
	p0 =	seq.s32 s12, $0x0;
	[sflag:s20] =	ssyncset.done $0x0  }
0x84: {  	s11 =	simm.s32 @!p0 $0x8;
	s18 =	rddreg [dreg:$0x4];
	[sflag:s20] =	ssyncadd.s32 $0xFFFFE000  }
0x85: {  	[spmem:s2] =	stream.indirect.scatter.add.f32 [tilespmem:s18], [sflag:$0x5], $0x80, s19, s21, $0xb8;
	[tilespmem:$0x1E800] =	vst v63  }
0x86: {  	_ =	swait.ge @!p0 [sflag:s11], $0x2000  }
0x87: {  	s9 =	simm.s32 @!p5 $0x40;
	s16 =	sshra.s32 @!p5 s12, $0x2;
	[sflag:s11] =	ssyncset.done @!p0 $0x0  }
0x88: {  	s16 =	sadd.s32 @!p5 $0xC0, s16;
	[sflag:s11] =	ssyncadd.s32 @!p0 $0xFFFFE000;
	s11 =	sshra.s32 @p1 s12, $0x2  }
0x89: {  	[tilespmem:s0], [sflag:$0x4] =	stream.indirect.gather @!p5 [hbm4b:s4+s9], $0x80, s16, s9, $0xb8;
	[tilespmem:$0x1E800] =	vst v63  }
0x8a: {  	s11 =	sadd.s32 @p1 $0xC0, s11;
	s9 =	simm.s32 @p1 $0x40  }
0x8b: {  	[tilespmem:s1], [sflag:$0x4] =	stream.indirect.gather @p1 [hbm4b:s5+s9], $0x80, s11, s9, $0xb8;
	[tilespmem:$0x1E800] =	vst v63  }
0x8c: {  	_ =	swait.ge [sflag:s22], $0x2000  }
0x8d: {  	[sflag:s22] =	ssyncset.done $0x0  }
0x8e: {  	s28 =	sadd.s32 $0x2880, s31;
	s26 =	rddreg [dreg:$0x5];
	[sflag:s22] =	ssyncadd.s32 $0xFFFFE000  }
0x8f: {  	[spmem:s2] =	stream.indirect.scatter.add.f32 [tilespmem:s26], [sflag:$0x6], $0x80, s28, s21, $0xb8;
	[tilespmem:$0x1E800] =	vst v63  }
0x90: {  	_ =	swait.ge [sflag:s23], $0x2000  }
0x91: {  	p2 =	sgt.u32 s13, $0x26;
	[sflag:s23] =	ssyncset.done $0x0  }
0x92: {  	p6 =	por !p1, p2;
	s11 =	simm.s32 @p2 $0x3;
	[sflag:s23] =	ssyncadd.s32 $0xFFFFE000  }
0x93: {  	s17 =	sadd.s32 @p2 $0x2900, s31;
	s18 =	simm.s32 @p2 $0x6C00;
	_ =	swait.ge @p2 [sflag:s11], $0x2000  }
0x94: {  	s19 =	simm.s32 @p2 $0x6;
	p0 =	sne.s32 @!p2 s6, $0x0;
	[sflag:s11] =	ssyncset.done @p2 $0x0  }
0x95: {  	s16 =	simm.s32 @p2 $0x40;
	p0 =	por p0, p2;
	[sflag:s11] =	ssyncadd.s32 @p2 $0xFFFFE000  }
0x96: {  	[spmem:s2] =	stream.indirect.scatter.add.f32 @p2 [tilespmem:s18], [sflag:$0x7], $0x80, s17, s16, $0xb8;
	[tilespmem:$0x1E800] =	vst v63  }
0x97: {  	s9 =	simm.s32 @!p6 $0x2C00;
	s11 =	simm.s32 @!p0 $0x40;
	_ =	swait.ge @p2 [sflag:s19], $0x2000  }
0x98: {  	s17 =	sshra.s32 @!p0 s12, $0x2;
	s18 =	simm.s32 @!p0 $0x2C00;
	[sflag:s19] =	ssyncset.done @p2 $0x0  }
0x99: {  	s12 =	sshra.s32 @!p6 s12, $0x2;
	s28 =	sadd.s32 @!p0 $0x100, s17;
	[sflag:s19] =	ssyncadd.s32 @p2 $0xFFFFE000  }
0x9a: {  	[tilespmem:s18], [sflag:$0x1] =	stream.indirect.gather @!p0 [hbm4b:s4+s11], $0x80, s28, s11, $0xb8;
	[tilespmem:$0x1E800] =	vst v63  }
0x9b: {  	s16 =	simm.s32 @!p6 $0x40;
	s19 =	simm.s32 @!p2 $0x3;
	s18 =	sadd.s32 @!p6 $0x100, s12  }
0x9c: {  	[tilespmem:s9], [sflag:$0x1] =	stream.indirect.gather @!p6 [hbm4b:s5+s16], $0x80, s18, s16, $0xb8;
	[tilespmem:$0x1E800] =	vst v63  }
0x9d: {  	_ =	swait.ge @!p2 [sflag:s19], $0x2000  }
0x9e: {  	s29 =	simm.s32 @!p2 $0x40;
	s30 =	simm.s32 @!p2 $0x6C00;
	[sflag:s19] =	ssyncset.done @!p2 $0x0  }
0x9f: {  	s26 =	sadd.s32 @!p2 $0x2900, s31;
	[sflag:s19] =	ssyncadd.s32 @!p2 $0xFFFFE000;
	s19 =	simm.s32 @!p2 $0x6  }
0xa0: {  	[spmem:s2] =	stream.indirect.scatter.add.f32 @!p2 [tilespmem:s30], [sflag:$0x7], $0x80, s26, s29, $0xb8;
	[tilespmem:$0x1E800] =	vst v63  }
0xa1: {  	s15 =	smov.u32 s8;
	s28 =	sadd.s32 @!p0 $0x140, s17;
	_ =	swait.ge @!p2 [sflag:s19], $0x2000  }
0xa2: {  	s9 =	sadd.s32 @!p6 $0x140, s12;
	s18 =	sadd.s32 @!p6 $0x180, s12;
	[sflag:s19] =	ssyncset.done @!p2 $0x0  }
0xa3: {  	s12 =	smov.u32 s15;
	s15 =	simm.s32 @!p0 $0x4C00;
	[sflag:s19] =	ssyncadd.s32 @!p2 $0xFFFFE000  }
0xa4: {  	[tilespmem:s15], [sflag:$0x2] =	stream.indirect.gather @!p0 [hbm4b:s4+s11], $0x80, s28, s11, $0xb8;
	[tilespmem:$0x1E800] =	vst v63  }
0xa5: {  	s19 =	simm.s32 @!p6 $0x4C00  }
0xa6: {  	[tilespmem:s19], [sflag:$0x2] =	stream.indirect.gather @!p6 [hbm4b:s5+s16], $0x80, s9, s16, $0xb8;
	[tilespmem:$0x1E800] =	vst v63  }
0xa7: {  	s8 =	sadd.s32 $0x400, s8;
	_ =	swait.ge [sflag:s24], $0x2000  }
0xa8: {  	s14 =	sand.u32 $0x4, s7;
	p3 =	sne.s32 s8, $0xA000;
	[sflag:s24] =	ssyncset.done $0x0  }
0xa9: {  	s30 =	sadd.s32 $0x2980, s31;
	s29 =	rddreg [dreg:$0x6];
	[sflag:s24] =	ssyncadd.s32 $0xFFFFE000  }
0xaa: {  	[spmem:s2] =	stream.indirect.scatter.add.f32 [tilespmem:s29], [sflag:$0x8], $0x80, s30, s21, $0xb8;
	[tilespmem:$0x1E800] =	vst v63  }
.Ltmp2:
0xab: {  	s13 =	sadd.s32 $0x1, s13;
	s7 =	sadd.s32 $0x4, s7;
	(pc) =	sbr.rel @p3 .LBB2_2-.Ltmp2, $4  }
0xac: {  	s10 =	sshll.u32 s14, $0x7;
	s3 =	sadd.s32 $0x40, s3;
	_ =	swait.ge [sflag:s25], $0x2000  }
0xad: {  	s17 =	sadd.s32 @!p0 $0x180, s17;
	s31 =	smov.u32 s10;
	[sflag:s25] =	ssyncset.done $0x0  }
0xae: {  	s10 =	simm.s32 @!p6 $0x6C00;
	s9 =	simm.s32 @!p0 $0x6C00;
	[sflag:s25] =	ssyncadd.s32 $0xFFFFE000  }
0xaf: {  	[tilespmem:s9], [sflag:$0x3] =	stream.indirect.gather @!p0 [hbm4b:s4+s11], $0x80, s17, s11, $0xb8;
	[tilespmem:$0x1E800] =	vst v63  }
0xb0: {  	p0 =	sne.s32 s14, $0x0  }
0xb1: {  	[tilespmem:s10], [sflag:$0x3] =	stream.indirect.gather @!p6 [hbm4b:s5+s16], $0x80, s18, s16, $0xb8;
	[tilespmem:$0x1E800] =	vst v63  }
0xb2: {  	s0 =	simm.s32 @!p0 $0x0;
	s1 =	simm.s32 @!p0 $0x2800;
	s7 =	simm.s32 @!p0 $0x9  }
0xb3: {  	[tilespmem:s1], [sflag:$0x9] =	stream.linear.gather @!p0 [hbm4b:s3+s0], $0x400, $0x38;
	[tilespmem:$0x1E800] =	vst v63  }
0xb4: {  	_ =	swait.ge @!p0 [sflag:s7], $0x400  }
0xb5: {  	[sflag:s7] =	ssyncset.done @!p0 $0x0  }
0xb6: {  	[sflag:s7] =	ssyncadd.s32 @!p0 $0xFFFFFC00  }
0xb7: {  	_ =	swait.ge [sflag:s20], $0x2000  }
0xb8: {  	s18 =	sor.u32 $0x2800, s31;
	p0 =	seq.s32 s12, $0x0;
	[sflag:s20] =	ssyncset.done $0x0  }
0xb9: {  	s0 =	simm.s32 @!p0 $0x8;
	s17 =	rddreg [dreg:$0x4];
	[sflag:s20] =	ssyncadd.s32 $0xFFFFE000  }
0xba: {  	[spmem:s2] =	stream.indirect.scatter.add.f32 [tilespmem:s17], [sflag:$0x5], $0x80, s18, s21, $0xb8;
	[tilespmem:$0x1E800] =	vst v63  }
0xbb: {  	s1 =	sshra.s32 @!p5 s12, $0x2;
	_ =	swait.ge @!p0 [sflag:s0], $0x2000  }
0xbc: {  	s3 =	simm.s32 @!p5 $0x8C00;
	s1 =	sadd.s32 @!p5 $0xC0, s1;
	[sflag:s0] =	ssyncset.done @!p0 $0x0  }
0xbd: {  	s7 =	simm.s32 @!p5 $0x40;
	[sflag:s0] =	ssyncadd.s32 @!p0 $0xFFFFE000;
	s0 =	sshra.s32 @p1 s12, $0x2  }
0xbe: {  	[tilespmem:s3], [sflag:$0x4] =	stream.indirect.gather @!p5 [hbm4b:s4+s7], $0x80, s1, s7, $0xb8;
	[tilespmem:$0x1E800] =	vst v63  }
0xbf: {  	s1 =	simm.s32 @p1 $0x8C00;
	s0 =	sadd.s32 @p1 $0xC0, s0;
	s3 =	simm.s32 @p1 $0x40  }
0xc0: {  	[tilespmem:s1], [sflag:$0x4] =	stream.indirect.gather @p1 [hbm4b:s5+s3], $0x80, s0, s3, $0xb8;
	[tilespmem:$0x1E800] =	vst v63  }
0xc1: {  	_ =	swait.ge [sflag:s22], $0x2000  }
0xc2: {  	[sflag:s22] =	ssyncset.done $0x0  }
0xc3: {  	s26 =	sadd.s32 $0x2880, s31;
	s19 =	rddreg [dreg:$0x5];
	[sflag:s22] =	ssyncadd.s32 $0xFFFFE000  }
0xc4: {  	[spmem:s2] =	stream.indirect.scatter.add.f32 [tilespmem:s19], [sflag:$0x6], $0x80, s26, s21, $0xb8;
	[tilespmem:$0x1E800] =	vst v63  }
0xc5: {  	_ =	swait.ge [sflag:s23], $0x2000  }
0xc6: {  	p3 =	sgt.u32 s13, $0x26;
	[sflag:s23] =	ssyncset.done $0x0  }
0xc7: {  	p2 =	sne.s32 @!p3 s6, $0x0;
	s0 =	simm.s32 @p3 $0x3;
	[sflag:s23] =	ssyncadd.s32 $0xFFFFE000  }
0xc8: {  	s10 =	simm.s32 @!p3 $0x3;
	p2 =	por p2, p3;
	_ =	swait.ge @p3 [sflag:s0], $0x2000  }
0xc9: {  	s7 =	sadd.s32 @p3 $0x2900, s31;
	s1 =	simm.s32 @p3 $0x40;
	[sflag:s0] =	ssyncset.done @p3 $0x0  }
0xca: {  	s3 =	simm.s32 @p3 $0x6C00;
	[sflag:s0] =	ssyncadd.s32 @p3 $0xFFFFE000;
	s0 =	simm.s32 @p3 $0x6  }
0xcb: {  	[spmem:s2] =	stream.indirect.scatter.add.f32 @p3 [tilespmem:s3], [sflag:$0x7], $0x80, s7, s1, $0xb8;
	[tilespmem:$0x1E800] =	vst v63  }
0xcc: {  	s9 =	simm.s32 @!p2 $0x40;
	p0 =	por !p1, p3;
	_ =	swait.ge @p3 [sflag:s0], $0x2000  }
0xcd: {  	s3 =	sshra.s32 @!p2 s12, $0x2;
	s7 =	simm.s32 @!p2 $0x2C00;
	[sflag:s0] =	ssyncset.done @p3 $0x0  }
0xce: {  	s8 =	sadd.s32 @!p2 $0x100, s3;
	[sflag:s0] =	ssyncadd.s32 @p3 $0xFFFFE000;
	s0 =	sshra.s32 @!p0 s12, $0x2  }
0xcf: {  	[tilespmem:s7], [sflag:$0x1] =	stream.indirect.gather @!p2 [hbm4b:s4+s9], $0x80, s8, s9, $0xb8;
	[tilespmem:$0x1E800] =	vst v63  }
0xd0: {  	s1 =	simm.s32 @!p0 $0x2C00;
	s7 =	simm.s32 @!p0 $0x40;
	s8 =	sadd.s32 @!p0 $0x100, s0  }
0xd1: {  	[tilespmem:s1], [sflag:$0x1] =	stream.indirect.gather @!p0 [hbm4b:s5+s7], $0x80, s8, s7, $0xb8;
	[tilespmem:$0x1E800] =	vst v63  }
0xd2: {  	_ =	swait.ge @!p3 [sflag:s10], $0x2000  }
0xd3: {  	s11 =	simm.s32 @!p3 $0x6C00;
	s1 =	sadd.s32 @!p3 $0x2900, s31;
	[sflag:s10] =	ssyncset.done @!p3 $0x0  }
0xd4: {  	s8 =	simm.s32 @!p3 $0x40;
	[sflag:s10] =	ssyncadd.s32 @!p3 $0xFFFFE000;
	s10 =	simm.s32 @!p3 $0x6  }
0xd5: {  	[spmem:s2] =	stream.indirect.scatter.add.f32 @!p3 [tilespmem:s11], [sflag:$0x7], $0x80, s1, s8, $0xb8;
	[tilespmem:$0x1E800] =	vst v63  }
0xd6: {  	_ =	swait.ge @!p3 [sflag:s10], $0x2000  }
0xd7: {  	[sflag:s10] =	ssyncset.done @!p3 $0x0  }
0xd8: {  	s1 =	sadd.s32 @!p2 $0x140, s3;
	s8 =	simm.s32 @!p2 $0x4C00;
	[sflag:s10] =	ssyncadd.s32 @!p3 $0xFFFFE000  }
0xd9: {  	[tilespmem:s8], [sflag:$0x2] =	stream.indirect.gather @!p2 [hbm4b:s4+s9], $0x80, s1, s9, $0xb8;
	[tilespmem:$0x1E800] =	vst v63  }
0xda: {  	s1 =	sadd.s32 @!p0 $0x140, s0;
	s8 =	simm.s32 @!p0 $0x4C00  }
0xdb: {  	[tilespmem:s8], [sflag:$0x2] =	stream.indirect.gather @!p0 [hbm4b:s5+s7], $0x80, s1, s7, $0xb8;
	[tilespmem:$0x1E800] =	vst v63  }
0xdc: {  	_ =	swait.ge [sflag:s24], $0x2000  }
0xdd: {  	[sflag:s24] =	ssyncset.done $0x0  }
0xde: {  	s29 =	sadd.s32 $0x2980, s31;
	s28 =	rddreg [dreg:$0x6];
	[sflag:s24] =	ssyncadd.s32 $0xFFFFE000  }
0xdf: {  	[spmem:s2] =	stream.indirect.scatter.add.f32 [tilespmem:s28], [sflag:$0x8], $0x80, s29, s21, $0xb8;
	[tilespmem:$0x1E800] =	vst v63  }
0xe0: {  	_ =	swait.ge [sflag:s25], $0x2000  }
0xe1: {  	[sflag:s25] =	ssyncset.done $0x0  }
0xe2: {  	s1 =	sadd.s32 @!p2 $0x180, s3;
	s3 =	simm.s32 @!p2 $0x6C00;
	[sflag:s25] =	ssyncadd.s32 $0xFFFFE000  }
0xe3: {  	[tilespmem:s3], [sflag:$0x3] =	stream.indirect.gather @!p2 [hbm4b:s4+s9], $0x80, s1, s9, $0xb8;
	[tilespmem:$0x1E800] =	vst v63  }
0xe4: {  	s30 =	simm.s32 $0x8;
	s0 =	sadd.s32 @!p0 $0x180, s0;
	s1 =	simm.s32 @!p0 $0x6C00  }
0xe5: {  	[tilespmem:s1], [sflag:$0x3] =	stream.indirect.gather @!p0 [hbm4b:s5+s7], $0x80, s0, s7, $0xb8;
	[tilespmem:$0x1E800] =	vst v63  }
0xe6: {  	_ =	swait.ge [sflag:s30], $0x2000  }
0xe7: {  	[sflag:s30] =	ssyncset.done $0x0  }
0xe8: {  	[sflag:s30] =	ssyncadd.s32 $0xFFFFE000  }
0xe9: {  	[bflag:$0x0] =	sbarrier.arrive $0xFFFF  }
0xea: {  	s31 =	sld [smem:$0x7FB];
	_ =	sdelay $0x2  }
0xeb: {  	p0 =	seq.s32 s31, $0x1  }
.Ltmp3:
0xec: {  	_ = 	snop;
	(pc) =	sbr.rel @!p0 .LBB2_6-.Ltmp3, $1  }
0xed: {  	_ =	sdelay $0x3  }
0xee: {  	s9 =	rddreg [dreg:$0x9]  }
0xef: {  	s0 =	rddreg [dreg:$0xd]  }
.Ltmp4:
0xf0: {  	s1 =	rddreg [dreg:$0x12];
	s31 =	simm.s32 $0x9;
	(pc) =	sbr.rel .LBB2_5-.Ltmp4, $4  }
0xf1: {  	[hbm:s0], [sflag:s9] =	dma.local [spmem:s1], $0x2780  }
0xf2: {  	_ =	swait.ge [sflag:s31], $0x2780  }
0xf3: {  	[sflag:s31] =	ssyncset.done $0x0  }
0xf4: {  	p0 =	por $0x0, $0x0;
	s3 =	rddreg [dreg:$0x13];
	[sflag:s31] =	ssyncadd.s32 $0xFFFFD880  }
.LBB2_6:
0xf5: {  	s31 =	sld [smem:$0x7FD];
	_ =	sdelay $0x2  }
0xf6: {  	p2 =	seq.s32 s31, $0x1  }
.Ltmp5:
0xf7: {  	_ = 	snop;
	(pc) =	sbr.rel @p2 .LBB2_7-.Ltmp5, $3  }
0xf8: {  	s0 =	sld [smem:$0x7FC];
	_ =	sdelay $0x1  }
0xf9: {  	s9 =	rddreg [dreg:$0x9]  }
0xfa: {  	s3 =	rddreg [dreg:$0x13];
	p0 =	seq.s32 s0, $0x1  }
.LBB2_5:
0xfb: {  	s0 =	rddreg [dreg:$0x8]  }
0xfc: {  	s1 =	rddreg [dreg:$0xe];
	s0 =	sshrl.u32 @p4 s0, $0x3  }
0xfd: {  	[hbm:s1], [sflag:s9] =	dma.local @p4 [spmem:s0], $0x2780  }
.Ltmp6:
0xfe: {  	_ = 	snop;
	(pc) =	sbr.rel .LBB2_8-.Ltmp6, $4  }
0xff: {  	s0 =	simm.s32 @p4 $0x9  }
0x100: {  	_ =	swait.ge @p4 [sflag:s0], $0x2780  }
0x101: {  	[sflag:s0] =	ssyncset.done @p4 $0x0  }
0x102: {  	[sflag:s0] =	ssyncadd.s32 @p4 $0xFFFFD880  }
.LBB2_9:
0x103: {  	_ =	sfence.sel $0x180000  }
0x104: {  	[bflag:$0x0] =	sbarrier.arrive $0xFFFF  }
0x105: {  	_ =	strace $0x90000047  }
0x106: {  	s0 =	stileid.u32;
	[bflag:$0x2] =	sbarrier.arrive $0xFFFF  }
0x107: {  	p0 =	sne.s32 s0, $0x0;
	s0 =	rddreg [dreg:$0x3]  }
0x108: {  	s0 =	sadd.s32 @!p0 $0x100000, s0  }
0x109: {  	[sflag:s0] =	ssyncadd.tile.s32 @!p0 $0x1;
	_ =	shalt  }
.Lfunc_end2:
_tile_overlayer_lowered:
.L_overlay_start_2:
0x10a: {  	(tag) =	ssettag $0x2  }
0x10b: {  	s0 =	rddreg [dreg:$0x0];
	s2 =	stileid.u32  }
0x10c: {  	s1 =	rddreg [dreg:$0x1];
	p0 =	sne.s32 s2, $0x0  }
0x10d: {  	s3 =	rddreg [dreg:$0x2];
	[bflag:$0x3] =	sbarrier.arrive $0xFFFF;
	s2 =	simm.s32 @!p0 $0x1C09  }
0x10e: {  	[timem:s3], [sflag:s2] =	dma.local @!p0 [hbm:s0], s1  }
0x10f: {  	s0 =	simm.s32 @!p0 $0x9  }
0x110: {  	_ =	swait.ge @!p0 [sflag:s0], s1  }
0x111: {  	s1 =	ssub.s32 @!p0 $0x0, s1;
	[sflag:s0] =	ssyncset.done @!p0 $0x0  }
0x112: {  	[sflag:s0] =	ssyncadd.s32 @!p0 s1  }
0x113: {  	[bflag:$0x3] =	sbarrier.arrive $0xFFFF  }
0x114: {  	_ =	shalt  }

</sc_bundles>
